<compile_context>
chip_gen: v7x
topology: tpu7x:2x2x1
jax: 0.10.2.dev20260603
libtpu: 0.0.44.dev20260713+nightly
codegen_flags: <defaults>
</compile_context>

<pallas_src>
import functools

import jax
import jax.numpy as jnp
from jax import lax
from jax.experimental import pallas as pl
from jax.experimental.pallas import tpu as pltpu
from jax.experimental.pallas import tpu_sc as plsc

N = 10000
E = 160000
H = 256
HH = 128
G = 64
V = 28
L = 4

NC = 2
NS = 16
NW = NC * NS

DEG_CH = 125
DEG_NCH = E // NW // DEG_CH

AGG_EPT = E // NS
CH = 125
NCHUNK = AGG_EPT // CH
NBUF = 2
GRP = 8
NG = NCHUNK // GRP
SLAB = 624
TAIL0 = NS * SLAB
TAILN = N - TAIL0

_mesh = plsc.VectorSubcoreMesh(core_axis_name="c", subcore_axis_name="s")
_sc_params = pltpu.CompilerParams(needs_layout_passes=False)


@functools.partial(
    pl.kernel,
    mesh=_mesh,
    out_type=jax.ShapeDtypeStruct((NC, N, HH), jnp.float32),
    scratch_types=[
        pltpu.VMEM((DEG_NCH, DEG_CH), jnp.int32),
        pltpu.VMEM((DEG_CH, HH), jnp.float32),
        pltpu.VMEM_SHARED((N, HH), jnp.float32),
        pltpu.SemaphoreType.DMA,
    ],
    compiler_params=_sc_params,
)
def _deg_kernel(col_hbm, ones_hbm, zeros_hbm, out_hbm, colv, onesv, acc, sem):
    c = lax.axis_index("c")
    s = lax.axis_index("s")
    r0 = s * SLAB
    pltpu.sync_copy(zeros_hbm.at[pl.ds(r0, SLAB)], acc.at[pl.ds(r0, SLAB)])

    @pl.when(s == NS - 1)
    def _():
        pltpu.sync_copy(zeros_hbm.at[pl.ds(TAIL0, TAILN)],
                        acc.at[pl.ds(TAIL0, TAILN)])

    pltpu.sync_copy(col_hbm.at[c, s], colv)
    pltpu.sync_copy(ones_hbm, onesv)
    plsc.subcore_barrier()

    def fire(j, carry):
        pltpu.sync_copy(onesv, acc.at[colv.at[j]], add=True)
        return carry

    lax.fori_loop(0, DEG_NCH, fire, 0)
    plsc.subcore_barrier()
    pltpu.sync_copy(acc.at[pl.ds(r0, SLAB)], out_hbm.at[c, pl.ds(r0, SLAB)])

    @pl.when(s == NS - 1)
    def _():
        pltpu.sync_copy(acc.at[pl.ds(TAIL0, TAILN)],
                        out_hbm.at[c, pl.ds(TAIL0, TAILN)])


@functools.partial(
    pl.kernel,
    mesh=_mesh,
    out_type=jax.ShapeDtypeStruct((NC, N, HH), jnp.float32),
    scratch_types=[
        pltpu.VMEM((NCHUNK, CH), jnp.int32),
        pltpu.VMEM((NCHUNK, CH), jnp.int32),
        pltpu.VMEM((1, CH, HH), jnp.float32),
        pltpu.VMEM_SHARED((N, HH), jnp.float32),
        pltpu.SemaphoreType.DMA,
        pltpu.SemaphoreType.DMA,
        pltpu.SemaphoreType.DMA,
        pltpu.SemaphoreType.DMA,
    ],
    compiler_params=_sc_params,
)
def _agg_kernel(row_hbm, col_hbm, t_hbm, zeros_hbm, out_hbm, rowg, colg, gbuf,
                acc, si0, si1, sg0, sg1):
    c = lax.axis_index("c")
    s = lax.axis_index("s")
    r0 = s * SLAB
    si = (si0, si1)
    sg = (sg0, sg1)
    pltpu.sync_copy(zeros_hbm.at[pl.ds(r0, SLAB)], acc.at[pl.ds(r0, SLAB)])

    @pl.when(s == NS - 1)
    def _():
        pltpu.sync_copy(zeros_hbm.at[pl.ds(TAIL0, TAILN)],
                        acc.at[pl.ds(TAIL0, TAILN)])

    pltpu.sync_copy(row_hbm.at[c, s], rowg)
    pltpu.sync_copy(col_hbm.at[s], colg)
    plsc.subcore_barrier()

    def oldbody(j, carry):
        pltpu.sync_copy(t_hbm.at[rowg.at[j]], gbuf.at[0])
        pltpu.sync_copy(gbuf.at[0], acc.at[colg.at[j]], add=True)
        return carry

    lax.fori_loop(0, NCHUNK, oldbody, 0)
    plsc.subcore_barrier()
    pltpu.sync_copy(acc.at[pl.ds(r0, SLAB)], out_hbm.at[c, pl.ds(r0, SLAB)])

    @pl.when(s == NS - 1)
    def _():
        pltpu.sync_copy(acc.at[pl.ds(TAIL0, TAILN)],
                        out_hbm.at[c, pl.ds(TAIL0, TAILN)])


_NB = 2000


def _prologue_body(x_ref, emb_ref, dinv_in_ref, w0_ref, h_ref, dinv_ref, t2_ref):
    xb = x_ref[...]
    oh = (xb == lax.broadcasted_iota(jnp.int32, (1, V), 1)).astype(jnp.float32)
    h0 = jnp.dot(oh, emb_ref[...], preferred_element_type=jnp.float32)
    dinv = dinv_in_ref[...]
    tt = dinv * lax.dot_general(h0, w0_ref[...], (((1,), (1,)), ((), ())),
                                preferred_element_type=jnp.float32)
    h_ref[...] = h0
    dinv_ref[...] = dinv
    t2_ref[0] = tt[:, :HH]
    t2_ref[1] = tt[:, HH:]


_prologue = pl.pallas_call(
    _prologue_body,
    grid=(N // _NB,),
    in_specs=[
        pl.BlockSpec((_NB, 1), lambda i: (i, 0)),
        pl.BlockSpec((V, H), lambda i: (0, 0)),
        pl.BlockSpec((_NB, 1), lambda i: (i, 0)),
        pl.BlockSpec((H, H), lambda i: (0, 0)),
    ],
    out_specs=[
        pl.BlockSpec((_NB, H), lambda i: (i, 0)),
        pl.BlockSpec((_NB, 1), lambda i: (i, 0)),
        pl.BlockSpec((NC, _NB, HH), lambda i: (0, i, 0)),
    ],
    out_shape=[
        jax.ShapeDtypeStruct((N, H), jnp.float32),
        jax.ShapeDtypeStruct((N, 1), jnp.float32),
        jax.ShapeDtypeStruct((NC, N, HH), jnp.float32),
    ],
)


def _stats_body(agg_ref, dinv_ref, b_ref, out_ref):
    i = pl.program_id(0)
    ob = jnp.concatenate([agg_ref[0], agg_ref[1]], axis=1)
    ob = dinv_ref[...] * ob + b_ref[...]

    @pl.when(i == 0)
    def _():
        out_ref[...] = jnp.zeros_like(out_ref)

    out_ref[0:1, :] += jnp.sum(ob, axis=0, keepdims=True)
    out_ref[1:2, :] += jnp.sum(ob * ob, axis=0, keepdims=True)


_stats = pl.pallas_call(
    _stats_body,
    grid=(N // _NB,),
    in_specs=[
        pl.BlockSpec((NC, _NB, HH), lambda i: (0, i, 0)),
        pl.BlockSpec((_NB, 1), lambda i: (i, 0)),
        pl.BlockSpec((1, H), lambda i: (0, 0)),
    ],
    out_specs=pl.BlockSpec((2, H), lambda i: (0, 0)),
    out_shape=jax.ShapeDtypeStruct((2, H), jnp.float32),
)


def _apply_body(agg_ref, dinv_ref, b_ref, st_ref, g_ref, be_ref, hp_ref, w_ref,
                h_ref, t2_ref, *, last):
    ob = jnp.concatenate([agg_ref[0], agg_ref[1]], axis=1)
    ob = dinv_ref[...] * ob + b_ref[...]
    mu = st_ref[0:1, :] * (1.0 / N)
    var = st_ref[1:2, :] * (1.0 / N) - mu * mu
    xhat = (ob - mu) * lax.rsqrt(var + 1e-5)
    hn = jnp.maximum(g_ref[...] * xhat + be_ref[...], 0.0) + hp_ref[...]
    h_ref[...] = hn
    if not last:
        tt = dinv_ref[...] * lax.dot_general(
            hn, w_ref[...], (((1,), (1,)), ((), ())),
            preferred_element_type=jnp.float32)
        t2_ref[0] = tt[:, :HH]
        t2_ref[1] = tt[:, HH:]


def _make_apply(last):
    out_specs = [pl.BlockSpec((_NB, H), lambda i: (i, 0))]
    out_shape = [jax.ShapeDtypeStruct((N, H), jnp.float32)]
    if not last:
        out_specs.append(pl.BlockSpec((NC, _NB, HH), lambda i: (0, i, 0)))
        out_shape.append(jax.ShapeDtypeStruct((NC, N, HH), jnp.float32))
    if last:
        def body(agg_ref, dinv_ref, b_ref, st_ref, g_ref, be_ref, hp_ref,
                 w_ref, h_ref):
            _apply_body(agg_ref, dinv_ref, b_ref, st_ref, g_ref, be_ref,
                        hp_ref, w_ref, h_ref, None, last=True)
    else:
        body = functools.partial(_apply_body, last=False)
    return pl.pallas_call(
        body,
        grid=(N // _NB,),
        in_specs=[
            pl.BlockSpec((NC, _NB, HH), lambda i: (0, i, 0)),
            pl.BlockSpec((_NB, 1), lambda i: (i, 0)),
            pl.BlockSpec((1, H), lambda i: (0, 0)),
            pl.BlockSpec((2, H), lambda i: (0, 0)),
            pl.BlockSpec((1, H), lambda i: (0, 0)),
            pl.BlockSpec((1, H), lambda i: (0, 0)),
            pl.BlockSpec((_NB, H), lambda i: (i, 0)),
            pl.BlockSpec((H, H), lambda i: (0, 0)),
        ],
        out_specs=out_specs,
        out_shape=out_shape,
    )


_apply_mid = _make_apply(False)
_apply_last = _make_apply(True)


def _epilogue_body(h_ref, batch_ref, w1_ref, b1_ref, w2_ref, b2_ref, out_ref):
    bb = batch_ref[...]
    oh = (bb == lax.broadcasted_iota(jnp.int32, (1, G), 1)).astype(jnp.float32)
    psum = lax.dot_general(oh, h_ref[...], (((0,), (0,)), ((), ())),
                           preferred_element_type=jnp.float32)
    cnt = lax.dot_general(oh, jnp.ones((N, 1), jnp.float32),
                          (((0,), (0,)), ((), ())),
                          preferred_element_type=jnp.float32)
    pooled = psum / jnp.maximum(cnt, 1.0)
    hid = jnp.maximum(
        lax.dot_general(pooled, w1_ref[...], (((1,), (1,)), ((), ())),
                        preferred_element_type=jnp.float32) + b1_ref[...], 0.0)
    out_ref[...] = (jnp.sum(hid * w2_ref[...], axis=1, keepdims=True)
                    + b2_ref[0, 0])


_epilogue = pl.pallas_call(
    _epilogue_body,
    out_shape=jax.ShapeDtypeStruct((G, 1), jnp.float32),
)


def kernel(x, edge_index, batch, emb, Wl, bl, gamma, beta, W1, b1, W2, b2):
    row = edge_index[0].astype(jnp.int32)
    col = edge_index[1].astype(jnp.int32)

    zeros_acc = jnp.zeros((N, HH), jnp.float32)

    colp = col.reshape(NC, NS, DEG_NCH, DEG_CH)
    deg_parts = _deg_kernel(colp,
                            jnp.full((DEG_CH, HH), 1.0 / HH, jnp.float32),
                            zeros_acc)

    row16 = row.reshape(NS, AGG_EPT)
    row2 = jnp.stack([row16, row16 + N]).reshape(NC, NS, NCHUNK, CH)
    col3 = col.reshape(NS, NCHUNK, CH)

    deg = (deg_parts[0] + deg_parts[1]).sum(axis=1)
    dinv_host = jnp.where(deg > 0, deg ** -0.5, 0.0).reshape(N, 1)
    h, dinv, t2 = _prologue(x.reshape(N, 1).astype(jnp.int32), emb, dinv_host,
                            Wl[0])
    for l in range(L):
        t2flat = t2.reshape(NC * N, HH)
        agg = _agg_kernel(row2, col3, t2flat, zeros_acc)
        bvec = bl[l].reshape(1, H)
        gvec = gamma[l].reshape(1, H)
        bevec = beta[l].reshape(1, H)
        st = _stats(agg, dinv, bvec)
        if l < L - 1:
            h, t2 = _apply_mid(agg, dinv, bvec, st, gvec, bevec, h, Wl[l + 1])
        else:
            (h,) = _apply_last(agg, dinv, bvec, st, gvec, bevec, h, Wl[l])

    out = _epilogue(h, batch.reshape(N, 1).astype(jnp.int32), W1,
                    b1.reshape(1, H), W2, b2.reshape(1, 1))
    return (out, jnp.zeros((1,), jnp.float32))

# --- scband reference (transcript-rebuilt; emitter-appended) ---
"""Pipeline reference for scband-gcn-26414048870736 (READ-ONLY COPY).

The authoritative reference and input builder live on the scoring server;
editing this copy changes nothing except your own understanding.
"""

import jax, jax.numpy as jnp
import numpy as np

N = 10000
E = 160000
H = 256
L = 4
G = 64
V = 28


def setup_inputs(seed: int = 0) -> dict:
    key = jax.random.key(seed)
    ks = jax.random.split(key, 8)
    x = jax.random.randint(ks[0], (N,), 0, V)
    edge_index = jax.random.randint(ks[1], (2, E), 0, N)
    batch = jnp.sort(jax.random.randint(ks[2], (N,), 0, G))
    emb = jax.random.normal(ks[3], (V, H), jnp.float32) * 0.1
    limit = float(np.sqrt(6.0 / (H + H)))
    Wl = jax.random.uniform(ks[4], (L, H, H), jnp.float32, -limit, limit)
    bl = jnp.zeros((L, H), jnp.float32)
    gamma = jnp.ones((L, H), jnp.float32)
    beta = jnp.zeros((L, H), jnp.float32)
    W1 = jax.random.uniform(ks[5], (H, H), jnp.float32, -limit, limit)
    b1 = jnp.zeros((H,), jnp.float32)
    limit2 = float(np.sqrt(6.0 / (H + 1)))
    W2 = jax.random.uniform(ks[6], (1, H), jnp.float32, -limit2, limit2)
    b2 = jnp.zeros((1,), jnp.float32)
    return {"x": x, "edge_index": edge_index, "batch": batch, "emb": emb,
            "Wl": Wl, "bl": bl, "gamma": gamma, "beta": beta,
            "W1": W1, "b1": b1, "W2": W2, "b2": b2}


def reference(x, edge_index, batch, emb, Wl, bl, gamma, beta, W1, b1, W2, b2):
    # x = x.reshape(-1); x = self.embeding(x)
    h = jnp.take(emb, x, axis=0)  # [N, H]
    bit_sum = jnp.zeros((1,), jnp.float32)
    row, col = edge_index[0], edge_index[1]
    # GCN normalization computed once (same every layer): deg = degree(col)
    deg = jax.ops.segment_sum(jnp.ones((E,), h.dtype), col, num_segments=N)
    deg_inv_sqrt = jnp.where(deg > 0, deg ** -0.5, 0.0)
    norm = deg_inv_sqrt[row] * deg_inv_sqrt[col]
    for l in range(L):
        x_in = h
        # lin (no bias); q_xw quantizer treated as identity (impl not provided)
        t = h @ Wl[l].T
        # propagate(aggr='add'): message = norm * x_j, x_j gathered at row, scattered to col
        msg = norm[:, None] * jnp.take(t, row, axis=0)
        out = jax.ops.segment_sum(msg, col, num_segments=N)
        out = out + bl[l]
        # BatchNorm1d in training mode (batch statistics, biased variance)
        mu = out.mean(axis=0)
        var = out.var(axis=0)
        xhat = (out - mu) / jnp.sqrt(var + 1e-5)
        h = gamma[l] * xhat + beta[l]
        # activation = relu
        h = jax.nn.relu(h)
        # residual
        h = h + x_in
        # dropout p=0 -> identity
    # global_mean_pool
    counts = jax.ops.segment_sum(jnp.ones((N,), h.dtype), batch, num_segments=G)
    pooled = jax.ops.segment_sum(h, batch, num_segments=G) / jnp.maximum(counts, 1.0)[:, None]
    hid = jax.nn.relu(pooled @ W1.T + b1)
    out = hid @ W2.T + b2
    return (out, bit_sum)

if __name__ == "__main__":
    import jax
    _d = setup_inputs()
    print(jax.jit(kernel)(*tuple(_d.values())))

</pallas_src>

<mosaic_0001>
#map = affine_map<(d0, d1) -> (0, 0, 0, 0)>
#map1 = affine_map<(d0, d1) -> (0, 0)>
#map2 = affine_map<(d0, d1) -> (0, 0, 0)>
module attributes {stable_mosaic.version = 14 : i64} {
  func.func @_deg_kernel(%arg0: i32, %arg1: i32, %arg2: memref<2x16x40x125xi32, #tpu.memory_space<hbm>>, %arg3: memref<125x128xf32, #tpu.memory_space<hbm>>, %arg4: memref<10000x128xf32, #tpu.memory_space<hbm>>, %arg5: memref<2x10000x128xf32, #tpu.memory_space<hbm>>, %arg6: memref<40x125xi32, #tpu.memory_space<vmem>>, %arg7: memref<125x128xf32, #tpu.memory_space<vmem>>, %arg8: memref<10000x128xf32, #tpu.memory_space<vmem_shared>>, %arg9: memref<!tpu.dma_semaphore, #tpu.memory_space<semaphore_mem>>) attributes {dimension_semantics = [#tpu.dimension_semantics<core_parallel>, #tpu.dimension_semantics<subcore_parallel>], iteration_bounds = array<i64: 2, 16>, scalar_prefetch = 0 : i64, scratch_operands = 4 : i64, tpu.core_type = #tpu.core_type<sc_vector_subcore>, window_params = [{transform_indices = #map}, {transform_indices = #map1}, {transform_indices = #map1}, {transform_indices = #map2}]} {
    %mul3A = arith.constant 624 : i32
    %mul3A_0 = arith.muli %arg1, %mul3A : i32
    "tpu.region"() ({
      %run_scoped3A = tpu.sem_alloc : memref<!tpu.dma_semaphore, #tpu.memory_space<semaphore_mem>>
      %dma_start3A = arith.constant 0 : i32
      %dma_start3A_14 = tpu.memref_slice %arg8[%mul3A_0, %dma_start3A] : memref<10000x128xf32, #tpu.memory_space<vmem_shared>> -> memref<624x128xf32, #tpu.memory_space<vmem_shared>>
      %dma_start3A_15 = arith.constant 0 : i32
      %dma_start3A_16 = tpu.memref_slice %arg4[%mul3A_0, %dma_start3A_15] : memref<10000x128xf32, #tpu.memory_space<hbm>> -> memref<624x128xf32, #tpu.memory_space<hbm>>
      tpu.enqueue_dma source(%dma_start3A_16 : memref<624x128xf32, #tpu.memory_space<hbm>>) target(%dma_start3A_14 : memref<624x128xf32, #tpu.memory_space<vmem_shared>>) target_semaphore(%run_scoped3A : memref<!tpu.dma_semaphore, #tpu.memory_space<semaphore_mem>>)
      %dma_wait3A = arith.constant 0 : i32
      %dma_wait3A_17 = tpu.memref_slice %arg8[%mul3A_0, %dma_wait3A] : memref<10000x128xf32, #tpu.memory_space<vmem_shared>> -> memref<624x128xf32, #tpu.memory_space<vmem_shared>>
      %dma_wait3A_18 = arith.constant 0 : i32
      %dma_wait3A_19 = tpu.memref_slice %arg4[%mul3A_0, %dma_wait3A_18] : memref<10000x128xf32, #tpu.memory_space<hbm>> -> memref<624x128xf32, #tpu.memory_space<hbm>>
      tpu.wait_dma2 semaphore(%run_scoped3A : memref<!tpu.dma_semaphore, #tpu.memory_space<semaphore_mem>>) src(%dma_wait3A_19 : memref<624x128xf32, #tpu.memory_space<hbm>>) dst(%dma_wait3A_17 : memref<624x128xf32, #tpu.memory_space<vmem_shared>>)
      tpu.yield
    }) : () -> ()
    %eq3A = arith.constant 15 : i32
    %eq3A_1 = arith.cmpi eq, %arg1, %eq3A : i32
    %convert_element_type3A = arith.extui %eq3A_1 : i1 to i32
    %cond3A = arith.constant 0 : i32
    %cond3A_2 = arith.cmpi ne, %convert_element_type3A, %cond3A : i32
    scf.if %cond3A_2 {
      "tpu.region"() ({
        %run_scoped3A = tpu.sem_alloc : memref<!tpu.dma_semaphore, #tpu.memory_space<semaphore_mem>>
        %dma_start3A = arith.constant 9984 : i32
        %dma_start3A_14 = arith.constant 0 : i32
        %dma_start3A_15 = tpu.memref_slice %arg8[%dma_start3A, %dma_start3A_14] : memref<10000x128xf32, #tpu.memory_space<vmem_shared>> -> memref<16x128xf32, #tpu.memory_space<vmem_shared>>
        %dma_start3A_16 = arith.constant 9984 : i32
        %dma_start3A_17 = arith.constant 0 : i32
        %dma_start3A_18 = tpu.memref_slice %arg4[%dma_start3A_16, %dma_start3A_17] : memref<10000x128xf32, #tpu.memory_space<hbm>> -> memref<16x128xf32, #tpu.memory_space<hbm>>
        tpu.enqueue_dma source(%dma_start3A_18 : memref<16x128xf32, #tpu.memory_space<hbm>>) target(%dma_start3A_15 : memref<16x128xf32, #tpu.memory_space<vmem_shared>>) target_semaphore(%run_scoped3A : memref<!tpu.dma_semaphore, #tpu.memory_space<semaphore_mem>>)
        %dma_wait3A = arith.constant 9984 : i32
        %dma_wait3A_19 = arith.constant 0 : i32
        %dma_wait3A_20 = tpu.memref_slice %arg8[%dma_wait3A, %dma_wait3A_19] : memref<10000x128xf32, #tpu.memory_space<vmem_shared>> -> memref<16x128xf32, #tpu.memory_space<vmem_shared>>
        %dma_wait3A_21 = arith.constant 9984 : i32
        %dma_wait3A_22 = arith.constant 0 : i32
        %dma_wait3A_23 = tpu.memref_slice %arg4[%dma_wait3A_21, %dma_wait3A_22] : memref<10000x128xf32, #tpu.memory_space<hbm>> -> memref<16x128xf32, #tpu.memory_space<hbm>>
        tpu.wait_dma2 semaphore(%run_scoped3A : memref<!tpu.dma_semaphore, #tpu.memory_space<semaphore_mem>>) src(%dma_wait3A_23 : memref<16x128xf32, #tpu.memory_space<hbm>>) dst(%dma_wait3A_20 : memref<16x128xf32, #tpu.memory_space<vmem_shared>>)
        tpu.yield
      }) : () -> ()
    } else {
    }
    "tpu.region"() ({
      %run_scoped3A = tpu.sem_alloc : memref<!tpu.dma_semaphore, #tpu.memory_space<semaphore_mem>>
      %dma_start3A = arith.constant 0 : i32
      %dma_start3A_14 = arith.constant 0 : i32
      %dma_start3A_15 = tpu.memref_slice %arg2[%arg0, %arg1, %dma_start3A, %dma_start3A_14] : memref<2x16x40x125xi32, #tpu.memory_space<hbm>> -> memref<1x1x40x125xi32, #tpu.memory_space<hbm>>
      %dma_start3A_16 = tpu.memref_squeeze %dma_start3A_15 : memref<1x1x40x125xi32, #tpu.memory_space<hbm>> -> memref<40x125xi32, #tpu.memory_space<hbm>>
      %dma_start3A_17 = arith.constant 0 : i32
      %dma_start3A_18 = arith.constant 0 : i32
      %dma_start3A_19 = tpu.memref_slice %arg2[%arg0, %arg1, %dma_start3A_17, %dma_start3A_18] : memref<2x16x40x125xi32, #tpu.memory_space<hbm>> -> memref<1x1x40x125xi32, #tpu.memory_space<hbm>>
      %dma_start3A_20 = tpu.memref_squeeze %dma_start3A_19 : memref<1x1x40x125xi32, #tpu.memory_space<hbm>> -> memref<40x125xi32, #tpu.memory_space<hbm>>
      tpu.enqueue_dma source(%dma_start3A_20 : memref<40x125xi32, #tpu.memory_space<hbm>>) target(%arg6 : memref<40x125xi32, #tpu.memory_space<vmem>>) target_semaphore(%run_scoped3A : memref<!tpu.dma_semaphore, #tpu.memory_space<semaphore_mem>>)
      %dma_wait3A = arith.constant 0 : i32
      %dma_wait3A_21 = arith.constant 0 : i32
      %dma_wait3A_22 = tpu.memref_slice %arg2[%arg0, %arg1, %dma_wait3A, %dma_wait3A_21] : memref<2x16x40x125xi32, #tpu.memory_space<hbm>> -> memref<1x1x40x125xi32, #tpu.memory_space<hbm>>
      %dma_wait3A_23 = tpu.memref_squeeze %dma_wait3A_22 : memref<1x1x40x125xi32, #tpu.memory_space<hbm>> -> memref<40x125xi32, #tpu.memory_space<hbm>>
      %dma_wait3A_24 = arith.constant 0 : i32
      %dma_wait3A_25 = arith.constant 0 : i32
      %dma_wait3A_26 = tpu.memref_slice %arg2[%arg0, %arg1, %dma_wait3A_24, %dma_wait3A_25] : memref<2x16x40x125xi32, #tpu.memory_space<hbm>> -> memref<1x1x40x125xi32, #tpu.memory_space<hbm>>
      %dma_wait3A_27 = tpu.memref_squeeze %dma_wait3A_26 : memref<1x1x40x125xi32, #tpu.memory_space<hbm>> -> memref<40x125xi32, #tpu.memory_space<hbm>>
      tpu.wait_dma2 semaphore(%run_scoped3A : memref<!tpu.dma_semaphore, #tpu.memory_space<semaphore_mem>>) src(%dma_wait3A_27 : memref<40x125xi32, #tpu.memory_space<hbm>>) dst(%arg6 : memref<40x125xi32, #tpu.memory_space<vmem>>)
      tpu.yield
    }) : () -> ()
    "tpu.region"() ({
      %run_scoped3A = tpu.sem_alloc : memref<!tpu.dma_semaphore, #tpu.memory_space<semaphore_mem>>
      tpu.enqueue_dma source(%arg3 : memref<125x128xf32, #tpu.memory_space<hbm>>) target(%arg7 : memref<125x128xf32, #tpu.memory_space<vmem>>) target_semaphore(%run_scoped3A : memref<!tpu.dma_semaphore, #tpu.memory_space<semaphore_mem>>)
      tpu.wait_dma2 semaphore(%run_scoped3A : memref<!tpu.dma_semaphore, #tpu.memory_space<semaphore_mem>>) src(%arg3 : memref<125x128xf32, #tpu.memory_space<hbm>>) dst(%arg7 : memref<125x128xf32, #tpu.memory_space<vmem>>)
      tpu.yield
    }) : () -> ()
    %barrier3A = arith.constant 0 : index
    tpu.barrier barrier_id(%barrier3A)
    %scan3A = arith.constant 0 : i32
    %scan3A_3 = arith.constant 0 : i32
    %scan3A_4 = arith.constant 40 : i32
    %scan3A_5 = arith.addi %scan3A_3, %scan3A_4 : i32
    %scan3A_6 = arith.constant 1 : i32
    scf.for %scan3A_14 = %scan3A_3 to %scan3A_5 step %scan3A_6  : i32 {
      "tpu.region"() ({
        %run_scoped3A = tpu.sem_alloc : memref<!tpu.dma_semaphore, #tpu.memory_space<semaphore_mem>>
        %dma_start3A = arith.constant 0 : i32
        %dma_start3A_15 = tpu.memref_slice %arg6[%scan3A_14, %dma_start3A] : memref<40x125xi32, #tpu.memory_space<vmem>> -> memref<1x125xi32, #tpu.memory_space<vmem>>
        %dma_start3A_16 = tpu.memref_squeeze %dma_start3A_15 : memref<1x125xi32, #tpu.memory_space<vmem>> -> memref<125xi32, #tpu.memory_space<vmem>>
        %dma_start3A_17 = arith.constant 0 : i32
        %dma_start3A_18 = arith.constant 0 : i32
        %dma_start3A_19 = tpu.memref_slice %arg8[%dma_start3A_17, %dma_start3A_18] : memref<10000x128xf32, #tpu.memory_space<vmem_shared>> -> memref<10000x128xf32, #tpu.memory_space<vmem_shared>>
        tpu.enqueue_indirect_dma source(%arg7 : memref<125x128xf32, #tpu.memory_space<vmem>>) target(%dma_start3A_19 : memref<10000x128xf32, #tpu.memory_space<vmem_shared>>) offsets(%dma_start3A_16 : memref<125xi32, #tpu.memory_space<vmem>>) semaphore(%run_scoped3A : memref<!tpu.dma_semaphore, #tpu.memory_space<semaphore_mem>>) {add = true}
        %dma_wait3A = arith.constant 0 : i32
        %dma_wait3A_20 = tpu.memref_slice %arg6[%scan3A_14, %dma_wait3A] : memref<40x125xi32, #tpu.memory_space<vmem>> -> memref<1x125xi32, #tpu.memory_space<vmem>>
        %dma_wait3A_21 = tpu.memref_squeeze %dma_wait3A_20 : memref<1x125xi32, #tpu.memory_space<vmem>> -> memref<125xi32, #tpu.memory_space<vmem>>
        %dma_wait3A_22 = arith.constant 0 : i32
        %dma_wait3A_23 = arith.constant 0 : i32
        %dma_wait3A_24 = tpu.memref_slice %arg8[%dma_wait3A_22, %dma_wait3A_23] : memref<10000x128xf32, #tpu.memory_space<vmem_shared>> -> memref<10000x128xf32, #tpu.memory_space<vmem_shared>>
        tpu.wait_indirect_dma semaphore(%run_scoped3A : memref<!tpu.dma_semaphore, #tpu.memory_space<semaphore_mem>>) src(%arg7 : memref<125x128xf32, #tpu.memory_space<vmem>>) dst(%dma_wait3A_24 : memref<10000x128xf32, #tpu.memory_space<vmem_shared>>)
        tpu.yield
      }) : () -> ()
    }
    %scan3A_7 = arith.constant 40 : i32
    %barrier3A_8 = arith.constant 0 : index
    tpu.barrier barrier_id(%barrier3A_8)
    "tpu.region"() ({
      %run_scoped3A = tpu.sem_alloc : memref<!tpu.dma_semaphore, #tpu.memory_space<semaphore_mem>>
      %dma_start3A = arith.constant 0 : i32
      %dma_start3A_14 = tpu.memref_slice %arg5[%arg0, %mul3A_0, %dma_start3A] : memref<2x10000x128xf32, #tpu.memory_space<hbm>> -> memref<1x624x128xf32, #tpu.memory_space<hbm>>
      %dma_start3A_15 = tpu.memref_squeeze %dma_start3A_14 : memref<1x624x128xf32, #tpu.memory_space<hbm>> -> memref<624x128xf32, #tpu.memory_space<hbm>>
      %dma_start3A_16 = arith.constant 0 : i32
      %dma_start3A_17 = tpu.memref_slice %arg8[%mul3A_0, %dma_start3A_16] : memref<10000x128xf32, #tpu.memory_space<vmem_shared>> -> memref<624x128xf32, #tpu.memory_space<vmem_shared>>
      tpu.enqueue_dma source(%dma_start3A_17 : memref<624x128xf32, #tpu.memory_space<vmem_shared>>) target(%dma_start3A_15 : memref<624x128xf32, #tpu.memory_space<hbm>>) target_semaphore(%run_scoped3A : memref<!tpu.dma_semaphore, #tpu.memory_space<semaphore_mem>>)
      %dma_wait3A = arith.constant 0 : i32
      %dma_wait3A_18 = tpu.memref_slice %arg5[%arg0, %mul3A_0, %dma_wait3A] : memref<2x10000x128xf32, #tpu.memory_space<hbm>> -> memref<1x624x128xf32, #tpu.memory_space<hbm>>
      %dma_wait3A_19 = tpu.memref_squeeze %dma_wait3A_18 : memref<1x624x128xf32, #tpu.memory_space<hbm>> -> memref<624x128xf32, #tpu.memory_space<hbm>>
      %dma_wait3A_20 = arith.constant 0 : i32
      %dma_wait3A_21 = tpu.memref_slice %arg8[%mul3A_0, %dma_wait3A_20] : memref<10000x128xf32, #tpu.memory_space<vmem_shared>> -> memref<624x128xf32, #tpu.memory_space<vmem_shared>>
      tpu.wait_dma2 semaphore(%run_scoped3A : memref<!tpu.dma_semaphore, #tpu.memory_space<semaphore_mem>>) src(%dma_wait3A_21 : memref<624x128xf32, #tpu.memory_space<vmem_shared>>) dst(%dma_wait3A_19 : memref<624x128xf32, #tpu.memory_space<hbm>>)
      tpu.yield
    }) : () -> ()
    %eq3A_9 = arith.constant 15 : i32
    %eq3A_10 = arith.cmpi eq, %arg1, %eq3A_9 : i32
    %convert_element_type3A_11 = arith.extui %eq3A_10 : i1 to i32
    %cond3A_12 = arith.constant 0 : i32
    %cond3A_13 = arith.cmpi ne, %convert_element_type3A_11, %cond3A_12 : i32
    scf.if %cond3A_13 {
      "tpu.region"() ({
        %run_scoped3A = tpu.sem_alloc : memref<!tpu.dma_semaphore, #tpu.memory_space<semaphore_mem>>
        %dma_start3A = arith.constant 9984 : i32
        %dma_start3A_14 = arith.constant 0 : i32
        %dma_start3A_15 = tpu.memref_slice %arg5[%arg0, %dma_start3A, %dma_start3A_14] : memref<2x10000x128xf32, #tpu.memory_space<hbm>> -> memref<1x16x128xf32, #tpu.memory_space<hbm>>
        %dma_start3A_16 = tpu.memref_squeeze %dma_start3A_15 : memref<1x16x128xf32, #tpu.memory_space<hbm>> -> memref<16x128xf32, #tpu.memory_space<hbm>>
        %dma_start3A_17 = arith.constant 9984 : i32
        %dma_start3A_18 = arith.constant 0 : i32
        %dma_start3A_19 = tpu.memref_slice %arg8[%dma_start3A_17, %dma_start3A_18] : memref<10000x128xf32, #tpu.memory_space<vmem_shared>> -> memref<16x128xf32, #tpu.memory_space<vmem_shared>>
        tpu.enqueue_dma source(%dma_start3A_19 : memref<16x128xf32, #tpu.memory_space<vmem_shared>>) target(%dma_start3A_16 : memref<16x128xf32, #tpu.memory_space<hbm>>) target_semaphore(%run_scoped3A : memref<!tpu.dma_semaphore, #tpu.memory_space<semaphore_mem>>)
        %dma_wait3A = arith.constant 9984 : i32
        %dma_wait3A_20 = arith.constant 0 : i32
        %dma_wait3A_21 = tpu.memref_slice %arg5[%arg0, %dma_wait3A, %dma_wait3A_20] : memref<2x10000x128xf32, #tpu.memory_space<hbm>> -> memref<1x16x128xf32, #tpu.memory_space<hbm>>
        %dma_wait3A_22 = tpu.memref_squeeze %dma_wait3A_21 : memref<1x16x128xf32, #tpu.memory_space<hbm>> -> memref<16x128xf32, #tpu.memory_space<hbm>>
        %dma_wait3A_23 = arith.constant 9984 : i32
        %dma_wait3A_24 = arith.constant 0 : i32
        %dma_wait3A_25 = tpu.memref_slice %arg8[%dma_wait3A_23, %dma_wait3A_24] : memref<10000x128xf32, #tpu.memory_space<vmem_shared>> -> memref<16x128xf32, #tpu.memory_space<vmem_shared>>
        tpu.wait_dma2 semaphore(%run_scoped3A : memref<!tpu.dma_semaphore, #tpu.memory_space<semaphore_mem>>) src(%dma_wait3A_25 : memref<16x128xf32, #tpu.memory_space<vmem_shared>>) dst(%dma_wait3A_22 : memref<16x128xf32, #tpu.memory_space<hbm>>)
        tpu.yield
      }) : () -> ()
    } else {
    }
    return
  }
}

#map = affine_map<(d0, d1) -> (0, 0, 0, 0)>
#map1 = affine_map<(d0, d1) -> (0, 0, 0)>
#map2 = affine_map<(d0, d1) -> (0, 0)>
module attributes {stable_mosaic.version = 14 : i64} {
  func.func @_agg_kernel(%arg0: i32, %arg1: i32, %arg2: memref<2x16x80x125xi32, #tpu.memory_space<hbm>>, %arg3: memref<16x80x125xi32, #tpu.memory_space<hbm>>, %arg4: memref<20000x128xf32, #tpu.memory_space<hbm>>, %arg5: memref<10000x128xf32, #tpu.memory_space<hbm>>, %arg6: memref<2x10000x128xf32, #tpu.memory_space<hbm>>, %arg7: memref<80x125xi32, #tpu.memory_space<vmem>>, %arg8: memref<80x125xi32, #tpu.memory_space<vmem>>, %arg9: memref<1x125x128xf32, #tpu.memory_space<vmem>>, %arg10: memref<10000x128xf32, #tpu.memory_space<vmem_shared>>, %arg11: memref<!tpu.dma_semaphore, #tpu.memory_space<semaphore_mem>>, %arg12: memref<!tpu.dma_semaphore, #tpu.memory_space<semaphore_mem>>, %arg13: memref<!tpu.dma_semaphore, #tpu.memory_space<semaphore_mem>>, %arg14: memref<!tpu.dma_semaphore, #tpu.memory_space<semaphore_mem>>) attributes {dimension_semantics = [#tpu.dimension_semantics<core_parallel>, #tpu.dimension_semantics<subcore_parallel>], iteration_bounds = array<i64: 2, 16>, scalar_prefetch = 0 : i64, scratch_operands = 8 : i64, tpu.core_type = #tpu.core_type<sc_vector_subcore>, window_params = [{transform_indices = #map}, {transform_indices = #map1}, {transform_indices = #map2}, {transform_indices = #map2}, {transform_indices = #map1}]} {
    %mul3A = arith.constant 624 : i32
    %mul3A_0 = arith.muli %arg1, %mul3A : i32
    "tpu.region"() ({
      %run_scoped3A = tpu.sem_alloc : memref<!tpu.dma_semaphore, #tpu.memory_space<semaphore_mem>>
      %dma_start3A = arith.constant 0 : i32
      %dma_start3A_14 = tpu.memref_slice %arg10[%mul3A_0, %dma_start3A] : memref<10000x128xf32, #tpu.memory_space<vmem_shared>> -> memref<624x128xf32, #tpu.memory_space<vmem_shared>>
      %dma_start3A_15 = arith.constant 0 : i32
      %dma_start3A_16 = tpu.memref_slice %arg5[%mul3A_0, %dma_start3A_15] : memref<10000x128xf32, #tpu.memory_space<hbm>> -> memref<624x128xf32, #tpu.memory_space<hbm>>
      tpu.enqueue_dma source(%dma_start3A_16 : memref<624x128xf32, #tpu.memory_space<hbm>>) target(%dma_start3A_14 : memref<624x128xf32, #tpu.memory_space<vmem_shared>>) target_semaphore(%run_scoped3A : memref<!tpu.dma_semaphore, #tpu.memory_space<semaphore_mem>>)
      %dma_wait3A = arith.constant 0 : i32
      %dma_wait3A_17 = tpu.memref_slice %arg10[%mul3A_0, %dma_wait3A] : memref<10000x128xf32, #tpu.memory_space<vmem_shared>> -> memref<624x128xf32, #tpu.memory_space<vmem_shared>>
      %dma_wait3A_18 = arith.constant 0 : i32
      %dma_wait3A_19 = tpu.memref_slice %arg5[%mul3A_0, %dma_wait3A_18] : memref<10000x128xf32, #tpu.memory_space<hbm>> -> memref<624x128xf32, #tpu.memory_space<hbm>>
      tpu.wait_dma2 semaphore(%run_scoped3A : memref<!tpu.dma_semaphore, #tpu.memory_space<semaphore_mem>>) src(%dma_wait3A_19 : memref<624x128xf32, #tpu.memory_space<hbm>>) dst(%dma_wait3A_17 : memref<624x128xf32, #tpu.memory_space<vmem_shared>>)
      tpu.yield
    }) : () -> ()
    %eq3A = arith.constant 15 : i32
    %eq3A_1 = arith.cmpi eq, %arg1, %eq3A : i32
    %convert_element_type3A = arith.extui %eq3A_1 : i1 to i32
    %cond3A = arith.constant 0 : i32
    %cond3A_2 = arith.cmpi ne, %convert_element_type3A, %cond3A : i32
    scf.if %cond3A_2 {
      "tpu.region"() ({
        %run_scoped3A = tpu.sem_alloc : memref<!tpu.dma_semaphore, #tpu.memory_space<semaphore_mem>>
        %dma_start3A = arith.constant 9984 : i32
        %dma_start3A_14 = arith.constant 0 : i32
        %dma_start3A_15 = tpu.memref_slice %arg10[%dma_start3A, %dma_start3A_14] : memref<10000x128xf32, #tpu.memory_space<vmem_shared>> -> memref<16x128xf32, #tpu.memory_space<vmem_shared>>
        %dma_start3A_16 = arith.constant 9984 : i32
        %dma_start3A_17 = arith.constant 0 : i32
        %dma_start3A_18 = tpu.memref_slice %arg5[%dma_start3A_16, %dma_start3A_17] : memref<10000x128xf32, #tpu.memory_space<hbm>> -> memref<16x128xf32, #tpu.memory_space<hbm>>
        tpu.enqueue_dma source(%dma_start3A_18 : memref<16x128xf32, #tpu.memory_space<hbm>>) target(%dma_start3A_15 : memref<16x128xf32, #tpu.memory_space<vmem_shared>>) target_semaphore(%run_scoped3A : memref<!tpu.dma_semaphore, #tpu.memory_space<semaphore_mem>>)
        %dma_wait3A = arith.constant 9984 : i32
        %dma_wait3A_19 = arith.constant 0 : i32
        %dma_wait3A_20 = tpu.memref_slice %arg10[%dma_wait3A, %dma_wait3A_19] : memref<10000x128xf32, #tpu.memory_space<vmem_shared>> -> memref<16x128xf32, #tpu.memory_space<vmem_shared>>
        %dma_wait3A_21 = arith.constant 9984 : i32
        %dma_wait3A_22 = arith.constant 0 : i32
        %dma_wait3A_23 = tpu.memref_slice %arg5[%dma_wait3A_21, %dma_wait3A_22] : memref<10000x128xf32, #tpu.memory_space<hbm>> -> memref<16x128xf32, #tpu.memory_space<hbm>>
        tpu.wait_dma2 semaphore(%run_scoped3A : memref<!tpu.dma_semaphore, #tpu.memory_space<semaphore_mem>>) src(%dma_wait3A_23 : memref<16x128xf32, #tpu.memory_space<hbm>>) dst(%dma_wait3A_20 : memref<16x128xf32, #tpu.memory_space<vmem_shared>>)
        tpu.yield
      }) : () -> ()
    } else {
    }
    "tpu.region"() ({
      %run_scoped3A = tpu.sem_alloc : memref<!tpu.dma_semaphore, #tpu.memory_space<semaphore_mem>>
      %dma_start3A = arith.constant 0 : i32
      %dma_start3A_14 = arith.constant 0 : i32
      %dma_start3A_15 = tpu.memref_slice %arg2[%arg0, %arg1, %dma_start3A, %dma_start3A_14] : memref<2x16x80x125xi32, #tpu.memory_space<hbm>> -> memref<1x1x80x125xi32, #tpu.memory_space<hbm>>
      %dma_start3A_16 = tpu.memref_squeeze %dma_start3A_15 : memref<1x1x80x125xi32, #tpu.memory_space<hbm>> -> memref<80x125xi32, #tpu.memory_space<hbm>>
      %dma_start3A_17 = arith.constant 0 : i32
      %dma_start3A_18 = arith.constant 0 : i32
      %dma_start3A_19 = tpu.memref_slice %arg2[%arg0, %arg1, %dma_start3A_17, %dma_start3A_18] : memref<2x16x80x125xi32, #tpu.memory_space<hbm>> -> memref<1x1x80x125xi32, #tpu.memory_space<hbm>>
      %dma_start3A_20 = tpu.memref_squeeze %dma_start3A_19 : memref<1x1x80x125xi32, #tpu.memory_space<hbm>> -> memref<80x125xi32, #tpu.memory_space<hbm>>
      tpu.enqueue_dma source(%dma_start3A_20 : memref<80x125xi32, #tpu.memory_space<hbm>>) target(%arg7 : memref<80x125xi32, #tpu.memory_space<vmem>>) target_semaphore(%run_scoped3A : memref<!tpu.dma_semaphore, #tpu.memory_space<semaphore_mem>>)
      %dma_wait3A = arith.constant 0 : i32
      %dma_wait3A_21 = arith.constant 0 : i32
      %dma_wait3A_22 = tpu.memref_slice %arg2[%arg0, %arg1, %dma_wait3A, %dma_wait3A_21] : memref<2x16x80x125xi32, #tpu.memory_space<hbm>> -> memref<1x1x80x125xi32, #tpu.memory_space<hbm>>
      %dma_wait3A_23 = tpu.memref_squeeze %dma_wait3A_22 : memref<1x1x80x125xi32, #tpu.memory_space<hbm>> -> memref<80x125xi32, #tpu.memory_space<hbm>>
      %dma_wait3A_24 = arith.constant 0 : i32
      %dma_wait3A_25 = arith.constant 0 : i32
      %dma_wait3A_26 = tpu.memref_slice %arg2[%arg0, %arg1, %dma_wait3A_24, %dma_wait3A_25] : memref<2x16x80x125xi32, #tpu.memory_space<hbm>> -> memref<1x1x80x125xi32, #tpu.memory_space<hbm>>
      %dma_wait3A_27 = tpu.memref_squeeze %dma_wait3A_26 : memref<1x1x80x125xi32, #tpu.memory_space<hbm>> -> memref<80x125xi32, #tpu.memory_space<hbm>>
      tpu.wait_dma2 semaphore(%run_scoped3A : memref<!tpu.dma_semaphore, #tpu.memory_space<semaphore_mem>>) src(%dma_wait3A_27 : memref<80x125xi32, #tpu.memory_space<hbm>>) dst(%arg7 : memref<80x125xi32, #tpu.memory_space<vmem>>)
      tpu.yield
    }) : () -> ()
    "tpu.region"() ({
      %run_scoped3A = tpu.sem_alloc : memref<!tpu.dma_semaphore, #tpu.memory_space<semaphore_mem>>
      %dma_start3A = arith.constant 0 : i32
      %dma_start3A_14 = arith.constant 0 : i32
      %dma_start3A_15 = tpu.memref_slice %arg3[%arg1, %dma_start3A, %dma_start3A_14] : memref<16x80x125xi32, #tpu.memory_space<hbm>> -> memref<1x80x125xi32, #tpu.memory_space<hbm>>
      %dma_start3A_16 = tpu.memref_squeeze %dma_start3A_15 : memref<1x80x125xi32, #tpu.memory_space<hbm>> -> memref<80x125xi32, #tpu.memory_space<hbm>>
      %dma_start3A_17 = arith.constant 0 : i32
      %dma_start3A_18 = arith.constant 0 : i32
      %dma_start3A_19 = tpu.memref_slice %arg3[%arg1, %dma_start3A_17, %dma_start3A_18] : memref<16x80x125xi32, #tpu.memory_space<hbm>> -> memref<1x80x125xi32, #tpu.memory_space<hbm>>
      %dma_start3A_20 = tpu.memref_squeeze %dma_start3A_19 : memref<1x80x125xi32, #tpu.memory_space<hbm>> -> memref<80x125xi32, #tpu.memory_space<hbm>>
      tpu.enqueue_dma source(%dma_start3A_20 : memref<80x125xi32, #tpu.memory_space<hbm>>) target(%arg8 : memref<80x125xi32, #tpu.memory_space<vmem>>) target_semaphore(%run_scoped3A : memref<!tpu.dma_semaphore, #tpu.memory_space<semaphore_mem>>)
      %dma_wait3A = arith.constant 0 : i32
      %dma_wait3A_21 = arith.constant 0 : i32
      %dma_wait3A_22 = tpu.memref_slice %arg3[%arg1, %dma_wait3A, %dma_wait3A_21] : memref<16x80x125xi32, #tpu.memory_space<hbm>> -> memref<1x80x125xi32, #tpu.memory_space<hbm>>
      %dma_wait3A_23 = tpu.memref_squeeze %dma_wait3A_22 : memref<1x80x125xi32, #tpu.memory_space<hbm>> -> memref<80x125xi32, #tpu.memory_space<hbm>>
      %dma_wait3A_24 = arith.constant 0 : i32
      %dma_wait3A_25 = arith.constant 0 : i32
      %dma_wait3A_26 = tpu.memref_slice %arg3[%arg1, %dma_wait3A_24, %dma_wait3A_25] : memref<16x80x125xi32, #tpu.memory_space<hbm>> -> memref<1x80x125xi32, #tpu.memory_space<hbm>>
      %dma_wait3A_27 = tpu.memref_squeeze %dma_wait3A_26 : memref<1x80x125xi32, #tpu.memory_space<hbm>> -> memref<80x125xi32, #tpu.memory_space<hbm>>
      tpu.wait_dma2 semaphore(%run_scoped3A : memref<!tpu.dma_semaphore, #tpu.memory_space<semaphore_mem>>) src(%dma_wait3A_27 : memref<80x125xi32, #tpu.memory_space<hbm>>) dst(%arg8 : memref<80x125xi32, #tpu.memory_space<vmem>>)
      tpu.yield
    }) : () -> ()
    %barrier3A = arith.constant 0 : index
    tpu.barrier barrier_id(%barrier3A)
    %scan3A = arith.constant 0 : i32
    %scan3A_3 = arith.constant 0 : i32
    %scan3A_4 = arith.constant 80 : i32
    %scan3A_5 = arith.addi %scan3A_3, %scan3A_4 : i32
    %scan3A_6 = arith.constant 1 : i32
    scf.for %scan3A_14 = %scan3A_3 to %scan3A_5 step %scan3A_6  : i32 {
      %run_scoped3A = arith.constant 0 : i32
      "tpu.region"() ({
        %run_scoped3A_16 = tpu.sem_alloc : memref<!tpu.dma_semaphore, #tpu.memory_space<semaphore_mem>>
        %dma_start3A = arith.constant 0 : i32
        %dma_start3A_17 = arith.constant 0 : i32
        %dma_start3A_18 = tpu.memref_slice %arg9[%run_scoped3A, %dma_start3A, %dma_start3A_17] : memref<1x125x128xf32, #tpu.memory_space<vmem>> -> memref<1x125x128xf32, #tpu.memory_space<vmem>>
        %dma_start3A_19 = tpu.memref_squeeze %dma_start3A_18 : memref<1x125x128xf32, #tpu.memory_space<vmem>> -> memref<125x128xf32, #tpu.memory_space<vmem>>
        %dma_start3A_20 = arith.constant 0 : i32
        %dma_start3A_21 = tpu.memref_slice %arg7[%scan3A_14, %dma_start3A_20] : memref<80x125xi32, #tpu.memory_space<vmem>> -> memref<1x125xi32, #tpu.memory_space<vmem>>
        %dma_start3A_22 = tpu.memref_squeeze %dma_start3A_21 : memref<1x125xi32, #tpu.memory_space<vmem>> -> memref<125xi32, #tpu.memory_space<vmem>>
        %dma_start3A_23 = arith.constant 0 : i32
        %dma_start3A_24 = arith.constant 0 : i32
        %dma_start3A_25 = tpu.memref_slice %arg4[%dma_start3A_23, %dma_start3A_24] : memref<20000x128xf32, #tpu.memory_space<hbm>> -> memref<20000x128xf32, #tpu.memory_space<hbm>>
        tpu.enqueue_indirect_dma source(%dma_start3A_25 : memref<20000x128xf32, #tpu.memory_space<hbm>>) target(%dma_start3A_19 : memref<125x128xf32, #tpu.memory_space<vmem>>) offsets(%dma_start3A_22 : memref<125xi32, #tpu.memory_space<vmem>>) semaphore(%run_scoped3A_16 : memref<!tpu.dma_semaphore, #tpu.memory_space<semaphore_mem>>)
        %dma_wait3A = arith.constant 0 : i32
        %dma_wait3A_26 = arith.constant 0 : i32
        %dma_wait3A_27 = tpu.memref_slice %arg9[%run_scoped3A, %dma_wait3A, %dma_wait3A_26] : memref<1x125x128xf32, #tpu.memory_space<vmem>> -> memref<1x125x128xf32, #tpu.memory_space<vmem>>
        %dma_wait3A_28 = tpu.memref_squeeze %dma_wait3A_27 : memref<1x125x128xf32, #tpu.memory_space<vmem>> -> memref<125x128xf32, #tpu.memory_space<vmem>>
        %dma_wait3A_29 = arith.constant 0 : i32
        %dma_wait3A_30 = tpu.memref_slice %arg7[%scan3A_14, %dma_wait3A_29] : memref<80x125xi32, #tpu.memory_space<vmem>> -> memref<1x125xi32, #tpu.memory_space<vmem>>
        %dma_wait3A_31 = tpu.memref_squeeze %dma_wait3A_30 : memref<1x125xi32, #tpu.memory_space<vmem>> -> memref<125xi32, #tpu.memory_space<vmem>>
        %dma_wait3A_32 = arith.constant 0 : i32
        %dma_wait3A_33 = arith.constant 0 : i32
        %dma_wait3A_34 = tpu.memref_slice %arg4[%dma_wait3A_32, %dma_wait3A_33] : memref<20000x128xf32, #tpu.memory_space<hbm>> -> memref<20000x128xf32, #tpu.memory_space<hbm>>
        tpu.wait_indirect_dma semaphore(%run_scoped3A_16 : memref<!tpu.dma_semaphore, #tpu.memory_space<semaphore_mem>>) src(%dma_wait3A_34 : memref<20000x128xf32, #tpu.memory_space<hbm>>) dst(%dma_wait3A_28 : memref<125x128xf32, #tpu.memory_space<vmem>>)
        tpu.yield
      }) : () -> ()
      %run_scoped3A_15 = arith.constant 0 : i32
      "tpu.region"() ({
        %run_scoped3A_16 = tpu.sem_alloc : memref<!tpu.dma_semaphore, #tpu.memory_space<semaphore_mem>>
        %dma_start3A = arith.constant 0 : i32
        %dma_start3A_17 = arith.constant 0 : i32
        %dma_start3A_18 = tpu.memref_slice %arg9[%run_scoped3A_15, %dma_start3A, %dma_start3A_17] : memref<1x125x128xf32, #tpu.memory_space<vmem>> -> memref<1x125x128xf32, #tpu.memory_space<vmem>>
        %dma_start3A_19 = tpu.memref_squeeze %dma_start3A_18 : memref<1x125x128xf32, #tpu.memory_space<vmem>> -> memref<125x128xf32, #tpu.memory_space<vmem>>
        %dma_start3A_20 = arith.constant 0 : i32
        %dma_start3A_21 = tpu.memref_slice %arg8[%scan3A_14, %dma_start3A_20] : memref<80x125xi32, #tpu.memory_space<vmem>> -> memref<1x125xi32, #tpu.memory_space<vmem>>
        %dma_start3A_22 = tpu.memref_squeeze %dma_start3A_21 : memref<1x125xi32, #tpu.memory_space<vmem>> -> memref<125xi32, #tpu.memory_space<vmem>>
        %dma_start3A_23 = arith.constant 0 : i32
        %dma_start3A_24 = arith.constant 0 : i32
        %dma_start3A_25 = tpu.memref_slice %arg10[%dma_start3A_23, %dma_start3A_24] : memref<10000x128xf32, #tpu.memory_space<vmem_shared>> -> memref<10000x128xf32, #tpu.memory_space<vmem_shared>>
        tpu.enqueue_indirect_dma source(%dma_start3A_19 : memref<125x128xf32, #tpu.memory_space<vmem>>) target(%dma_start3A_25 : memref<10000x128xf32, #tpu.memory_space<vmem_shared>>) offsets(%dma_start3A_22 : memref<125xi32, #tpu.memory_space<vmem>>) semaphore(%run_scoped3A_16 : memref<!tpu.dma_semaphore, #tpu.memory_space<semaphore_mem>>) {add = true}
        %dma_wait3A = arith.constant 0 : i32
        %dma_wait3A_26 = arith.constant 0 : i32
        %dma_wait3A_27 = tpu.memref_slice %arg9[%run_scoped3A_15, %dma_wait3A, %dma_wait3A_26] : memref<1x125x128xf32, #tpu.memory_space<vmem>> -> memref<1x125x128xf32, #tpu.memory_space<vmem>>
        %dma_wait3A_28 = tpu.memref_squeeze %dma_wait3A_27 : memref<1x125x128xf32, #tpu.memory_space<vmem>> -> memref<125x128xf32, #tpu.memory_space<vmem>>
        %dma_wait3A_29 = arith.constant 0 : i32
        %dma_wait3A_30 = tpu.memref_slice %arg8[%scan3A_14, %dma_wait3A_29] : memref<80x125xi32, #tpu.memory_space<vmem>> -> memref<1x125xi32, #tpu.memory_space<vmem>>
        %dma_wait3A_31 = tpu.memref_squeeze %dma_wait3A_30 : memref<1x125xi32, #tpu.memory_space<vmem>> -> memref<125xi32, #tpu.memory_space<vmem>>
        %dma_wait3A_32 = arith.constant 0 : i32
        %dma_wait3A_33 = arith.constant 0 : i32
        %dma_wait3A_34 = tpu.memref_slice %arg10[%dma_wait3A_32, %dma_wait3A_33] : memref<10000x128xf32, #tpu.memory_space<vmem_shared>> -> memref<10000x128xf32, #tpu.memory_space<vmem_shared>>
        tpu.wait_indirect_dma semaphore(%run_scoped3A_16 : memref<!tpu.dma_semaphore, #tpu.memory_space<semaphore_mem>>) src(%dma_wait3A_28 : memref<125x128xf32, #tpu.memory_space<vmem>>) dst(%dma_wait3A_34 : memref<10000x128xf32, #tpu.memory_space<vmem_shared>>)
        tpu.yield
      }) : () -> ()
    }
    %scan3A_7 = arith.constant 80 : i32
    %barrier3A_8 = arith.constant 0 : index
    tpu.barrier barrier_id(%barrier3A_8)
    "tpu.region"() ({
      %run_scoped3A = tpu.sem_alloc : memref<!tpu.dma_semaphore, #tpu.memory_space<semaphore_mem>>
      %dma_start3A = arith.constant 0 : i32
      %dma_start3A_14 = tpu.memref_slice %arg6[%arg0, %mul3A_0, %dma_start3A] : memref<2x10000x128xf32, #tpu.memory_space<hbm>> -> memref<1x624x128xf32, #tpu.memory_space<hbm>>
      %dma_start3A_15 = tpu.memref_squeeze %dma_start3A_14 : memref<1x624x128xf32, #tpu.memory_space<hbm>> -> memref<624x128xf32, #tpu.memory_space<hbm>>
      %dma_start3A_16 = arith.constant 0 : i32
      %dma_start3A_17 = tpu.memref_slice %arg10[%mul3A_0, %dma_start3A_16] : memref<10000x128xf32, #tpu.memory_space<vmem_shared>> -> memref<624x128xf32, #tpu.memory_space<vmem_shared>>
      tpu.enqueue_dma source(%dma_start3A_17 : memref<624x128xf32, #tpu.memory_space<vmem_shared>>) target(%dma_start3A_15 : memref<624x128xf32, #tpu.memory_space<hbm>>) target_semaphore(%run_scoped3A : memref<!tpu.dma_semaphore, #tpu.memory_space<semaphore_mem>>)
      %dma_wait3A = arith.constant 0 : i32
      %dma_wait3A_18 = tpu.memref_slice %arg6[%arg0, %mul3A_0, %dma_wait3A] : memref<2x10000x128xf32, #tpu.memory_space<hbm>> -> memref<1x624x128xf32, #tpu.memory_space<hbm>>
      %dma_wait3A_19 = tpu.memref_squeeze %dma_wait3A_18 : memref<1x624x128xf32, #tpu.memory_space<hbm>> -> memref<624x128xf32, #tpu.memory_space<hbm>>
      %dma_wait3A_20 = arith.constant 0 : i32
      %dma_wait3A_21 = tpu.memref_slice %arg10[%mul3A_0, %dma_wait3A_20] : memref<10000x128xf32, #tpu.memory_space<vmem_shared>> -> memref<624x128xf32, #tpu.memory_space<vmem_shared>>
      tpu.wait_dma2 semaphore(%run_scoped3A : memref<!tpu.dma_semaphore, #tpu.memory_space<semaphore_mem>>) src(%dma_wait3A_21 : memref<624x128xf32, #tpu.memory_space<vmem_shared>>) dst(%dma_wait3A_19 : memref<624x128xf32, #tpu.memory_space<hbm>>)
      tpu.yield
    }) : () -> ()
    %eq3A_9 = arith.constant 15 : i32
    %eq3A_10 = arith.cmpi eq, %arg1, %eq3A_9 : i32
    %convert_element_type3A_11 = arith.extui %eq3A_10 : i1 to i32
    %cond3A_12 = arith.constant 0 : i32
    %cond3A_13 = arith.cmpi ne, %convert_element_type3A_11, %cond3A_12 : i32
    scf.if %cond3A_13 {
      "tpu.region"() ({
        %run_scoped3A = tpu.sem_alloc : memref<!tpu.dma_semaphore, #tpu.memory_space<semaphore_mem>>
        %dma_start3A = arith.constant 9984 : i32
        %dma_start3A_14 = arith.constant 0 : i32
        %dma_start3A_15 = tpu.memref_slice %arg6[%arg0, %dma_start3A, %dma_start3A_14] : memref<2x10000x128xf32, #tpu.memory_space<hbm>> -> memref<1x16x128xf32, #tpu.memory_space<hbm>>
        %dma_start3A_16 = tpu.memref_squeeze %dma_start3A_15 : memref<1x16x128xf32, #tpu.memory_space<hbm>> -> memref<16x128xf32, #tpu.memory_space<hbm>>
        %dma_start3A_17 = arith.constant 9984 : i32
        %dma_start3A_18 = arith.constant 0 : i32
        %dma_start3A_19 = tpu.memref_slice %arg10[%dma_start3A_17, %dma_start3A_18] : memref<10000x128xf32, #tpu.memory_space<vmem_shared>> -> memref<16x128xf32, #tpu.memory_space<vmem_shared>>
        tpu.enqueue_dma source(%dma_start3A_19 : memref<16x128xf32, #tpu.memory_space<vmem_shared>>) target(%dma_start3A_16 : memref<16x128xf32, #tpu.memory_space<hbm>>) target_semaphore(%run_scoped3A : memref<!tpu.dma_semaphore, #tpu.memory_space<semaphore_mem>>)
        %dma_wait3A = arith.constant 9984 : i32
        %dma_wait3A_20 = arith.constant 0 : i32
        %dma_wait3A_21 = tpu.memref_slice %arg6[%arg0, %dma_wait3A, %dma_wait3A_20] : memref<2x10000x128xf32, #tpu.memory_space<hbm>> -> memref<1x16x128xf32, #tpu.memory_space<hbm>>
        %dma_wait3A_22 = tpu.memref_squeeze %dma_wait3A_21 : memref<1x16x128xf32, #tpu.memory_space<hbm>> -> memref<16x128xf32, #tpu.memory_space<hbm>>
        %dma_wait3A_23 = arith.constant 9984 : i32
        %dma_wait3A_24 = arith.constant 0 : i32
        %dma_wait3A_25 = tpu.memref_slice %arg10[%dma_wait3A_23, %dma_wait3A_24] : memref<10000x128xf32, #tpu.memory_space<vmem_shared>> -> memref<16x128xf32, #tpu.memory_space<vmem_shared>>
        tpu.wait_dma2 semaphore(%run_scoped3A : memref<!tpu.dma_semaphore, #tpu.memory_space<semaphore_mem>>) src(%dma_wait3A_25 : memref<16x128xf32, #tpu.memory_space<vmem_shared>>) dst(%dma_wait3A_22 : memref<16x128xf32, #tpu.memory_space<hbm>>)
        tpu.yield
      }) : () -> ()
    } else {
    }
    return
  }
}

#map = affine_map<(d0, d1) -> (0, 0, 0, 0)>
#map1 = affine_map<(d0, d1) -> (0, 0, 0)>
#map2 = affine_map<(d0, d1) -> (0, 0)>
module attributes {stable_mosaic.version = 14 : i64} {
  func.func @_agg_kernel(%arg0: i32, %arg1: i32, %arg2: memref<2x16x80x125xi32, #tpu.memory_space<hbm>>, %arg3: memref<16x80x125xi32, #tpu.memory_space<hbm>>, %arg4: memref<20000x128xf32, #tpu.memory_space<hbm>>, %arg5: memref<10000x128xf32, #tpu.memory_space<hbm>>, %arg6: memref<2x10000x128xf32, #tpu.memory_space<hbm>>, %arg7: memref<80x125xi32, #tpu.memory_space<vmem>>, %arg8: memref<80x125xi32, #tpu.memory_space<vmem>>, %arg9: memref<1x125x128xf32, #tpu.memory_space<vmem>>, %arg10: memref<10000x128xf32, #tpu.memory_space<vmem_shared>>, %arg11: memref<!tpu.dma_semaphore, #tpu.memory_space<semaphore_mem>>, %arg12: memref<!tpu.dma_semaphore, #tpu.memory_space<semaphore_mem>>, %arg13: memref<!tpu.dma_semaphore, #tpu.memory_space<semaphore_mem>>, %arg14: memref<!tpu.dma_semaphore, #tpu.memory_space<semaphore_mem>>) attributes {dimension_semantics = [#tpu.dimension_semantics<core_parallel>, #tpu.dimension_semantics<subcore_parallel>], iteration_bounds = array<i64: 2, 16>, scalar_prefetch = 0 : i64, scratch_operands = 8 : i64, tpu.core_type = #tpu.core_type<sc_vector_subcore>, window_params = [{transform_indices = #map}, {transform_indices = #map1}, {transform_indices = #map2}, {transform_indices = #map2}, {transform_indices = #map1}]} {
    %mul3A = arith.constant 624 : i32
    %mul3A_0 = arith.muli %arg1, %mul3A : i32
    "tpu.region"() ({
      %run_scoped3A = tpu.sem_alloc : memref<!tpu.dma_semaphore, #tpu.memory_space<semaphore_mem>>
      %dma_start3A = arith.constant 0 : i32
      %dma_start3A_14 = tpu.memref_slice %arg10[%mul3A_0, %dma_start3A] : memref<10000x128xf32, #tpu.memory_space<vmem_shared>> -> memref<624x128xf32, #tpu.memory_space<vmem_shared>>
      %dma_start3A_15 = arith.constant 0 : i32
      %dma_start3A_16 = tpu.memref_slice %arg5[%mul3A_0, %dma_start3A_15] : memref<10000x128xf32, #tpu.memory_space<hbm>> -> memref<624x128xf32, #tpu.memory_space<hbm>>
      tpu.enqueue_dma source(%dma_start3A_16 : memref<624x128xf32, #tpu.memory_space<hbm>>) target(%dma_start3A_14 : memref<624x128xf32, #tpu.memory_space<vmem_shared>>) target_semaphore(%run_scoped3A : memref<!tpu.dma_semaphore, #tpu.memory_space<semaphore_mem>>)
      %dma_wait3A = arith.constant 0 : i32
      %dma_wait3A_17 = tpu.memref_slice %arg10[%mul3A_0, %dma_wait3A] : memref<10000x128xf32, #tpu.memory_space<vmem_shared>> -> memref<624x128xf32, #tpu.memory_space<vmem_shared>>
      %dma_wait3A_18 = arith.constant 0 : i32
      %dma_wait3A_19 = tpu.memref_slice %arg5[%mul3A_0, %dma_wait3A_18] : memref<10000x128xf32, #tpu.memory_space<hbm>> -> memref<624x128xf32, #tpu.memory_space<hbm>>
      tpu.wait_dma2 semaphore(%run_scoped3A : memref<!tpu.dma_semaphore, #tpu.memory_space<semaphore_mem>>) src(%dma_wait3A_19 : memref<624x128xf32, #tpu.memory_space<hbm>>) dst(%dma_wait3A_17 : memref<624x128xf32, #tpu.memory_space<vmem_shared>>)
      tpu.yield
    }) : () -> ()
    %eq3A = arith.constant 15 : i32
    %eq3A_1 = arith.cmpi eq, %arg1, %eq3A : i32
    %convert_element_type3A = arith.extui %eq3A_1 : i1 to i32
    %cond3A = arith.constant 0 : i32
    %cond3A_2 = arith.cmpi ne, %convert_element_type3A, %cond3A : i32
    scf.if %cond3A_2 {
      "tpu.region"() ({
        %run_scoped3A = tpu.sem_alloc : memref<!tpu.dma_semaphore, #tpu.memory_space<semaphore_mem>>
        %dma_start3A = arith.constant 9984 : i32
        %dma_start3A_14 = arith.constant 0 : i32
        %dma_start3A_15 = tpu.memref_slice %arg10[%dma_start3A, %dma_start3A_14] : memref<10000x128xf32, #tpu.memory_space<vmem_shared>> -> memref<16x128xf32, #tpu.memory_space<vmem_shared>>
        %dma_start3A_16 = arith.constant 9984 : i32
        %dma_start3A_17 = arith.constant 0 : i32
        %dma_start3A_18 = tpu.memref_slice %arg5[%dma_start3A_16, %dma_start3A_17] : memref<10000x128xf32, #tpu.memory_space<hbm>> -> memref<16x128xf32, #tpu.memory_space<hbm>>
        tpu.enqueue_dma source(%dma_start3A_18 : memref<16x128xf32, #tpu.memory_space<hbm>>) target(%dma_start3A_15 : memref<16x128xf32, #tpu.memory_space<vmem_shared>>) target_semaphore(%run_scoped3A : memref<!tpu.dma_semaphore, #tpu.memory_space<semaphore_mem>>)
        %dma_wait3A = arith.constant 9984 : i32
        %dma_wait3A_19 = arith.constant 0 : i32
        %dma_wait3A_20 = tpu.memref_slice %arg10[%dma_wait3A, %dma_wait3A_19] : memref<10000x128xf32, #tpu.memory_space<vmem_shared>> -> memref<16x128xf32, #tpu.memory_space<vmem_shared>>
        %dma_wait3A_21 = arith.constant 9984 : i32
        %dma_wait3A_22 = arith.constant 0 : i32
        %dma_wait3A_23 = tpu.memref_slice %arg5[%dma_wait3A_21, %dma_wait3A_22] : memref<10000x128xf32, #tpu.memory_space<hbm>> -> memref<16x128xf32, #tpu.memory_space<hbm>>
        tpu.wait_dma2 semaphore(%run_scoped3A : memref<!tpu.dma_semaphore, #tpu.memory_space<semaphore_mem>>) src(%dma_wait3A_23 : memref<16x128xf32, #tpu.memory_space<hbm>>) dst(%dma_wait3A_20 : memref<16x128xf32, #tpu.memory_space<vmem_shared>>)
        tpu.yield
      }) : () -> ()
    } else {
    }
    "tpu.region"() ({
      %run_scoped3A = tpu.sem_alloc : memref<!tpu.dma_semaphore, #tpu.memory_space<semaphore_mem>>
      %dma_start3A = arith.constant 0 : i32
      %dma_start3A_14 = arith.constant 0 : i32
      %dma_start3A_15 = tpu.memref_slice %arg2[%arg0, %arg1, %dma_start3A, %dma_start3A_14] : memref<2x16x80x125xi32, #tpu.memory_space<hbm>> -> memref<1x1x80x125xi32, #tpu.memory_space<hbm>>
      %dma_start3A_16 = tpu.memref_squeeze %dma_start3A_15 : memref<1x1x80x125xi32, #tpu.memory_space<hbm>> -> memref<80x125xi32, #tpu.memory_space<hbm>>
      %dma_start3A_17 = arith.constant 0 : i32
      %dma_start3A_18 = arith.constant 0 : i32
      %dma_start3A_19 = tpu.memref_slice %arg2[%arg0, %arg1, %dma_start3A_17, %dma_start3A_18] : memref<2x16x80x125xi32, #tpu.memory_space<hbm>> -> memref<1x1x80x125xi32, #tpu.memory_space<hbm>>
      %dma_start3A_20 = tpu.memref_squeeze %dma_start3A_19 : memref<1x1x80x125xi32, #tpu.memory_space<hbm>> -> memref<80x125xi32, #tpu.memory_space<hbm>>
      tpu.enqueue_dma source(%dma_start3A_20 : memref<80x125xi32, #tpu.memory_space<hbm>>) target(%arg7 : memref<80x125xi32, #tpu.memory_space<vmem>>) target_semaphore(%run_scoped3A : memref<!tpu.dma_semaphore, #tpu.memory_space<semaphore_mem>>)
      %dma_wait3A = arith.constant 0 : i32
      %dma_wait3A_21 = arith.constant 0 : i32
      %dma_wait3A_22 = tpu.memref_slice %arg2[%arg0, %arg1, %dma_wait3A, %dma_wait3A_21] : memref<2x16x80x125xi32, #tpu.memory_space<hbm>> -> memref<1x1x80x125xi32, #tpu.memory_space<hbm>>
      %dma_wait3A_23 = tpu.memref_squeeze %dma_wait3A_22 : memref<1x1x80x125xi32, #tpu.memory_space<hbm>> -> memref<80x125xi32, #tpu.memory_space<hbm>>
      %dma_wait3A_24 = arith.constant 0 : i32
      %dma_wait3A_25 = arith.constant 0 : i32
      %dma_wait3A_26 = tpu.memref_slice %arg2[%arg0, %arg1, %dma_wait3A_24, %dma_wait3A_25] : memref<2x16x80x125xi32, #tpu.memory_space<hbm>> -> memref<1x1x80x125xi32, #tpu.memory_space<hbm>>
      %dma_wait3A_27 = tpu.memref_squeeze %dma_wait3A_26 : memref<1x1x80x125xi32, #tpu.memory_space<hbm>> -> memref<80x125xi32, #tpu.memory_space<hbm>>
      tpu.wait_dma2 semaphore(%run_scoped3A : memref<!tpu.dma_semaphore, #tpu.memory_space<semaphore_mem>>) src(%dma_wait3A_27 : memref<80x125xi32, #tpu.memory_space<hbm>>) dst(%arg7 : memref<80x125xi32, #tpu.memory_space<vmem>>)
      tpu.yield
    }) : () -> ()
    "tpu.region"() ({
      %run_scoped3A = tpu.sem_alloc : memref<!tpu.dma_semaphore, #tpu.memory_space<semaphore_mem>>
      %dma_start3A = arith.constant 0 : i32
      %dma_start3A_14 = arith.constant 0 : i32
      %dma_start3A_15 = tpu.memref_slice %arg3[%arg1, %dma_start3A, %dma_start3A_14] : memref<16x80x125xi32, #tpu.memory_space<hbm>> -> memref<1x80x125xi32, #tpu.memory_space<hbm>>
      %dma_start3A_16 = tpu.memref_squeeze %dma_start3A_15 : memref<1x80x125xi32, #tpu.memory_space<hbm>> -> memref<80x125xi32, #tpu.memory_space<hbm>>
      %dma_start3A_17 = arith.constant 0 : i32
      %dma_start3A_18 = arith.constant 0 : i32
      %dma_start3A_19 = tpu.memref_slice %arg3[%arg1, %dma_start3A_17, %dma_start3A_18] : memref<16x80x125xi32, #tpu.memory_space<hbm>> -> memref<1x80x125xi32, #tpu.memory_space<hbm>>
      %dma_start3A_20 = tpu.memref_squeeze %dma_start3A_19 : memref<1x80x125xi32, #tpu.memory_space<hbm>> -> memref<80x125xi32, #tpu.memory_space<hbm>>
      tpu.enqueue_dma source(%dma_start3A_20 : memref<80x125xi32, #tpu.memory_space<hbm>>) target(%arg8 : memref<80x125xi32, #tpu.memory_space<vmem>>) target_semaphore(%run_scoped3A : memref<!tpu.dma_semaphore, #tpu.memory_space<semaphore_mem>>)
      %dma_wait3A = arith.constant 0 : i32
      %dma_wait3A_21 = arith.constant 0 : i32
      %dma_wait3A_22 = tpu.memref_slice %arg3[%arg1, %dma_wait3A, %dma_wait3A_21] : memref<16x80x125xi32, #tpu.memory_space<hbm>> -> memref<1x80x125xi32, #tpu.memory_space<hbm>>
      %dma_wait3A_23 = tpu.memref_squeeze %dma_wait3A_22 : memref<1x80x125xi32, #tpu.memory_space<hbm>> -> memref<80x125xi32, #tpu.memory_space<hbm>>
      %dma_wait3A_24 = arith.constant 0 : i32
      %dma_wait3A_25 = arith.constant 0 : i32
      %dma_wait3A_26 = tpu.memref_slice %arg3[%arg1, %dma_wait3A_24, %dma_wait3A_25] : memref<16x80x125xi32, #tpu.memory_space<hbm>> -> memref<1x80x125xi32, #tpu.memory_space<hbm>>
      %dma_wait3A_27 = tpu.memref_squeeze %dma_wait3A_26 : memref<1x80x125xi32, #tpu.memory_space<hbm>> -> memref<80x125xi32, #tpu.memory_space<hbm>>
      tpu.wait_dma2 semaphore(%run_scoped3A : memref<!tpu.dma_semaphore, #tpu.memory_space<semaphore_mem>>) src(%dma_wait3A_27 : memref<80x125xi32, #tpu.memory_space<hbm>>) dst(%arg8 : memref<80x125xi32, #tpu.memory_space<vmem>>)
      tpu.yield
    }) : () -> ()
    %barrier3A = arith.constant 0 : index
    tpu.barrier barrier_id(%barrier3A)
    %scan3A = arith.constant 0 : i32
    %scan3A_3 = arith.constant 0 : i32
    %scan3A_4 = arith.constant 80 : i32
    %scan3A_5 = arith.addi %scan3A_3, %scan3A_4 : i32
    %scan3A_6 = arith.constant 1 : i32
    scf.for %scan3A_14 = %scan3A_3 to %scan3A_5 step %scan3A_6  : i32 {
      %run_scoped3A = arith.constant 0 : i32
      "tpu.region"() ({
        %run_scoped3A_16 = tpu.sem_alloc : memref<!tpu.dma_semaphore, #tpu.memory_space<semaphore_mem>>
        %dma_start3A = arith.constant 0 : i32
        %dma_start3A_17 = arith.constant 0 : i32
        %dma_start3A_18 = tpu.memref_slice %arg9[%run_scoped3A, %dma_start3A, %dma_start3A_17] : memref<1x125x128xf32, #tpu.memory_space<vmem>> -> memref<1x125x128xf32, #tpu.memory_space<vmem>>
        %dma_start3A_19 = tpu.memref_squeeze %dma_start3A_18 : memref<1x125x128xf32, #tpu.memory_space<vmem>> -> memref<125x128xf32, #tpu.memory_space<vmem>>
        %dma_start3A_20 = arith.constant 0 : i32
        %dma_start3A_21 = tpu.memref_slice %arg7[%scan3A_14, %dma_start3A_20] : memref<80x125xi32, #tpu.memory_space<vmem>> -> memref<1x125xi32, #tpu.memory_space<vmem>>
        %dma_start3A_22 = tpu.memref_squeeze %dma_start3A_21 : memref<1x125xi32, #tpu.memory_space<vmem>> -> memref<125xi32, #tpu.memory_space<vmem>>
        %dma_start3A_23 = arith.constant 0 : i32
        %dma_start3A_24 = arith.constant 0 : i32
        %dma_start3A_25 = tpu.memref_slice %arg4[%dma_start3A_23, %dma_start3A_24] : memref<20000x128xf32, #tpu.memory_space<hbm>> -> memref<20000x128xf32, #tpu.memory_space<hbm>>
        tpu.enqueue_indirect_dma source(%dma_start3A_25 : memref<20000x128xf32, #tpu.memory_space<hbm>>) target(%dma_start3A_19 : memref<125x128xf32, #tpu.memory_space<vmem>>) offsets(%dma_start3A_22 : memref<125xi32, #tpu.memory_space<vmem>>) semaphore(%run_scoped3A_16 : memref<!tpu.dma_semaphore, #tpu.memory_space<semaphore_mem>>)
        %dma_wait3A = arith.constant 0 : i32
        %dma_wait3A_26 = arith.constant 0 : i32
        %dma_wait3A_27 = tpu.memref_slice %arg9[%run_scoped3A, %dma_wait3A, %dma_wait3A_26] : memref<1x125x128xf32, #tpu.memory_space<vmem>> -> memref<1x125x128xf32, #tpu.memory_space<vmem>>
        %dma_wait3A_28 = tpu.memref_squeeze %dma_wait3A_27 : memref<1x125x128xf32, #tpu.memory_space<vmem>> -> memref<125x128xf32, #tpu.memory_space<vmem>>
        %dma_wait3A_29 = arith.constant 0 : i32
        %dma_wait3A_30 = tpu.memref_slice %arg7[%scan3A_14, %dma_wait3A_29] : memref<80x125xi32, #tpu.memory_space<vmem>> -> memref<1x125xi32, #tpu.memory_space<vmem>>
        %dma_wait3A_31 = tpu.memref_squeeze %dma_wait3A_30 : memref<1x125xi32, #tpu.memory_space<vmem>> -> memref<125xi32, #tpu.memory_space<vmem>>
        %dma_wait3A_32 = arith.constant 0 : i32
        %dma_wait3A_33 = arith.constant 0 : i32
        %dma_wait3A_34 = tpu.memref_slice %arg4[%dma_wait3A_32, %dma_wait3A_33] : memref<20000x128xf32, #tpu.memory_space<hbm>> -> memref<20000x128xf32, #tpu.memory_space<hbm>>
        tpu.wait_indirect_dma semaphore(%run_scoped3A_16 : memref<!tpu.dma_semaphore, #tpu.memory_space<semaphore_mem>>) src(%dma_wait3A_34 : memref<20000x128xf32, #tpu.memory_space<hbm>>) dst(%dma_wait3A_28 : memref<125x128xf32, #tpu.memory_space<vmem>>)
        tpu.yield
      }) : () -> ()
      %run_scoped3A_15 = arith.constant 0 : i32
      "tpu.region"() ({
        %run_scoped3A_16 = tpu.sem_alloc : memref<!tpu.dma_semaphore, #tpu.memory_space<semaphore_mem>>
        %dma_start3A = arith.constant 0 : i32
        %dma_start3A_17 = arith.constant 0 : i32
        %dma_start3A_18 = tpu.memref_slice %arg9[%run_scoped3A_15, %dma_start3A, %dma_start3A_17] : memref<1x125x128xf32, #tpu.memory_space<vmem>> -> memref<1x125x128xf32, #tpu.memory_space<vmem>>
        %dma_start3A_19 = tpu.memref_squeeze %dma_start3A_18 : memref<1x125x128xf32, #tpu.memory_space<vmem>> -> memref<125x128xf32, #tpu.memory_space<vmem>>
        %dma_start3A_20 = arith.constant 0 : i32
        %dma_start3A_21 = tpu.memref_slice %arg8[%scan3A_14, %dma_start3A_20] : memref<80x125xi32, #tpu.memory_space<vmem>> -> memref<1x125xi32, #tpu.memory_space<vmem>>
        %dma_start3A_22 = tpu.memref_squeeze %dma_start3A_21 : memref<1x125xi32, #tpu.memory_space<vmem>> -> memref<125xi32, #tpu.memory_space<vmem>>
        %dma_start3A_23 = arith.constant 0 : i32
        %dma_start3A_24 = arith.constant 0 : i32
        %dma_start3A_25 = tpu.memref_slice %arg10[%dma_start3A_23, %dma_start3A_24] : memref<10000x128xf32, #tpu.memory_space<vmem_shared>> -> memref<10000x128xf32, #tpu.memory_space<vmem_shared>>
        tpu.enqueue_indirect_dma source(%dma_start3A_19 : memref<125x128xf32, #tpu.memory_space<vmem>>) target(%dma_start3A_25 : memref<10000x128xf32, #tpu.memory_space<vmem_shared>>) offsets(%dma_start3A_22 : memref<125xi32, #tpu.memory_space<vmem>>) semaphore(%run_scoped3A_16 : memref<!tpu.dma_semaphore, #tpu.memory_space<semaphore_mem>>) {add = true}
        %dma_wait3A = arith.constant 0 : i32
        %dma_wait3A_26 = arith.constant 0 : i32
        %dma_wait3A_27 = tpu.memref_slice %arg9[%run_scoped3A_15, %dma_wait3A, %dma_wait3A_26] : memref<1x125x128xf32, #tpu.memory_space<vmem>> -> memref<1x125x128xf32, #tpu.memory_space<vmem>>
        %dma_wait3A_28 = tpu.memref_squeeze %dma_wait3A_27 : memref<1x125x128xf32, #tpu.memory_space<vmem>> -> memref<125x128xf32, #tpu.memory_space<vmem>>
        %dma_wait3A_29 = arith.constant 0 : i32
        %dma_wait3A_30 = tpu.memref_slice %arg8[%scan3A_14, %dma_wait3A_29] : memref<80x125xi32, #tpu.memory_space<vmem>> -> memref<1x125xi32, #tpu.memory_space<vmem>>
        %dma_wait3A_31 = tpu.memref_squeeze %dma_wait3A_30 : memref<1x125xi32, #tpu.memory_space<vmem>> -> memref<125xi32, #tpu.memory_space<vmem>>
        %dma_wait3A_32 = arith.constant 0 : i32
        %dma_wait3A_33 = arith.constant 0 : i32
        %dma_wait3A_34 = tpu.memref_slice %arg10[%dma_wait3A_32, %dma_wait3A_33] : memref<10000x128xf32, #tpu.memory_space<vmem_shared>> -> memref<10000x128xf32, #tpu.memory_space<vmem_shared>>
        tpu.wait_indirect_dma semaphore(%run_scoped3A_16 : memref<!tpu.dma_semaphore, #tpu.memory_space<semaphore_mem>>) src(%dma_wait3A_28 : memref<125x128xf32, #tpu.memory_space<vmem>>) dst(%dma_wait3A_34 : memref<10000x128xf32, #tpu.memory_space<vmem_shared>>)
        tpu.yield
      }) : () -> ()
    }
    %scan3A_7 = arith.constant 80 : i32
    %barrier3A_8 = arith.constant 0 : index
    tpu.barrier barrier_id(%barrier3A_8)
    "tpu.region"() ({
      %run_scoped3A = tpu.sem_alloc : memref<!tpu.dma_semaphore, #tpu.memory_space<semaphore_mem>>
      %dma_start3A = arith.constant 0 : i32
      %dma_start3A_14 = tpu.memref_slice %arg6[%arg0, %mul3A_0, %dma_start3A] : memref<2x10000x128xf32, #tpu.memory_space<hbm>> -> memref<1x624x128xf32, #tpu.memory_space<hbm>>
      %dma_start3A_15 = tpu.memref_squeeze %dma_start3A_14 : memref<1x624x128xf32, #tpu.memory_space<hbm>> -> memref<624x128xf32, #tpu.memory_space<hbm>>
      %dma_start3A_16 = arith.constant 0 : i32
      %dma_start3A_17 = tpu.memref_slice %arg10[%mul3A_0, %dma_start3A_16] : memref<10000x128xf32, #tpu.memory_space<vmem_shared>> -> memref<624x128xf32, #tpu.memory_space<vmem_shared>>
      tpu.enqueue_dma source(%dma_start3A_17 : memref<624x128xf32, #tpu.memory_space<vmem_shared>>) target(%dma_start3A_15 : memref<624x128xf32, #tpu.memory_space<hbm>>) target_semaphore(%run_scoped3A : memref<!tpu.dma_semaphore, #tpu.memory_space<semaphore_mem>>)
      %dma_wait3A = arith.constant 0 : i32
      %dma_wait3A_18 = tpu.memref_slice %arg6[%arg0, %mul3A_0, %dma_wait3A] : memref<2x10000x128xf32, #tpu.memory_space<hbm>> -> memref<1x624x128xf32, #tpu.memory_space<hbm>>
      %dma_wait3A_19 = tpu.memref_squeeze %dma_wait3A_18 : memref<1x624x128xf32, #tpu.memory_space<hbm>> -> memref<624x128xf32, #tpu.memory_space<hbm>>
      %dma_wait3A_20 = arith.constant 0 : i32
      %dma_wait3A_21 = tpu.memref_slice %arg10[%mul3A_0, %dma_wait3A_20] : memref<10000x128xf32, #tpu.memory_space<vmem_shared>> -> memref<624x128xf32, #tpu.memory_space<vmem_shared>>
      tpu.wait_dma2 semaphore(%run_scoped3A : memref<!tpu.dma_semaphore, #tpu.memory_space<semaphore_mem>>) src(%dma_wait3A_21 : memref<624x128xf32, #tpu.memory_space<vmem_shared>>) dst(%dma_wait3A_19 : memref<624x128xf32, #tpu.memory_space<hbm>>)
      tpu.yield
    }) : () -> ()
    %eq3A_9 = arith.constant 15 : i32
    %eq3A_10 = arith.cmpi eq, %arg1, %eq3A_9 : i32
    %convert_element_type3A_11 = arith.extui %eq3A_10 : i1 to i32
    %cond3A_12 = arith.constant 0 : i32
    %cond3A_13 = arith.cmpi ne, %convert_element_type3A_11, %cond3A_12 : i32
    scf.if %cond3A_13 {
      "tpu.region"() ({
        %run_scoped3A = tpu.sem_alloc : memref<!tpu.dma_semaphore, #tpu.memory_space<semaphore_mem>>
        %dma_start3A = arith.constant 9984 : i32
        %dma_start3A_14 = arith.constant 0 : i32
        %dma_start3A_15 = tpu.memref_slice %arg6[%arg0, %dma_start3A, %dma_start3A_14] : memref<2x10000x128xf32, #tpu.memory_space<hbm>> -> memref<1x16x128xf32, #tpu.memory_space<hbm>>
        %dma_start3A_16 = tpu.memref_squeeze %dma_start3A_15 : memref<1x16x128xf32, #tpu.memory_space<hbm>> -> memref<16x128xf32, #tpu.memory_space<hbm>>
        %dma_start3A_17 = arith.constant 9984 : i32
        %dma_start3A_18 = arith.constant 0 : i32
        %dma_start3A_19 = tpu.memref_slice %arg10[%dma_start3A_17, %dma_start3A_18] : memref<10000x128xf32, #tpu.memory_space<vmem_shared>> -> memref<16x128xf32, #tpu.memory_space<vmem_shared>>
        tpu.enqueue_dma source(%dma_start3A_19 : memref<16x128xf32, #tpu.memory_space<vmem_shared>>) target(%dma_start3A_16 : memref<16x128xf32, #tpu.memory_space<hbm>>) target_semaphore(%run_scoped3A : memref<!tpu.dma_semaphore, #tpu.memory_space<semaphore_mem>>)
        %dma_wait3A = arith.constant 9984 : i32
        %dma_wait3A_20 = arith.constant 0 : i32
        %dma_wait3A_21 = tpu.memref_slice %arg6[%arg0, %dma_wait3A, %dma_wait3A_20] : memref<2x10000x128xf32, #tpu.memory_space<hbm>> -> memref<1x16x128xf32, #tpu.memory_space<hbm>>
        %dma_wait3A_22 = tpu.memref_squeeze %dma_wait3A_21 : memref<1x16x128xf32, #tpu.memory_space<hbm>> -> memref<16x128xf32, #tpu.memory_space<hbm>>
        %dma_wait3A_23 = arith.constant 9984 : i32
        %dma_wait3A_24 = arith.constant 0 : i32
        %dma_wait3A_25 = tpu.memref_slice %arg10[%dma_wait3A_23, %dma_wait3A_24] : memref<10000x128xf32, #tpu.memory_space<vmem_shared>> -> memref<16x128xf32, #tpu.memory_space<vmem_shared>>
        tpu.wait_dma2 semaphore(%run_scoped3A : memref<!tpu.dma_semaphore, #tpu.memory_space<semaphore_mem>>) src(%dma_wait3A_25 : memref<16x128xf32, #tpu.memory_space<vmem_shared>>) dst(%dma_wait3A_22 : memref<16x128xf32, #tpu.memory_space<hbm>>)
        tpu.yield
      }) : () -> ()
    } else {
    }
    return
  }
}

#map = affine_map<(d0, d1) -> (0, 0, 0, 0)>
#map1 = affine_map<(d0, d1) -> (0, 0, 0)>
#map2 = affine_map<(d0, d1) -> (0, 0)>
module attributes {stable_mosaic.version = 14 : i64} {
  func.func @_agg_kernel(%arg0: i32, %arg1: i32, %arg2: memref<2x16x80x125xi32, #tpu.memory_space<hbm>>, %arg3: memref<16x80x125xi32, #tpu.memory_space<hbm>>, %arg4: memref<20000x128xf32, #tpu.memory_space<hbm>>, %arg5: memref<10000x128xf32, #tpu.memory_space<hbm>>, %arg6: memref<2x10000x128xf32, #tpu.memory_space<hbm>>, %arg7: memref<80x125xi32, #tpu.memory_space<vmem>>, %arg8: memref<80x125xi32, #tpu.memory_space<vmem>>, %arg9: memref<1x125x128xf32, #tpu.memory_space<vmem>>, %arg10: memref<10000x128xf32, #tpu.memory_space<vmem_shared>>, %arg11: memref<!tpu.dma_semaphore, #tpu.memory_space<semaphore_mem>>, %arg12: memref<!tpu.dma_semaphore, #tpu.memory_space<semaphore_mem>>, %arg13: memref<!tpu.dma_semaphore, #tpu.memory_space<semaphore_mem>>, %arg14: memref<!tpu.dma_semaphore, #tpu.memory_space<semaphore_mem>>) attributes {dimension_semantics = [#tpu.dimension_semantics<core_parallel>, #tpu.dimension_semantics<subcore_parallel>], iteration_bounds = array<i64: 2, 16>, scalar_prefetch = 0 : i64, scratch_operands = 8 : i64, tpu.core_type = #tpu.core_type<sc_vector_subcore>, window_params = [{transform_indices = #map}, {transform_indices = #map1}, {transform_indices = #map2}, {transform_indices = #map2}, {transform_indices = #map1}]} {
    %mul3A = arith.constant 624 : i32
    %mul3A_0 = arith.muli %arg1, %mul3A : i32
    "tpu.region"() ({
      %run_scoped3A = tpu.sem_alloc : memref<!tpu.dma_semaphore, #tpu.memory_space<semaphore_mem>>
      %dma_start3A = arith.constant 0 : i32
      %dma_start3A_14 = tpu.memref_slice %arg10[%mul3A_0, %dma_start3A] : memref<10000x128xf32, #tpu.memory_space<vmem_shared>> -> memref<624x128xf32, #tpu.memory_space<vmem_shared>>
      %dma_start3A_15 = arith.constant 0 : i32
      %dma_start3A_16 = tpu.memref_slice %arg5[%mul3A_0, %dma_start3A_15] : memref<10000x128xf32, #tpu.memory_space<hbm>> -> memref<624x128xf32, #tpu.memory_space<hbm>>
      tpu.enqueue_dma source(%dma_start3A_16 : memref<624x128xf32, #tpu.memory_space<hbm>>) target(%dma_start3A_14 : memref<624x128xf32, #tpu.memory_space<vmem_shared>>) target_semaphore(%run_scoped3A : memref<!tpu.dma_semaphore, #tpu.memory_space<semaphore_mem>>)
      %dma_wait3A = arith.constant 0 : i32
      %dma_wait3A_17 = tpu.memref_slice %arg10[%mul3A_0, %dma_wait3A] : memref<10000x128xf32, #tpu.memory_space<vmem_shared>> -> memref<624x128xf32, #tpu.memory_space<vmem_shared>>
      %dma_wait3A_18 = arith.constant 0 : i32
      %dma_wait3A_19 = tpu.memref_slice %arg5[%mul3A_0, %dma_wait3A_18] : memref<10000x128xf32, #tpu.memory_space<hbm>> -> memref<624x128xf32, #tpu.memory_space<hbm>>
      tpu.wait_dma2 semaphore(%run_scoped3A : memref<!tpu.dma_semaphore, #tpu.memory_space<semaphore_mem>>) src(%dma_wait3A_19 : memref<624x128xf32, #tpu.memory_space<hbm>>) dst(%dma_wait3A_17 : memref<624x128xf32, #tpu.memory_space<vmem_shared>>)
      tpu.yield
    }) : () -> ()
    %eq3A = arith.constant 15 : i32
    %eq3A_1 = arith.cmpi eq, %arg1, %eq3A : i32
    %convert_element_type3A = arith.extui %eq3A_1 : i1 to i32
    %cond3A = arith.constant 0 : i32
    %cond3A_2 = arith.cmpi ne, %convert_element_type3A, %cond3A : i32
    scf.if %cond3A_2 {
      "tpu.region"() ({
        %run_scoped3A = tpu.sem_alloc : memref<!tpu.dma_semaphore, #tpu.memory_space<semaphore_mem>>
        %dma_start3A = arith.constant 9984 : i32
        %dma_start3A_14 = arith.constant 0 : i32
        %dma_start3A_15 = tpu.memref_slice %arg10[%dma_start3A, %dma_start3A_14] : memref<10000x128xf32, #tpu.memory_space<vmem_shared>> -> memref<16x128xf32, #tpu.memory_space<vmem_shared>>
        %dma_start3A_16 = arith.constant 9984 : i32
        %dma_start3A_17 = arith.constant 0 : i32
        %dma_start3A_18 = tpu.memref_slice %arg5[%dma_start3A_16, %dma_start3A_17] : memref<10000x128xf32, #tpu.memory_space<hbm>> -> memref<16x128xf32, #tpu.memory_space<hbm>>
        tpu.enqueue_dma source(%dma_start3A_18 : memref<16x128xf32, #tpu.memory_space<hbm>>) target(%dma_start3A_15 : memref<16x128xf32, #tpu.memory_space<vmem_shared>>) target_semaphore(%run_scoped3A : memref<!tpu.dma_semaphore, #tpu.memory_space<semaphore_mem>>)
        %dma_wait3A = arith.constant 9984 : i32
        %dma_wait3A_19 = arith.constant 0 : i32
        %dma_wait3A_20 = tpu.memref_slice %arg10[%dma_wait3A, %dma_wait3A_19] : memref<10000x128xf32, #tpu.memory_space<vmem_shared>> -> memref<16x128xf32, #tpu.memory_space<vmem_shared>>
        %dma_wait3A_21 = arith.constant 9984 : i32
        %dma_wait3A_22 = arith.constant 0 : i32
        %dma_wait3A_23 = tpu.memref_slice %arg5[%dma_wait3A_21, %dma_wait3A_22] : memref<10000x128xf32, #tpu.memory_space<hbm>> -> memref<16x128xf32, #tpu.memory_space<hbm>>
        tpu.wait_dma2 semaphore(%run_scoped3A : memref<!tpu.dma_semaphore, #tpu.memory_space<semaphore_mem>>) src(%dma_wait3A_23 : memref<16x128xf32, #tpu.memory_space<hbm>>) dst(%dma_wait3A_20 : memref<16x128xf32, #tpu.memory_space<vmem_shared>>)
        tpu.yield
      }) : () -> ()
    } else {
    }
    "tpu.region"() ({
      %run_scoped3A = tpu.sem_alloc : memref<!tpu.dma_semaphore, #tpu.memory_space<semaphore_mem>>
      %dma_start3A = arith.constant 0 : i32
      %dma_start3A_14 = arith.constant 0 : i32
      %dma_start3A_15 = tpu.memref_slice %arg2[%arg0, %arg1, %dma_start3A, %dma_start3A_14] : memref<2x16x80x125xi32, #tpu.memory_space<hbm>> -> memref<1x1x80x125xi32, #tpu.memory_space<hbm>>
      %dma_start3A_16 = tpu.memref_squeeze %dma_start3A_15 : memref<1x1x80x125xi32, #tpu.memory_space<hbm>> -> memref<80x125xi32, #tpu.memory_space<hbm>>
      %dma_start3A_17 = arith.constant 0 : i32
      %dma_start3A_18 = arith.constant 0 : i32
      %dma_start3A_19 = tpu.memref_slice %arg2[%arg0, %arg1, %dma_start3A_17, %dma_start3A_18] : memref<2x16x80x125xi32, #tpu.memory_space<hbm>> -> memref<1x1x80x125xi32, #tpu.memory_space<hbm>>
      %dma_start3A_20 = tpu.memref_squeeze %dma_start3A_19 : memref<1x1x80x125xi32, #tpu.memory_space<hbm>> -> memref<80x125xi32, #tpu.memory_space<hbm>>
      tpu.enqueue_dma source(%dma_start3A_20 : memref<80x125xi32, #tpu.memory_space<hbm>>) target(%arg7 : memref<80x125xi32, #tpu.memory_space<vmem>>) target_semaphore(%run_scoped3A : memref<!tpu.dma_semaphore, #tpu.memory_space<semaphore_mem>>)
      %dma_wait3A = arith.constant 0 : i32
      %dma_wait3A_21 = arith.constant 0 : i32
      %dma_wait3A_22 = tpu.memref_slice %arg2[%arg0, %arg1, %dma_wait3A, %dma_wait3A_21] : memref<2x16x80x125xi32, #tpu.memory_space<hbm>> -> memref<1x1x80x125xi32, #tpu.memory_space<hbm>>
      %dma_wait3A_23 = tpu.memref_squeeze %dma_wait3A_22 : memref<1x1x80x125xi32, #tpu.memory_space<hbm>> -> memref<80x125xi32, #tpu.memory_space<hbm>>
      %dma_wait3A_24 = arith.constant 0 : i32
      %dma_wait3A_25 = arith.constant 0 : i32
      %dma_wait3A_26 = tpu.memref_slice %arg2[%arg0, %arg1, %dma_wait3A_24, %dma_wait3A_25] : memref<2x16x80x125xi32, #tpu.memory_space<hbm>> -> memref<1x1x80x125xi32, #tpu.memory_space<hbm>>
      %dma_wait3A_27 = tpu.memref_squeeze %dma_wait3A_26 : memref<1x1x80x125xi32, #tpu.memory_space<hbm>> -> memref<80x125xi32, #tpu.memory_space<hbm>>
      tpu.wait_dma2 semaphore(%run_scoped3A : memref<!tpu.dma_semaphore, #tpu.memory_space<semaphore_mem>>) src(%dma_wait3A_27 : memref<80x125xi32, #tpu.memory_space<hbm>>) dst(%arg7 : memref<80x125xi32, #tpu.memory_space<vmem>>)
      tpu.yield
    }) : () -> ()
    "tpu.region"() ({
      %run_scoped3A = tpu.sem_alloc : memref<!tpu.dma_semaphore, #tpu.memory_space<semaphore_mem>>
      %dma_start3A = arith.constant 0 : i32
      %dma_start3A_14 = arith.constant 0 : i32
      %dma_start3A_15 = tpu.memref_slice %arg3[%arg1, %dma_start3A, %dma_start3A_14] : memref<16x80x125xi32, #tpu.memory_space<hbm>> -> memref<1x80x125xi32, #tpu.memory_space<hbm>>
      %dma_start3A_16 = tpu.memref_squeeze %dma_start3A_15 : memref<1x80x125xi32, #tpu.memory_space<hbm>> -> memref<80x125xi32, #tpu.memory_space<hbm>>
      %dma_start3A_17 = arith.constant 0 : i32
      %dma_start3A_18 = arith.constant 0 : i32
      %dma_start3A_19 = tpu.memref_slice %arg3[%arg1, %dma_start3A_17, %dma_start3A_18] : memref<16x80x125xi32, #tpu.memory_space<hbm>> -> memref<1x80x125xi32, #tpu.memory_space<hbm>>
      %dma_start3A_20 = tpu.memref_squeeze %dma_start3A_19 : memref<1x80x125xi32, #tpu.memory_space<hbm>> -> memref<80x125xi32, #tpu.memory_space<hbm>>
      tpu.enqueue_dma source(%dma_start3A_20 : memref<80x125xi32, #tpu.memory_space<hbm>>) target(%arg8 : memref<80x125xi32, #tpu.memory_space<vmem>>) target_semaphore(%run_scoped3A : memref<!tpu.dma_semaphore, #tpu.memory_space<semaphore_mem>>)
      %dma_wait3A = arith.constant 0 : i32
      %dma_wait3A_21 = arith.constant 0 : i32
      %dma_wait3A_22 = tpu.memref_slice %arg3[%arg1, %dma_wait3A, %dma_wait3A_21] : memref<16x80x125xi32, #tpu.memory_space<hbm>> -> memref<1x80x125xi32, #tpu.memory_space<hbm>>
      %dma_wait3A_23 = tpu.memref_squeeze %dma_wait3A_22 : memref<1x80x125xi32, #tpu.memory_space<hbm>> -> memref<80x125xi32, #tpu.memory_space<hbm>>
      %dma_wait3A_24 = arith.constant 0 : i32
      %dma_wait3A_25 = arith.constant 0 : i32
      %dma_wait3A_26 = tpu.memref_slice %arg3[%arg1, %dma_wait3A_24, %dma_wait3A_25] : memref<16x80x125xi32, #tpu.memory_space<hbm>> -> memref<1x80x125xi32, #tpu.memory_space<hbm>>
      %dma_wait3A_27 = tpu.memref_squeeze %dma_wait3A_26 : memref<1x80x125xi32, #tpu.memory_space<hbm>> -> memref<80x125xi32, #tpu.memory_space<hbm>>
      tpu.wait_dma2 semaphore(%run_scoped3A : memref<!tpu.dma_semaphore, #tpu.memory_space<semaphore_mem>>) src(%dma_wait3A_27 : memref<80x125xi32, #tpu.memory_space<hbm>>) dst(%arg8 : memref<80x125xi32, #tpu.memory_space<vmem>>)
      tpu.yield
    }) : () -> ()
    %barrier3A = arith.constant 0 : index
    tpu.barrier barrier_id(%barrier3A)
    %scan3A = arith.constant 0 : i32
    %scan3A_3 = arith.constant 0 : i32
    %scan3A_4 = arith.constant 80 : i32
    %scan3A_5 = arith.addi %scan3A_3, %scan3A_4 : i32
    %scan3A_6 = arith.constant 1 : i32
    scf.for %scan3A_14 = %scan3A_3 to %scan3A_5 step %scan3A_6  : i32 {
      %run_scoped3A = arith.constant 0 : i32
      "tpu.region"() ({
        %run_scoped3A_16 = tpu.sem_alloc : memref<!tpu.dma_semaphore, #tpu.memory_space<semaphore_mem>>
        %dma_start3A = arith.constant 0 : i32
        %dma_start3A_17 = arith.constant 0 : i32
        %dma_start3A_18 = tpu.memref_slice %arg9[%run_scoped3A, %dma_start3A, %dma_start3A_17] : memref<1x125x128xf32, #tpu.memory_space<vmem>> -> memref<1x125x128xf32, #tpu.memory_space<vmem>>
        %dma_start3A_19 = tpu.memref_squeeze %dma_start3A_18 : memref<1x125x128xf32, #tpu.memory_space<vmem>> -> memref<125x128xf32, #tpu.memory_space<vmem>>
        %dma_start3A_20 = arith.constant 0 : i32
        %dma_start3A_21 = tpu.memref_slice %arg7[%scan3A_14, %dma_start3A_20] : memref<80x125xi32, #tpu.memory_space<vmem>> -> memref<1x125xi32, #tpu.memory_space<vmem>>
        %dma_start3A_22 = tpu.memref_squeeze %dma_start3A_21 : memref<1x125xi32, #tpu.memory_space<vmem>> -> memref<125xi32, #tpu.memory_space<vmem>>
        %dma_start3A_23 = arith.constant 0 : i32
        %dma_start3A_24 = arith.constant 0 : i32
        %dma_start3A_25 = tpu.memref_slice %arg4[%dma_start3A_23, %dma_start3A_24] : memref<20000x128xf32, #tpu.memory_space<hbm>> -> memref<20000x128xf32, #tpu.memory_space<hbm>>
        tpu.enqueue_indirect_dma source(%dma_start3A_25 : memref<20000x128xf32, #tpu.memory_space<hbm>>) target(%dma_start3A_19 : memref<125x128xf32, #tpu.memory_space<vmem>>) offsets(%dma_start3A_22 : memref<125xi32, #tpu.memory_space<vmem>>) semaphore(%run_scoped3A_16 : memref<!tpu.dma_semaphore, #tpu.memory_space<semaphore_mem>>)
        %dma_wait3A = arith.constant 0 : i32
        %dma_wait3A_26 = arith.constant 0 : i32
        %dma_wait3A_27 = tpu.memref_slice %arg9[%run_scoped3A, %dma_wait3A, %dma_wait3A_26] : memref<1x125x128xf32, #tpu.memory_space<vmem>> -> memref<1x125x128xf32, #tpu.memory_space<vmem>>
        %dma_wait3A_28 = tpu.memref_squeeze %dma_wait3A_27 : memref<1x125x128xf32, #tpu.memory_space<vmem>> -> memref<125x128xf32, #tpu.memory_space<vmem>>
        %dma_wait3A_29 = arith.constant 0 : i32
        %dma_wait3A_30 = tpu.memref_slice %arg7[%scan3A_14, %dma_wait3A_29] : memref<80x125xi32, #tpu.memory_space<vmem>> -> memref<1x125xi32, #tpu.memory_space<vmem>>
        %dma_wait3A_31 = tpu.memref_squeeze %dma_wait3A_30 : memref<1x125xi32, #tpu.memory_space<vmem>> -> memref<125xi32, #tpu.memory_space<vmem>>
        %dma_wait3A_32 = arith.constant 0 : i32
        %dma_wait3A_33 = arith.constant 0 : i32
        %dma_wait3A_34 = tpu.memref_slice %arg4[%dma_wait3A_32, %dma_wait3A_33] : memref<20000x128xf32, #tpu.memory_space<hbm>> -> memref<20000x128xf32, #tpu.memory_space<hbm>>
        tpu.wait_indirect_dma semaphore(%run_scoped3A_16 : memref<!tpu.dma_semaphore, #tpu.memory_space<semaphore_mem>>) src(%dma_wait3A_34 : memref<20000x128xf32, #tpu.memory_space<hbm>>) dst(%dma_wait3A_28 : memref<125x128xf32, #tpu.memory_space<vmem>>)
        tpu.yield
      }) : () -> ()
      %run_scoped3A_15 = arith.constant 0 : i32
      "tpu.region"() ({
        %run_scoped3A_16 = tpu.sem_alloc : memref<!tpu.dma_semaphore, #tpu.memory_space<semaphore_mem>>
        %dma_start3A = arith.constant 0 : i32
        %dma_start3A_17 = arith.constant 0 : i32
        %dma_start3A_18 = tpu.memref_slice %arg9[%run_scoped3A_15, %dma_start3A, %dma_start3A_17] : memref<1x125x128xf32, #tpu.memory_space<vmem>> -> memref<1x125x128xf32, #tpu.memory_space<vmem>>
        %dma_start3A_19 = tpu.memref_squeeze %dma_start3A_18 : memref<1x125x128xf32, #tpu.memory_space<vmem>> -> memref<125x128xf32, #tpu.memory_space<vmem>>
        %dma_start3A_20 = arith.constant 0 : i32
        %dma_start3A_21 = tpu.memref_slice %arg8[%scan3A_14, %dma_start3A_20] : memref<80x125xi32, #tpu.memory_space<vmem>> -> memref<1x125xi32, #tpu.memory_space<vmem>>
        %dma_start3A_22 = tpu.memref_squeeze %dma_start3A_21 : memref<1x125xi32, #tpu.memory_space<vmem>> -> memref<125xi32, #tpu.memory_space<vmem>>
        %dma_start3A_23 = arith.constant 0 : i32
        %dma_start3A_24 = arith.constant 0 : i32
        %dma_start3A_25 = tpu.memref_slice %arg10[%dma_start3A_23, %dma_start3A_24] : memref<10000x128xf32, #tpu.memory_space<vmem_shared>> -> memref<10000x128xf32, #tpu.memory_space<vmem_shared>>
        tpu.enqueue_indirect_dma source(%dma_start3A_19 : memref<125x128xf32, #tpu.memory_space<vmem>>) target(%dma_start3A_25 : memref<10000x128xf32, #tpu.memory_space<vmem_shared>>) offsets(%dma_start3A_22 : memref<125xi32, #tpu.memory_space<vmem>>) semaphore(%run_scoped3A_16 : memref<!tpu.dma_semaphore, #tpu.memory_space<semaphore_mem>>) {add = true}
        %dma_wait3A = arith.constant 0 : i32
        %dma_wait3A_26 = arith.constant 0 : i32
        %dma_wait3A_27 = tpu.memref_slice %arg9[%run_scoped3A_15, %dma_wait3A, %dma_wait3A_26] : memref<1x125x128xf32, #tpu.memory_space<vmem>> -> memref<1x125x128xf32, #tpu.memory_space<vmem>>
        %dma_wait3A_28 = tpu.memref_squeeze %dma_wait3A_27 : memref<1x125x128xf32, #tpu.memory_space<vmem>> -> memref<125x128xf32, #tpu.memory_space<vmem>>
        %dma_wait3A_29 = arith.constant 0 : i32
        %dma_wait3A_30 = tpu.memref_slice %arg8[%scan3A_14, %dma_wait3A_29] : memref<80x125xi32, #tpu.memory_space<vmem>> -> memref<1x125xi32, #tpu.memory_space<vmem>>
        %dma_wait3A_31 = tpu.memref_squeeze %dma_wait3A_30 : memref<1x125xi32, #tpu.memory_space<vmem>> -> memref<125xi32, #tpu.memory_space<vmem>>
        %dma_wait3A_32 = arith.constant 0 : i32
        %dma_wait3A_33 = arith.constant 0 : i32
        %dma_wait3A_34 = tpu.memref_slice %arg10[%dma_wait3A_32, %dma_wait3A_33] : memref<10000x128xf32, #tpu.memory_space<vmem_shared>> -> memref<10000x128xf32, #tpu.memory_space<vmem_shared>>
        tpu.wait_indirect_dma semaphore(%run_scoped3A_16 : memref<!tpu.dma_semaphore, #tpu.memory_space<semaphore_mem>>) src(%dma_wait3A_28 : memref<125x128xf32, #tpu.memory_space<vmem>>) dst(%dma_wait3A_34 : memref<10000x128xf32, #tpu.memory_space<vmem_shared>>)
        tpu.yield
      }) : () -> ()
    }
    %scan3A_7 = arith.constant 80 : i32
    %barrier3A_8 = arith.constant 0 : index
    tpu.barrier barrier_id(%barrier3A_8)
    "tpu.region"() ({
      %run_scoped3A = tpu.sem_alloc : memref<!tpu.dma_semaphore, #tpu.memory_space<semaphore_mem>>
      %dma_start3A = arith.constant 0 : i32
      %dma_start3A_14 = tpu.memref_slice %arg6[%arg0, %mul3A_0, %dma_start3A] : memref<2x10000x128xf32, #tpu.memory_space<hbm>> -> memref<1x624x128xf32, #tpu.memory_space<hbm>>
      %dma_start3A_15 = tpu.memref_squeeze %dma_start3A_14 : memref<1x624x128xf32, #tpu.memory_space<hbm>> -> memref<624x128xf32, #tpu.memory_space<hbm>>
      %dma_start3A_16 = arith.constant 0 : i32
      %dma_start3A_17 = tpu.memref_slice %arg10[%mul3A_0, %dma_start3A_16] : memref<10000x128xf32, #tpu.memory_space<vmem_shared>> -> memref<624x128xf32, #tpu.memory_space<vmem_shared>>
      tpu.enqueue_dma source(%dma_start3A_17 : memref<624x128xf32, #tpu.memory_space<vmem_shared>>) target(%dma_start3A_15 : memref<624x128xf32, #tpu.memory_space<hbm>>) target_semaphore(%run_scoped3A : memref<!tpu.dma_semaphore, #tpu.memory_space<semaphore_mem>>)
      %dma_wait3A = arith.constant 0 : i32
      %dma_wait3A_18 = tpu.memref_slice %arg6[%arg0, %mul3A_0, %dma_wait3A] : memref<2x10000x128xf32, #tpu.memory_space<hbm>> -> memref<1x624x128xf32, #tpu.memory_space<hbm>>
      %dma_wait3A_19 = tpu.memref_squeeze %dma_wait3A_18 : memref<1x624x128xf32, #tpu.memory_space<hbm>> -> memref<624x128xf32, #tpu.memory_space<hbm>>
      %dma_wait3A_20 = arith.constant 0 : i32
      %dma_wait3A_21 = tpu.memref_slice %arg10[%mul3A_0, %dma_wait3A_20] : memref<10000x128xf32, #tpu.memory_space<vmem_shared>> -> memref<624x128xf32, #tpu.memory_space<vmem_shared>>
      tpu.wait_dma2 semaphore(%run_scoped3A : memref<!tpu.dma_semaphore, #tpu.memory_space<semaphore_mem>>) src(%dma_wait3A_21 : memref<624x128xf32, #tpu.memory_space<vmem_shared>>) dst(%dma_wait3A_19 : memref<624x128xf32, #tpu.memory_space<hbm>>)
      tpu.yield
    }) : () -> ()
    %eq3A_9 = arith.constant 15 : i32
    %eq3A_10 = arith.cmpi eq, %arg1, %eq3A_9 : i32
    %convert_element_type3A_11 = arith.extui %eq3A_10 : i1 to i32
    %cond3A_12 = arith.constant 0 : i32
    %cond3A_13 = arith.cmpi ne, %convert_element_type3A_11, %cond3A_12 : i32
    scf.if %cond3A_13 {
      "tpu.region"() ({
        %run_scoped3A = tpu.sem_alloc : memref<!tpu.dma_semaphore, #tpu.memory_space<semaphore_mem>>
        %dma_start3A = arith.constant 9984 : i32
        %dma_start3A_14 = arith.constant 0 : i32
        %dma_start3A_15 = tpu.memref_slice %arg6[%arg0, %dma_start3A, %dma_start3A_14] : memref<2x10000x128xf32, #tpu.memory_space<hbm>> -> memref<1x16x128xf32, #tpu.memory_space<hbm>>
        %dma_start3A_16 = tpu.memref_squeeze %dma_start3A_15 : memref<1x16x128xf32, #tpu.memory_space<hbm>> -> memref<16x128xf32, #tpu.memory_space<hbm>>
        %dma_start3A_17 = arith.constant 9984 : i32
        %dma_start3A_18 = arith.constant 0 : i32
        %dma_start3A_19 = tpu.memref_slice %arg10[%dma_start3A_17, %dma_start3A_18] : memref<10000x128xf32, #tpu.memory_space<vmem_shared>> -> memref<16x128xf32, #tpu.memory_space<vmem_shared>>
        tpu.enqueue_dma source(%dma_start3A_19 : memref<16x128xf32, #tpu.memory_space<vmem_shared>>) target(%dma_start3A_16 : memref<16x128xf32, #tpu.memory_space<hbm>>) target_semaphore(%run_scoped3A : memref<!tpu.dma_semaphore, #tpu.memory_space<semaphore_mem>>)
        %dma_wait3A = arith.constant 9984 : i32
        %dma_wait3A_20 = arith.constant 0 : i32
        %dma_wait3A_21 = tpu.memref_slice %arg6[%arg0, %dma_wait3A, %dma_wait3A_20] : memref<2x10000x128xf32, #tpu.memory_space<hbm>> -> memref<1x16x128xf32, #tpu.memory_space<hbm>>
        %dma_wait3A_22 = tpu.memref_squeeze %dma_wait3A_21 : memref<1x16x128xf32, #tpu.memory_space<hbm>> -> memref<16x128xf32, #tpu.memory_space<hbm>>
        %dma_wait3A_23 = arith.constant 9984 : i32
        %dma_wait3A_24 = arith.constant 0 : i32
        %dma_wait3A_25 = tpu.memref_slice %arg10[%dma_wait3A_23, %dma_wait3A_24] : memref<10000x128xf32, #tpu.memory_space<vmem_shared>> -> memref<16x128xf32, #tpu.memory_space<vmem_shared>>
        tpu.wait_dma2 semaphore(%run_scoped3A : memref<!tpu.dma_semaphore, #tpu.memory_space<semaphore_mem>>) src(%dma_wait3A_25 : memref<16x128xf32, #tpu.memory_space<vmem_shared>>) dst(%dma_wait3A_22 : memref<16x128xf32, #tpu.memory_space<hbm>>)
        tpu.yield
      }) : () -> ()
    } else {
    }
    return
  }
}

#map = affine_map<(d0, d1) -> (0, 0, 0, 0)>
#map1 = affine_map<(d0, d1) -> (0, 0, 0)>
#map2 = affine_map<(d0, d1) -> (0, 0)>
module attributes {stable_mosaic.version = 14 : i64} {
  func.func @_agg_kernel(%arg0: i32, %arg1: i32, %arg2: memref<2x16x80x125xi32, #tpu.memory_space<hbm>>, %arg3: memref<16x80x125xi32, #tpu.memory_space<hbm>>, %arg4: memref<20000x128xf32, #tpu.memory_space<hbm>>, %arg5: memref<10000x128xf32, #tpu.memory_space<hbm>>, %arg6: memref<2x10000x128xf32, #tpu.memory_space<hbm>>, %arg7: memref<80x125xi32, #tpu.memory_space<vmem>>, %arg8: memref<80x125xi32, #tpu.memory_space<vmem>>, %arg9: memref<1x125x128xf32, #tpu.memory_space<vmem>>, %arg10: memref<10000x128xf32, #tpu.memory_space<vmem_shared>>, %arg11: memref<!tpu.dma_semaphore, #tpu.memory_space<semaphore_mem>>, %arg12: memref<!tpu.dma_semaphore, #tpu.memory_space<semaphore_mem>>, %arg13: memref<!tpu.dma_semaphore, #tpu.memory_space<semaphore_mem>>, %arg14: memref<!tpu.dma_semaphore, #tpu.memory_space<semaphore_mem>>) attributes {dimension_semantics = [#tpu.dimension_semantics<core_parallel>, #tpu.dimension_semantics<subcore_parallel>], iteration_bounds = array<i64: 2, 16>, scalar_prefetch = 0 : i64, scratch_operands = 8 : i64, tpu.core_type = #tpu.core_type<sc_vector_subcore>, window_params = [{transform_indices = #map}, {transform_indices = #map1}, {transform_indices = #map2}, {transform_indices = #map2}, {transform_indices = #map1}]} {
    %mul3A = arith.constant 624 : i32
    %mul3A_0 = arith.muli %arg1, %mul3A : i32
    "tpu.region"() ({
      %run_scoped3A = tpu.sem_alloc : memref<!tpu.dma_semaphore, #tpu.memory_space<semaphore_mem>>
      %dma_start3A = arith.constant 0 : i32
      %dma_start3A_14 = tpu.memref_slice %arg10[%mul3A_0, %dma_start3A] : memref<10000x128xf32, #tpu.memory_space<vmem_shared>> -> memref<624x128xf32, #tpu.memory_space<vmem_shared>>
      %dma_start3A_15 = arith.constant 0 : i32
      %dma_start3A_16 = tpu.memref_slice %arg5[%mul3A_0, %dma_start3A_15] : memref<10000x128xf32, #tpu.memory_space<hbm>> -> memref<624x128xf32, #tpu.memory_space<hbm>>
      tpu.enqueue_dma source(%dma_start3A_16 : memref<624x128xf32, #tpu.memory_space<hbm>>) target(%dma_start3A_14 : memref<624x128xf32, #tpu.memory_space<vmem_shared>>) target_semaphore(%run_scoped3A : memref<!tpu.dma_semaphore, #tpu.memory_space<semaphore_mem>>)
      %dma_wait3A = arith.constant 0 : i32
      %dma_wait3A_17 = tpu.memref_slice %arg10[%mul3A_0, %dma_wait3A] : memref<10000x128xf32, #tpu.memory_space<vmem_shared>> -> memref<624x128xf32, #tpu.memory_space<vmem_shared>>
      %dma_wait3A_18 = arith.constant 0 : i32
      %dma_wait3A_19 = tpu.memref_slice %arg5[%mul3A_0, %dma_wait3A_18] : memref<10000x128xf32, #tpu.memory_space<hbm>> -> memref<624x128xf32, #tpu.memory_space<hbm>>
      tpu.wait_dma2 semaphore(%run_scoped3A : memref<!tpu.dma_semaphore, #tpu.memory_space<semaphore_mem>>) src(%dma_wait3A_19 : memref<624x128xf32, #tpu.memory_space<hbm>>) dst(%dma_wait3A_17 : memref<624x128xf32, #tpu.memory_space<vmem_shared>>)
      tpu.yield
    }) : () -> ()
    %eq3A = arith.constant 15 : i32
    %eq3A_1 = arith.cmpi eq, %arg1, %eq3A : i32
    %convert_element_type3A = arith.extui %eq3A_1 : i1 to i32
    %cond3A = arith.constant 0 : i32
    %cond3A_2 = arith.cmpi ne, %convert_element_type3A, %cond3A : i32
    scf.if %cond3A_2 {
      "tpu.region"() ({
        %run_scoped3A = tpu.sem_alloc : memref<!tpu.dma_semaphore, #tpu.memory_space<semaphore_mem>>
        %dma_start3A = arith.constant 9984 : i32
        %dma_start3A_14 = arith.constant 0 : i32
        %dma_start3A_15 = tpu.memref_slice %arg10[%dma_start3A, %dma_start3A_14] : memref<10000x128xf32, #tpu.memory_space<vmem_shared>> -> memref<16x128xf32, #tpu.memory_space<vmem_shared>>
        %dma_start3A_16 = arith.constant 9984 : i32
        %dma_start3A_17 = arith.constant 0 : i32
        %dma_start3A_18 = tpu.memref_slice %arg5[%dma_start3A_16, %dma_start3A_17] : memref<10000x128xf32, #tpu.memory_space<hbm>> -> memref<16x128xf32, #tpu.memory_space<hbm>>
        tpu.enqueue_dma source(%dma_start3A_18 : memref<16x128xf32, #tpu.memory_space<hbm>>) target(%dma_start3A_15 : memref<16x128xf32, #tpu.memory_space<vmem_shared>>) target_semaphore(%run_scoped3A : memref<!tpu.dma_semaphore, #tpu.memory_space<semaphore_mem>>)
        %dma_wait3A = arith.constant 9984 : i32
        %dma_wait3A_19 = arith.constant 0 : i32
        %dma_wait3A_20 = tpu.memref_slice %arg10[%dma_wait3A, %dma_wait3A_19] : memref<10000x128xf32, #tpu.memory_space<vmem_shared>> -> memref<16x128xf32, #tpu.memory_space<vmem_shared>>
        %dma_wait3A_21 = arith.constant 9984 : i32
        %dma_wait3A_22 = arith.constant 0 : i32
        %dma_wait3A_23 = tpu.memref_slice %arg5[%dma_wait3A_21, %dma_wait3A_22] : memref<10000x128xf32, #tpu.memory_space<hbm>> -> memref<16x128xf32, #tpu.memory_space<hbm>>
        tpu.wait_dma2 semaphore(%run_scoped3A : memref<!tpu.dma_semaphore, #tpu.memory_space<semaphore_mem>>) src(%dma_wait3A_23 : memref<16x128xf32, #tpu.memory_space<hbm>>) dst(%dma_wait3A_20 : memref<16x128xf32, #tpu.memory_space<vmem_shared>>)
        tpu.yield
      }) : () -> ()
    } else {
    }
    "tpu.region"() ({
      %run_scoped3A = tpu.sem_alloc : memref<!tpu.dma_semaphore, #tpu.memory_space<semaphore_mem>>
      %dma_start3A = arith.constant 0 : i32
      %dma_start3A_14 = arith.constant 0 : i32
      %dma_start3A_15 = tpu.memref_slice %arg2[%arg0, %arg1, %dma_start3A, %dma_start3A_14] : memref<2x16x80x125xi32, #tpu.memory_space<hbm>> -> memref<1x1x80x125xi32, #tpu.memory_space<hbm>>
      %dma_start3A_16 = tpu.memref_squeeze %dma_start3A_15 : memref<1x1x80x125xi32, #tpu.memory_space<hbm>> -> memref<80x125xi32, #tpu.memory_space<hbm>>
      %dma_start3A_17 = arith.constant 0 : i32
      %dma_start3A_18 = arith.constant 0 : i32
      %dma_start3A_19 = tpu.memref_slice %arg2[%arg0, %arg1, %dma_start3A_17, %dma_start3A_18] : memref<2x16x80x125xi32, #tpu.memory_space<hbm>> -> memref<1x1x80x125xi32, #tpu.memory_space<hbm>>
      %dma_start3A_20 = tpu.memref_squeeze %dma_start3A_19 : memref<1x1x80x125xi32, #tpu.memory_space<hbm>> -> memref<80x125xi32, #tpu.memory_space<hbm>>
      tpu.enqueue_dma source(%dma_start3A_20 : memref<80x125xi32, #tpu.memory_space<hbm>>) target(%arg7 : memref<80x125xi32, #tpu.memory_space<vmem>>) target_semaphore(%run_scoped3A : memref<!tpu.dma_semaphore, #tpu.memory_space<semaphore_mem>>)
      %dma_wait3A = arith.constant 0 : i32
      %dma_wait3A_21 = arith.constant 0 : i32
      %dma_wait3A_22 = tpu.memref_slice %arg2[%arg0, %arg1, %dma_wait3A, %dma_wait3A_21] : memref<2x16x80x125xi32, #tpu.memory_space<hbm>> -> memref<1x1x80x125xi32, #tpu.memory_space<hbm>>
      %dma_wait3A_23 = tpu.memref_squeeze %dma_wait3A_22 : memref<1x1x80x125xi32, #tpu.memory_space<hbm>> -> memref<80x125xi32, #tpu.memory_space<hbm>>
      %dma_wait3A_24 = arith.constant 0 : i32
      %dma_wait3A_25 = arith.constant 0 : i32
      %dma_wait3A_26 = tpu.memref_slice %arg2[%arg0, %arg1, %dma_wait3A_24, %dma_wait3A_25] : memref<2x16x80x125xi32, #tpu.memory_space<hbm>> -> memref<1x1x80x125xi32, #tpu.memory_space<hbm>>
      %dma_wait3A_27 = tpu.memref_squeeze %dma_wait3A_26 : memref<1x1x80x125xi32, #tpu.memory_space<hbm>> -> memref<80x125xi32, #tpu.memory_space<hbm>>
      tpu.wait_dma2 semaphore(%run_scoped3A : memref<!tpu.dma_semaphore, #tpu.memory_space<semaphore_mem>>) src(%dma_wait3A_27 : memref<80x125xi32, #tpu.memory_space<hbm>>) dst(%arg7 : memref<80x125xi32, #tpu.memory_space<vmem>>)
      tpu.yield
    }) : () -> ()
    "tpu.region"() ({
      %run_scoped3A = tpu.sem_alloc : memref<!tpu.dma_semaphore, #tpu.memory_space<semaphore_mem>>
      %dma_start3A = arith.constant 0 : i32
      %dma_start3A_14 = arith.constant 0 : i32
      %dma_start3A_15 = tpu.memref_slice %arg3[%arg1, %dma_start3A, %dma_start3A_14] : memref<16x80x125xi32, #tpu.memory_space<hbm>> -> memref<1x80x125xi32, #tpu.memory_space<hbm>>
      %dma_start3A_16 = tpu.memref_squeeze %dma_start3A_15 : memref<1x80x125xi32, #tpu.memory_space<hbm>> -> memref<80x125xi32, #tpu.memory_space<hbm>>
      %dma_start3A_17 = arith.constant 0 : i32
      %dma_start3A_18 = arith.constant 0 : i32
      %dma_start3A_19 = tpu.memref_slice %arg3[%arg1, %dma_start3A_17, %dma_start3A_18] : memref<16x80x125xi32, #tpu.memory_space<hbm>> -> memref<1x80x125xi32, #tpu.memory_space<hbm>>
      %dma_start3A_20 = tpu.memref_squeeze %dma_start3A_19 : memref<1x80x125xi32, #tpu.memory_space<hbm>> -> memref<80x125xi32, #tpu.memory_space<hbm>>
      tpu.enqueue_dma source(%dma_start3A_20 : memref<80x125xi32, #tpu.memory_space<hbm>>) target(%arg8 : memref<80x125xi32, #tpu.memory_space<vmem>>) target_semaphore(%run_scoped3A : memref<!tpu.dma_semaphore, #tpu.memory_space<semaphore_mem>>)
      %dma_wait3A = arith.constant 0 : i32
      %dma_wait3A_21 = arith.constant 0 : i32
      %dma_wait3A_22 = tpu.memref_slice %arg3[%arg1, %dma_wait3A, %dma_wait3A_21] : memref<16x80x125xi32, #tpu.memory_space<hbm>> -> memref<1x80x125xi32, #tpu.memory_space<hbm>>
      %dma_wait3A_23 = tpu.memref_squeeze %dma_wait3A_22 : memref<1x80x125xi32, #tpu.memory_space<hbm>> -> memref<80x125xi32, #tpu.memory_space<hbm>>
      %dma_wait3A_24 = arith.constant 0 : i32
      %dma_wait3A_25 = arith.constant 0 : i32
      %dma_wait3A_26 = tpu.memref_slice %arg3[%arg1, %dma_wait3A_24, %dma_wait3A_25] : memref<16x80x125xi32, #tpu.memory_space<hbm>> -> memref<1x80x125xi32, #tpu.memory_space<hbm>>
      %dma_wait3A_27 = tpu.memref_squeeze %dma_wait3A_26 : memref<1x80x125xi32, #tpu.memory_space<hbm>> -> memref<80x125xi32, #tpu.memory_space<hbm>>
      tpu.wait_dma2 semaphore(%run_scoped3A : memref<!tpu.dma_semaphore, #tpu.memory_space<semaphore_mem>>) src(%dma_wait3A_27 : memref<80x125xi32, #tpu.memory_space<hbm>>) dst(%arg8 : memref<80x125xi32, #tpu.memory_space<vmem>>)
      tpu.yield
    }) : () -> ()
    %barrier3A = arith.constant 0 : index
    tpu.barrier barrier_id(%barrier3A)
    %scan3A = arith.constant 0 : i32
    %scan3A_3 = arith.constant 0 : i32
    %scan3A_4 = arith.constant 80 : i32
    %scan3A_5 = arith.addi %scan3A_3, %scan3A_4 : i32
    %scan3A_6 = arith.constant 1 : i32
    scf.for %scan3A_14 = %scan3A_3 to %scan3A_5 step %scan3A_6  : i32 {
      %run_scoped3A = arith.constant 0 : i32
      "tpu.region"() ({
        %run_scoped3A_16 = tpu.sem_alloc : memref<!tpu.dma_semaphore, #tpu.memory_space<semaphore_mem>>
        %dma_start3A = arith.constant 0 : i32
        %dma_start3A_17 = arith.constant 0 : i32
        %dma_start3A_18 = tpu.memref_slice %arg9[%run_scoped3A, %dma_start3A, %dma_start3A_17] : memref<1x125x128xf32, #tpu.memory_space<vmem>> -> memref<1x125x128xf32, #tpu.memory_space<vmem>>
        %dma_start3A_19 = tpu.memref_squeeze %dma_start3A_18 : memref<1x125x128xf32, #tpu.memory_space<vmem>> -> memref<125x128xf32, #tpu.memory_space<vmem>>
        %dma_start3A_20 = arith.constant 0 : i32
        %dma_start3A_21 = tpu.memref_slice %arg7[%scan3A_14, %dma_start3A_20] : memref<80x125xi32, #tpu.memory_space<vmem>> -> memref<1x125xi32, #tpu.memory_space<vmem>>
        %dma_start3A_22 = tpu.memref_squeeze %dma_start3A_21 : memref<1x125xi32, #tpu.memory_space<vmem>> -> memref<125xi32, #tpu.memory_space<vmem>>
        %dma_start3A_23 = arith.constant 0 : i32
        %dma_start3A_24 = arith.constant 0 : i32
        %dma_start3A_25 = tpu.memref_slice %arg4[%dma_start3A_23, %dma_start3A_24] : memref<20000x128xf32, #tpu.memory_space<hbm>> -> memref<20000x128xf32, #tpu.memory_space<hbm>>
        tpu.enqueue_indirect_dma source(%dma_start3A_25 : memref<20000x128xf32, #tpu.memory_space<hbm>>) target(%dma_start3A_19 : memref<125x128xf32, #tpu.memory_space<vmem>>) offsets(%dma_start3A_22 : memref<125xi32, #tpu.memory_space<vmem>>) semaphore(%run_scoped3A_16 : memref<!tpu.dma_semaphore, #tpu.memory_space<semaphore_mem>>)
        %dma_wait3A = arith.constant 0 : i32
        %dma_wait3A_26 = arith.constant 0 : i32
        %dma_wait3A_27 = tpu.memref_slice %arg9[%run_scoped3A, %dma_wait3A, %dma_wait3A_26] : memref<1x125x128xf32, #tpu.memory_space<vmem>> -> memref<1x125x128xf32, #tpu.memory_space<vmem>>
        %dma_wait3A_28 = tpu.memref_squeeze %dma_wait3A_27 : memref<1x125x128xf32, #tpu.memory_space<vmem>> -> memref<125x128xf32, #tpu.memory_space<vmem>>
        %dma_wait3A_29 = arith.constant 0 : i32
        %dma_wait3A_30 = tpu.memref_slice %arg7[%scan3A_14, %dma_wait3A_29] : memref<80x125xi32, #tpu.memory_space<vmem>> -> memref<1x125xi32, #tpu.memory_space<vmem>>
        %dma_wait3A_31 = tpu.memref_squeeze %dma_wait3A_30 : memref<1x125xi32, #tpu.memory_space<vmem>> -> memref<125xi32, #tpu.memory_space<vmem>>
        %dma_wait3A_32 = arith.constant 0 : i32
        %dma_wait3A_33 = arith.constant 0 : i32
        %dma_wait3A_34 = tpu.memref_slice %arg4[%dma_wait3A_32, %dma_wait3A_33] : memref<20000x128xf32, #tpu.memory_space<hbm>> -> memref<20000x128xf32, #tpu.memory_space<hbm>>
        tpu.wait_indirect_dma semaphore(%run_scoped3A_16 : memref<!tpu.dma_semaphore, #tpu.memory_space<semaphore_mem>>) src(%dma_wait3A_34 : memref<20000x128xf32, #tpu.memory_space<hbm>>) dst(%dma_wait3A_28 : memref<125x128xf32, #tpu.memory_space<vmem>>)
        tpu.yield
      }) : () -> ()
      %run_scoped3A_15 = arith.constant 0 : i32
      "tpu.region"() ({
        %run_scoped3A_16 = tpu.sem_alloc : memref<!tpu.dma_semaphore, #tpu.memory_space<semaphore_mem>>
        %dma_start3A = arith.constant 0 : i32
        %dma_start3A_17 = arith.constant 0 : i32
        %dma_start3A_18 = tpu.memref_slice %arg9[%run_scoped3A_15, %dma_start3A, %dma_start3A_17] : memref<1x125x128xf32, #tpu.memory_space<vmem>> -> memref<1x125x128xf32, #tpu.memory_space<vmem>>
        %dma_start3A_19 = tpu.memref_squeeze %dma_start3A_18 : memref<1x125x128xf32, #tpu.memory_space<vmem>> -> memref<125x128xf32, #tpu.memory_space<vmem>>
        %dma_start3A_20 = arith.constant 0 : i32
        %dma_start3A_21 = tpu.memref_slice %arg8[%scan3A_14, %dma_start3A_20] : memref<80x125xi32, #tpu.memory_space<vmem>> -> memref<1x125xi32, #tpu.memory_space<vmem>>
        %dma_start3A_22 = tpu.memref_squeeze %dma_start3A_21 : memref<1x125xi32, #tpu.memory_space<vmem>> -> memref<125xi32, #tpu.memory_space<vmem>>
        %dma_start3A_23 = arith.constant 0 : i32
        %dma_start3A_24 = arith.constant 0 : i32
        %dma_start3A_25 = tpu.memref_slice %arg10[%dma_start3A_23, %dma_start3A_24] : memref<10000x128xf32, #tpu.memory_space<vmem_shared>> -> memref<10000x128xf32, #tpu.memory_space<vmem_shared>>
        tpu.enqueue_indirect_dma source(%dma_start3A_19 : memref<125x128xf32, #tpu.memory_space<vmem>>) target(%dma_start3A_25 : memref<10000x128xf32, #tpu.memory_space<vmem_shared>>) offsets(%dma_start3A_22 : memref<125xi32, #tpu.memory_space<vmem>>) semaphore(%run_scoped3A_16 : memref<!tpu.dma_semaphore, #tpu.memory_space<semaphore_mem>>) {add = true}
        %dma_wait3A = arith.constant 0 : i32
        %dma_wait3A_26 = arith.constant 0 : i32
        %dma_wait3A_27 = tpu.memref_slice %arg9[%run_scoped3A_15, %dma_wait3A, %dma_wait3A_26] : memref<1x125x128xf32, #tpu.memory_space<vmem>> -> memref<1x125x128xf32, #tpu.memory_space<vmem>>
        %dma_wait3A_28 = tpu.memref_squeeze %dma_wait3A_27 : memref<1x125x128xf32, #tpu.memory_space<vmem>> -> memref<125x128xf32, #tpu.memory_space<vmem>>
        %dma_wait3A_29 = arith.constant 0 : i32
        %dma_wait3A_30 = tpu.memref_slice %arg8[%scan3A_14, %dma_wait3A_29] : memref<80x125xi32, #tpu.memory_space<vmem>> -> memref<1x125xi32, #tpu.memory_space<vmem>>
        %dma_wait3A_31 = tpu.memref_squeeze %dma_wait3A_30 : memref<1x125xi32, #tpu.memory_space<vmem>> -> memref<125xi32, #tpu.memory_space<vmem>>
        %dma_wait3A_32 = arith.constant 0 : i32
        %dma_wait3A_33 = arith.constant 0 : i32
        %dma_wait3A_34 = tpu.memref_slice %arg10[%dma_wait3A_32, %dma_wait3A_33] : memref<10000x128xf32, #tpu.memory_space<vmem_shared>> -> memref<10000x128xf32, #tpu.memory_space<vmem_shared>>
        tpu.wait_indirect_dma semaphore(%run_scoped3A_16 : memref<!tpu.dma_semaphore, #tpu.memory_space<semaphore_mem>>) src(%dma_wait3A_28 : memref<125x128xf32, #tpu.memory_space<vmem>>) dst(%dma_wait3A_34 : memref<10000x128xf32, #tpu.memory_space<vmem_shared>>)
        tpu.yield
      }) : () -> ()
    }
    %scan3A_7 = arith.constant 80 : i32
    %barrier3A_8 = arith.constant 0 : index
    tpu.barrier barrier_id(%barrier3A_8)
    "tpu.region"() ({
      %run_scoped3A = tpu.sem_alloc : memref<!tpu.dma_semaphore, #tpu.memory_space<semaphore_mem>>
      %dma_start3A = arith.constant 0 : i32
      %dma_start3A_14 = tpu.memref_slice %arg6[%arg0, %mul3A_0, %dma_start3A] : memref<2x10000x128xf32, #tpu.memory_space<hbm>> -> memref<1x624x128xf32, #tpu.memory_space<hbm>>
      %dma_start3A_15 = tpu.memref_squeeze %dma_start3A_14 : memref<1x624x128xf32, #tpu.memory_space<hbm>> -> memref<624x128xf32, #tpu.memory_space<hbm>>
      %dma_start3A_16 = arith.constant 0 : i32
      %dma_start3A_17 = tpu.memref_slice %arg10[%mul3A_0, %dma_start3A_16] : memref<10000x128xf32, #tpu.memory_space<vmem_shared>> -> memref<624x128xf32, #tpu.memory_space<vmem_shared>>
      tpu.enqueue_dma source(%dma_start3A_17 : memref<624x128xf32, #tpu.memory_space<vmem_shared>>) target(%dma_start3A_15 : memref<624x128xf32, #tpu.memory_space<hbm>>) target_semaphore(%run_scoped3A : memref<!tpu.dma_semaphore, #tpu.memory_space<semaphore_mem>>)
      %dma_wait3A = arith.constant 0 : i32
      %dma_wait3A_18 = tpu.memref_slice %arg6[%arg0, %mul3A_0, %dma_wait3A] : memref<2x10000x128xf32, #tpu.memory_space<hbm>> -> memref<1x624x128xf32, #tpu.memory_space<hbm>>
      %dma_wait3A_19 = tpu.memref_squeeze %dma_wait3A_18 : memref<1x624x128xf32, #tpu.memory_space<hbm>> -> memref<624x128xf32, #tpu.memory_space<hbm>>
      %dma_wait3A_20 = arith.constant 0 : i32
      %dma_wait3A_21 = tpu.memref_slice %arg10[%mul3A_0, %dma_wait3A_20] : memref<10000x128xf32, #tpu.memory_space<vmem_shared>> -> memref<624x128xf32, #tpu.memory_space<vmem_shared>>
      tpu.wait_dma2 semaphore(%run_scoped3A : memref<!tpu.dma_semaphore, #tpu.memory_space<semaphore_mem>>) src(%dma_wait3A_21 : memref<624x128xf32, #tpu.memory_space<vmem_shared>>) dst(%dma_wait3A_19 : memref<624x128xf32, #tpu.memory_space<hbm>>)
      tpu.yield
    }) : () -> ()
    %eq3A_9 = arith.constant 15 : i32
    %eq3A_10 = arith.cmpi eq, %arg1, %eq3A_9 : i32
    %convert_element_type3A_11 = arith.extui %eq3A_10 : i1 to i32
    %cond3A_12 = arith.constant 0 : i32
    %cond3A_13 = arith.cmpi ne, %convert_element_type3A_11, %cond3A_12 : i32
    scf.if %cond3A_13 {
      "tpu.region"() ({
        %run_scoped3A = tpu.sem_alloc : memref<!tpu.dma_semaphore, #tpu.memory_space<semaphore_mem>>
        %dma_start3A = arith.constant 9984 : i32
        %dma_start3A_14 = arith.constant 0 : i32
        %dma_start3A_15 = tpu.memref_slice %arg6[%arg0, %dma_start3A, %dma_start3A_14] : memref<2x10000x128xf32, #tpu.memory_space<hbm>> -> memref<1x16x128xf32, #tpu.memory_space<hbm>>
        %dma_start3A_16 = tpu.memref_squeeze %dma_start3A_15 : memref<1x16x128xf32, #tpu.memory_space<hbm>> -> memref<16x128xf32, #tpu.memory_space<hbm>>
        %dma_start3A_17 = arith.constant 9984 : i32
        %dma_start3A_18 = arith.constant 0 : i32
        %dma_start3A_19 = tpu.memref_slice %arg10[%dma_start3A_17, %dma_start3A_18] : memref<10000x128xf32, #tpu.memory_space<vmem_shared>> -> memref<16x128xf32, #tpu.memory_space<vmem_shared>>
        tpu.enqueue_dma source(%dma_start3A_19 : memref<16x128xf32, #tpu.memory_space<vmem_shared>>) target(%dma_start3A_16 : memref<16x128xf32, #tpu.memory_space<hbm>>) target_semaphore(%run_scoped3A : memref<!tpu.dma_semaphore, #tpu.memory_space<semaphore_mem>>)
        %dma_wait3A = arith.constant 9984 : i32
        %dma_wait3A_20 = arith.constant 0 : i32
        %dma_wait3A_21 = tpu.memref_slice %arg6[%arg0, %dma_wait3A, %dma_wait3A_20] : memref<2x10000x128xf32, #tpu.memory_space<hbm>> -> memref<1x16x128xf32, #tpu.memory_space<hbm>>
        %dma_wait3A_22 = tpu.memref_squeeze %dma_wait3A_21 : memref<1x16x128xf32, #tpu.memory_space<hbm>> -> memref<16x128xf32, #tpu.memory_space<hbm>>
        %dma_wait3A_23 = arith.constant 9984 : i32
        %dma_wait3A_24 = arith.constant 0 : i32
        %dma_wait3A_25 = tpu.memref_slice %arg10[%dma_wait3A_23, %dma_wait3A_24] : memref<10000x128xf32, #tpu.memory_space<vmem_shared>> -> memref<16x128xf32, #tpu.memory_space<vmem_shared>>
        tpu.wait_dma2 semaphore(%run_scoped3A : memref<!tpu.dma_semaphore, #tpu.memory_space<semaphore_mem>>) src(%dma_wait3A_25 : memref<16x128xf32, #tpu.memory_space<vmem_shared>>) dst(%dma_wait3A_22 : memref<16x128xf32, #tpu.memory_space<hbm>>)
        tpu.yield
      }) : () -> ()
    } else {
    }
    return
  }
}

module attributes {stable_mosaic.version = 14 : i64} {
  func.func @_prologue_body(%arg0: i32, %arg1: memref<2000x1xi32, #tpu.memory_space<vmem>>, %arg2: memref<28x256xf32, #tpu.memory_space<vmem>>, %arg3: memref<2000x1xf32, #tpu.memory_space<vmem>>, %arg4: memref<256x256xf32, #tpu.memory_space<vmem>>, %arg5: memref<2000x256xf32, #tpu.memory_space<vmem>>, %arg6: memref<2000x1xf32, #tpu.memory_space<vmem>>, %arg7: memref<2x2000x128xf32, #tpu.memory_space<vmem>>) attributes {dimension_semantics = [#tpu.dimension_semantics<arbitrary>], iteration_bounds = array<i64: 5>, scalar_prefetch = 0 : i64, scratch_operands = 0 : i64, tpu.core_type = #tpu.core_type<tc>, window_params = [{transform_indices = @transform_0, window_bounds = array<i64: 2000, 1>}, {pipeline_mode = #tpu.pipeline_mode<synchronous>, transform_indices = @transform_1, window_bounds = array<i64: 28, 256>}, {transform_indices = @transform_2, window_bounds = array<i64: 2000, 1>}, {pipeline_mode = #tpu.pipeline_mode<synchronous>, transform_indices = @transform_3, window_bounds = array<i64: 256, 256>}, {transform_indices = @transform_4, window_bounds = array<i64: 2000, 256>}, {transform_indices = @transform_5, window_bounds = array<i64: 2000, 1>}, {transform_indices = @transform_6, window_bounds = array<i64: 2, 2000, 128>}]} {
    %get3A = arith.constant 0 : index
    %get3A_0 = arith.constant 0 : index
    %get3A_1 = vector.load %arg1[%get3A, %get3A_0] : memref<2000x1xi32, #tpu.memory_space<vmem>>, vector<2000x1xi32>
    %iota3A = tpu.iota {dimensions = array<i32: 1>} : vector<1x28xi32>
    %eq3A = vector.broadcast %get3A_1 : vector<2000x1xi32> to vector<2000x28xi32>
    %eq3A_2 = vector.broadcast %iota3A : vector<1x28xi32> to vector<2000x28xi32>
    %eq3A_3 = arith.cmpi eq, %eq3A, %eq3A_2 : vector<2000x28xi32>
    %convert_element_type3A = arith.extui %eq3A_3 : vector<2000x28xi1> to vector<2000x28xi32>
    %convert_element_type3A_4 = arith.sitofp %convert_element_type3A : vector<2000x28xi32> to vector<2000x28xf32>
    %get3A_5 = arith.constant 0 : index
    %get3A_6 = arith.constant 0 : index
    %get3A_7 = vector.load %arg2[%get3A_5, %get3A_6] : memref<28x256xf32, #tpu.memory_space<vmem>>, vector<28x256xf32>
    %dot_general3A = arith.constant dense<0.000000e+00> : vector<2000x256xf32>
    %dot_general3A_8 = tpu.matmul %convert_element_type3A_4, %get3A_7, %dot_general3A {dimension_numbers = #tpu.dot_dimension_numbers<[1], [0], [0], [1], [0, 0, 1, 1], [], []>, transpose_lhs_hint = false} : vector<2000x28xf32>, vector<28x256xf32>, vector<2000x256xf32> -> vector<2000x256xf32>
    %get3A_9 = arith.constant 0 : index
    %get3A_10 = arith.constant 0 : index
    %get3A_11 = vector.load %arg3[%get3A_9, %get3A_10] : memref<2000x1xf32, #tpu.memory_space<vmem>>, vector<2000x1xf32>
    %get3A_12 = arith.constant 0 : index
    %get3A_13 = arith.constant 0 : index
    %get3A_14 = vector.load %arg4[%get3A_12, %get3A_13] : memref<256x256xf32, #tpu.memory_space<vmem>>, vector<256x256xf32>
    %dot_general3A_15 = arith.constant dense<0.000000e+00> : vector<2000x256xf32>
    %dot_general3A_16 = tpu.matmul %dot_general3A_8, %get3A_14, %dot_general3A_15 {dimension_numbers = #tpu.dot_dimension_numbers<[1], [1], [0], [0], [0, 0, 1, 0], [], []>, transpose_lhs_hint = false} : vector<2000x256xf32>, vector<256x256xf32>, vector<2000x256xf32> -> vector<2000x256xf32>
    %mul3A = vector.broadcast %get3A_11 : vector<2000x1xf32> to vector<2000x256xf32>
    %mul3A_17 = arith.mulf %mul3A, %dot_general3A_16 : vector<2000x256xf32>
    %swap3A = arith.constant 0 : index
    %swap3A_18 = arith.constant 0 : index
    %swap3A_19 = vector.load %arg5[%swap3A, %swap3A_18] : memref<2000x256xf32, #tpu.memory_space<vmem>>, vector<2000x256xf32>
    tpu.vector_store %arg5[%swap3A, %swap3A_18], %dot_general3A_8 {strides = array<i32>} : memref<2000x256xf32, #tpu.memory_space<vmem>>, vector<2000x256xf32>,
    %swap3A_20 = arith.constant 0 : index
    %swap3A_21 = arith.constant 0 : index
    %swap3A_22 = vector.load %arg6[%swap3A_20, %swap3A_21] : memref<2000x1xf32, #tpu.memory_space<vmem>>, vector<2000x1xf32>
    tpu.vector_store %arg6[%swap3A_20, %swap3A_21], %get3A_11 {strides = array<i32>} : memref<2000x1xf32, #tpu.memory_space<vmem>>, vector<2000x1xf32>,
    %slice3A = vector.extract_strided_slice %mul3A_17 {offsets = [0, 0], sizes = [2000, 128], strides = [1, 1]} : vector<2000x256xf32> to vector<2000x128xf32>
    %swap3A_23 = arith.constant 0 : index
    %swap3A_24 = arith.constant 0 : index
    %swap3A_25 = arith.constant 0 : index
    %swap3A_26 = vector.load %arg7[%swap3A_23, %swap3A_24, %swap3A_25] : memref<2x2000x128xf32, #tpu.memory_space<vmem>>, vector<1x2000x128xf32>
    %swap3A_27 = vector.shape_cast %swap3A_26 : vector<1x2000x128xf32> to vector<2000x128xf32>
    %swap3A_28 = vector.shape_cast %slice3A : vector<2000x128xf32> to vector<1x2000x128xf32>
    tpu.vector_store %arg7[%swap3A_23, %swap3A_24, %swap3A_25], %swap3A_28 {strides = array<i32>} : memref<2x2000x128xf32, #tpu.memory_space<vmem>>, vector<1x2000x128xf32>,
    %slice3A_29 = vector.extract_strided_slice %mul3A_17 {offsets = [0, 128], sizes = [2000, 128], strides = [1, 1]} : vector<2000x256xf32> to vector<2000x128xf32>
    %swap3A_30 = arith.constant 1 : index
    %swap3A_31 = arith.constant 0 : index
    %swap3A_32 = arith.constant 0 : index
    %swap3A_33 = vector.load %arg7[%swap3A_30, %swap3A_31, %swap3A_32] : memref<2x2000x128xf32, #tpu.memory_space<vmem>>, vector<1x2000x128xf32>
    %swap3A_34 = vector.shape_cast %swap3A_33 : vector<1x2000x128xf32> to vector<2000x128xf32>
    %swap3A_35 = vector.shape_cast %slice3A_29 : vector<2000x128xf32> to vector<1x2000x128xf32>
    tpu.vector_store %arg7[%swap3A_30, %swap3A_31, %swap3A_32], %swap3A_35 {strides = array<i32>} : memref<2x2000x128xf32, #tpu.memory_space<vmem>>, vector<1x2000x128xf32>,
    return
  }
  func.func @transform_0(%arg0: i32) -> (i32, i32) {
    %c0_i32 = arith.constant 0 : i32
    %c0_i32_0 = arith.constant 0 : i32
    return %arg0, %c0_i32 : i32, i32
  }
  func.func @transform_1(%arg0: i32) -> (i32, i32) {
    %c0_i32 = arith.constant 0 : i32
    %c0_i32_0 = arith.constant 0 : i32
    %c0_i32_1 = arith.constant 0 : i32
    return %c0_i32, %c0_i32_0 : i32, i32
  }
  func.func @transform_2(%arg0: i32) -> (i32, i32) {
    %c0_i32 = arith.constant 0 : i32
    %c0_i32_0 = arith.constant 0 : i32
    return %arg0, %c0_i32 : i32, i32
  }
  func.func @transform_3(%arg0: i32) -> (i32, i32) {
    %c0_i32 = arith.constant 0 : i32
    %c0_i32_0 = arith.constant 0 : i32
    %c0_i32_1 = arith.constant 0 : i32
    return %c0_i32, %c0_i32_0 : i32, i32
  }
  func.func @transform_4(%arg0: i32) -> (i32, i32) {
    %c0_i32 = arith.constant 0 : i32
    %c0_i32_0 = arith.constant 0 : i32
    return %arg0, %c0_i32 : i32, i32
  }
  func.func @transform_5(%arg0: i32) -> (i32, i32) {
    %c0_i32 = arith.constant 0 : i32
    %c0_i32_0 = arith.constant 0 : i32
    return %arg0, %c0_i32 : i32, i32
  }
  func.func @transform_6(%arg0: i32) -> (i32, i32, i32) {
    %c0_i32 = arith.constant 0 : i32
    %c0_i32_0 = arith.constant 0 : i32
    %c0_i32_1 = arith.constant 0 : i32
    return %c0_i32, %arg0, %c0_i32_0 : i32, i32, i32
  }
}

module attributes {stable_mosaic.version = 14 : i64} {
  func.func @_stats_body(%arg0: i32, %arg1: memref<2x2000x128xf32, #tpu.memory_space<vmem>>, %arg2: memref<2000x1xf32, #tpu.memory_space<vmem>>, %arg3: memref<1x256xf32, #tpu.memory_space<vmem>>, %arg4: memref<2x256xf32, #tpu.memory_space<vmem>>) attributes {dimension_semantics = [#tpu.dimension_semantics<arbitrary>], iteration_bounds = array<i64: 5>, scalar_prefetch = 0 : i64, scratch_operands = 0 : i64, tpu.core_type = #tpu.core_type<tc>, window_params = [{transform_indices = @transform_0, window_bounds = array<i64: 2, 2000, 128>}, {transform_indices = @transform_1, window_bounds = array<i64: 2000, 1>}, {pipeline_mode = #tpu.pipeline_mode<synchronous>, transform_indices = @transform_2, window_bounds = array<i64: 1, 256>}, {pipeline_mode = #tpu.pipeline_mode<synchronous>, transform_indices = @transform_3, window_bounds = array<i64: 2, 256>}]} {
    %get3A = arith.constant 0 : index
    %get3A_0 = arith.constant 0 : index
    %get3A_1 = arith.constant 0 : index
    %get3A_2 = vector.load %arg1[%get3A, %get3A_0, %get3A_1] : memref<2x2000x128xf32, #tpu.memory_space<vmem>>, vector<1x2000x128xf32>
    %get3A_3 = vector.shape_cast %get3A_2 : vector<1x2000x128xf32> to vector<2000x128xf32>
    %get3A_4 = arith.constant 1 : index
    %get3A_5 = arith.constant 0 : index
    %get3A_6 = arith.constant 0 : index
    %get3A_7 = vector.load %arg1[%get3A_4, %get3A_5, %get3A_6] : memref<2x2000x128xf32, #tpu.memory_space<vmem>>, vector<1x2000x128xf32>
    %get3A_8 = vector.shape_cast %get3A_7 : vector<1x2000x128xf32> to vector<2000x128xf32>
    %concatenate3A = tpu.concatenate %get3A_3, %get3A_8 in 1 : vector<2000x128xf32>, vector<2000x128xf32> -> vector<2000x256xf32>
    %get3A_9 = arith.constant 0 : index
    %get3A_10 = arith.constant 0 : index
    %get3A_11 = vector.load %arg2[%get3A_9, %get3A_10] : memref<2000x1xf32, #tpu.memory_space<vmem>>, vector<2000x1xf32>
    %mul3A = vector.broadcast %get3A_11 : vector<2000x1xf32> to vector<2000x256xf32>
    %mul3A_12 = arith.mulf %mul3A, %concatenate3A : vector<2000x256xf32>
    %get3A_13 = arith.constant 0 : index
    %get3A_14 = arith.constant 0 : index
    %get3A_15 = vector.load %arg3[%get3A_13, %get3A_14] : memref<1x256xf32, #tpu.memory_space<vmem>>, vector<1x256xf32>
    %add3A = vector.broadcast %get3A_15 : vector<1x256xf32> to vector<2000x256xf32>
    %add3A_16 = arith.addf %mul3A_12, %add3A : vector<2000x256xf32>
    %eq3A = arith.constant 0 : i32
    %eq3A_17 = arith.cmpi eq, %arg0, %eq3A : i32
    %convert_element_type3A = arith.extui %eq3A_17 : i1 to i32
    %cond3A = arith.constant 0 : i32
    %cond3A_18 = arith.cmpi ne, %convert_element_type3A, %cond3A : i32
    scf.if %cond3A_18 {
      %broadcast_in_dim3A_37 = arith.constant 0.000000e+00 : f32
      %broadcast_in_dim3A_38 = vector.broadcast %broadcast_in_dim3A_37 : f32 to vector<2x256xf32>
      %swap3A_39 = arith.constant 0 : index
      %swap3A_40 = arith.constant 0 : index
      %swap3A_41 = vector.load %arg4[%swap3A_39, %swap3A_40] : memref<2x256xf32, #tpu.memory_space<vmem>>, vector<2x256xf32>
      tpu.vector_store %arg4[%swap3A_39, %swap3A_40], %broadcast_in_dim3A_38 {strides = array<i32>} : memref<2x256xf32, #tpu.memory_space<vmem>>, vector<2x256xf32>,
    } else {
    }
    %get3A_19 = arith.constant 0 : index
    %get3A_20 = arith.constant 0 : index
    %get3A_21 = vector.load %arg4[%get3A_19, %get3A_20] : memref<2x256xf32, #tpu.memory_space<vmem>>, vector<1x256xf32>
    %reduce_sum3A = arith.constant dense<0.000000e+00> : vector<256xf32>
    %reduce_sum3A_22 = vector.multi_reduction <add>, %add3A_16, %reduce_sum3A [0] : vector<2000x256xf32> to vector<256xf32>
    %broadcast_in_dim3A = vector.shape_cast %reduce_sum3A_22 : vector<256xf32> to vector<1x256xf32>
    %add3A_23 = arith.addf %get3A_21, %broadcast_in_dim3A : vector<1x256xf32>
    %swap3A = arith.constant 0 : index
    %swap3A_24 = arith.constant 0 : index
    %swap3A_25 = vector.load %arg4[%swap3A, %swap3A_24] : memref<2x256xf32, #tpu.memory_space<vmem>>, vector<1x256xf32>
    tpu.vector_store %arg4[%swap3A, %swap3A_24], %add3A_23 {strides = array<i32>} : memref<2x256xf32, #tpu.memory_space<vmem>>, vector<1x256xf32>,
    %get3A_26 = arith.constant 1 : index
    %get3A_27 = arith.constant 0 : index
    %get3A_28 = vector.load %arg4[%get3A_26, %get3A_27] : memref<2x256xf32, #tpu.memory_space<vmem>>, vector<1x256xf32>
    %mul3A_29 = arith.mulf %add3A_16, %add3A_16 : vector<2000x256xf32>
    %reduce_sum3A_30 = arith.constant dense<0.000000e+00> : vector<256xf32>
    %reduce_sum3A_31 = vector.multi_reduction <add>, %mul3A_29, %reduce_sum3A_30 [0] : vector<2000x256xf32> to vector<256xf32>
    %broadcast_in_dim3A_32 = vector.shape_cast %reduce_sum3A_31 : vector<256xf32> to vector<1x256xf32>
    %add3A_33 = arith.addf %get3A_28, %broadcast_in_dim3A_32 : vector<1x256xf32>
    %swap3A_34 = arith.constant 1 : index
    %swap3A_35 = arith.constant 0 : index
    %swap3A_36 = vector.load %arg4[%swap3A_34, %swap3A_35] : memref<2x256xf32, #tpu.memory_space<vmem>>, vector<1x256xf32>
    tpu.vector_store %arg4[%swap3A_34, %swap3A_35], %add3A_33 {strides = array<i32>} : memref<2x256xf32, #tpu.memory_space<vmem>>, vector<1x256xf32>,
    return
  }
  func.func @transform_0(%arg0: i32) -> (i32, i32, i32) {
    %c0_i32 = arith.constant 0 : i32
    %c0_i32_0 = arith.constant 0 : i32
    %c0_i32_1 = arith.constant 0 : i32
    return %c0_i32, %arg0, %c0_i32_0 : i32, i32, i32
  }
  func.func @transform_1(%arg0: i32) -> (i32, i32) {
    %c0_i32 = arith.constant 0 : i32
    %c0_i32_0 = arith.constant 0 : i32
    return %arg0, %c0_i32 : i32, i32
  }
  func.func @transform_2(%arg0: i32) -> (i32, i32) {
    %c0_i32 = arith.constant 0 : i32
    %c0_i32_0 = arith.constant 0 : i32
    %c0_i32_1 = arith.constant 0 : i32
    return %c0_i32, %c0_i32_0 : i32, i32
  }
  func.func @transform_3(%arg0: i32) -> (i32, i32) {
    %c0_i32 = arith.constant 0 : i32
    %c0_i32_0 = arith.constant 0 : i32
    %c0_i32_1 = arith.constant 0 : i32
    return %c0_i32, %c0_i32_0 : i32, i32
  }
}

module attributes {stable_mosaic.version = 14 : i64} {
  func.func @_apply_body(%arg0: i32, %arg1: memref<2x2000x128xf32, #tpu.memory_space<vmem>>, %arg2: memref<2000x1xf32, #tpu.memory_space<vmem>>, %arg3: memref<1x256xf32, #tpu.memory_space<vmem>>, %arg4: memref<2x256xf32, #tpu.memory_space<vmem>>, %arg5: memref<1x256xf32, #tpu.memory_space<vmem>>, %arg6: memref<1x256xf32, #tpu.memory_space<vmem>>, %arg7: memref<2000x256xf32, #tpu.memory_space<vmem>>, %arg8: memref<256x256xf32, #tpu.memory_space<vmem>>, %arg9: memref<2000x256xf32, #tpu.memory_space<vmem>>, %arg10: memref<2x2000x128xf32, #tpu.memory_space<vmem>>) attributes {dimension_semantics = [#tpu.dimension_semantics<arbitrary>], iteration_bounds = array<i64: 5>, scalar_prefetch = 0 : i64, scratch_operands = 0 : i64, tpu.core_type = #tpu.core_type<tc>, window_params = [{transform_indices = @transform_0, window_bounds = array<i64: 2, 2000, 128>}, {transform_indices = @transform_1, window_bounds = array<i64: 2000, 1>}, {pipeline_mode = #tpu.pipeline_mode<synchronous>, transform_indices = @transform_2, window_bounds = array<i64: 1, 256>}, {pipeline_mode = #tpu.pipeline_mode<synchronous>, transform_indices = @transform_3, window_bounds = array<i64: 2, 256>}, {pipeline_mode = #tpu.pipeline_mode<synchronous>, transform_indices = @transform_4, window_bounds = array<i64: 1, 256>}, {pipeline_mode = #tpu.pipeline_mode<synchronous>, transform_indices = @transform_5, window_bounds = array<i64: 1, 256>}, {transform_indices = @transform_6, window_bounds = array<i64: 2000, 256>}, {pipeline_mode = #tpu.pipeline_mode<synchronous>, transform_indices = @transform_7, window_bounds = array<i64: 256, 256>}, {transform_indices = @transform_8, window_bounds = array<i64: 2000, 256>}, {transform_indices = @transform_9, window_bounds = array<i64: 2, 2000, 128>}]} {
    %get3A = arith.constant 0 : index
    %get3A_0 = arith.constant 0 : index
    %get3A_1 = arith.constant 0 : index
    %get3A_2 = vector.load %arg1[%get3A, %get3A_0, %get3A_1] : memref<2x2000x128xf32, #tpu.memory_space<vmem>>, vector<1x2000x128xf32>
    %get3A_3 = vector.shape_cast %get3A_2 : vector<1x2000x128xf32> to vector<2000x128xf32>
    %get3A_4 = arith.constant 1 : index
    %get3A_5 = arith.constant 0 : index
    %get3A_6 = arith.constant 0 : index
    %get3A_7 = vector.load %arg1[%get3A_4, %get3A_5, %get3A_6] : memref<2x2000x128xf32, #tpu.memory_space<vmem>>, vector<1x2000x128xf32>
    %get3A_8 = vector.shape_cast %get3A_7 : vector<1x2000x128xf32> to vector<2000x128xf32>
    %concatenate3A = tpu.concatenate %get3A_3, %get3A_8 in 1 : vector<2000x128xf32>, vector<2000x128xf32> -> vector<2000x256xf32>
    %get3A_9 = arith.constant 0 : index
    %get3A_10 = arith.constant 0 : index
    %get3A_11 = vector.load %arg2[%get3A_9, %get3A_10] : memref<2000x1xf32, #tpu.memory_space<vmem>>, vector<2000x1xf32>
    %mul3A = vector.broadcast %get3A_11 : vector<2000x1xf32> to vector<2000x256xf32>
    %mul3A_12 = arith.mulf %mul3A, %concatenate3A : vector<2000x256xf32>
    %get3A_13 = arith.constant 0 : index
    %get3A_14 = arith.constant 0 : index
    %get3A_15 = vector.load %arg3[%get3A_13, %get3A_14] : memref<1x256xf32, #tpu.memory_space<vmem>>, vector<1x256xf32>
    %add3A = vector.broadcast %get3A_15 : vector<1x256xf32> to vector<2000x256xf32>
    %add3A_16 = arith.addf %mul3A_12, %add3A : vector<2000x256xf32>
    %get3A_17 = arith.constant 0 : index
    %get3A_18 = arith.constant 0 : index
    %get3A_19 = vector.load %arg4[%get3A_17, %get3A_18] : memref<2x256xf32, #tpu.memory_space<vmem>>, vector<1x256xf32>
    %mul3A_20 = arith.constant 9.99999974E-5 : f32
    %mul3A_21 = vector.broadcast %mul3A_20 : f32 to vector<1x256xf32>
    %mul3A_22 = arith.mulf %get3A_19, %mul3A_21 : vector<1x256xf32>
    %get3A_23 = arith.constant 1 : index
    %get3A_24 = arith.constant 0 : index
    %get3A_25 = vector.load %arg4[%get3A_23, %get3A_24] : memref<2x256xf32, #tpu.memory_space<vmem>>, vector<1x256xf32>
    %mul3A_26 = arith.constant 9.99999974E-5 : f32
    %mul3A_27 = vector.broadcast %mul3A_26 : f32 to vector<1x256xf32>
    %mul3A_28 = arith.mulf %get3A_25, %mul3A_27 : vector<1x256xf32>
    %mul3A_29 = arith.mulf %mul3A_22, %mul3A_22 : vector<1x256xf32>
    %sub3A = arith.subf %mul3A_28, %mul3A_29 : vector<1x256xf32>
    %sub3A_30 = vector.broadcast %mul3A_22 : vector<1x256xf32> to vector<2000x256xf32>
    %sub3A_31 = arith.subf %add3A_16, %sub3A_30 : vector<2000x256xf32>
    %add3A_32 = arith.constant 9.99999974E-6 : f32
    %add3A_33 = vector.broadcast %add3A_32 : f32 to vector<1x256xf32>
    %add3A_34 = arith.addf %sub3A, %add3A_33 : vector<1x256xf32>
    %rsqrt3A = math.rsqrt %add3A_34 : vector<1x256xf32>
    %mul3A_35 = vector.broadcast %rsqrt3A : vector<1x256xf32> to vector<2000x256xf32>
    %mul3A_36 = arith.mulf %sub3A_31, %mul3A_35 : vector<2000x256xf32>
    %get3A_37 = arith.constant 0 : index
    %get3A_38 = arith.constant 0 : index
    %get3A_39 = vector.load %arg5[%get3A_37, %get3A_38] : memref<1x256xf32, #tpu.memory_space<vmem>>, vector<1x256xf32>
    %mul3A_40 = vector.broadcast %get3A_39 : vector<1x256xf32> to vector<2000x256xf32>
    %mul3A_41 = arith.mulf %mul3A_40, %mul3A_36 : vector<2000x256xf32>
    %get3A_42 = arith.constant 0 : index
    %get3A_43 = arith.constant 0 : index
    %get3A_44 = vector.load %arg6[%get3A_42, %get3A_43] : memref<1x256xf32, #tpu.memory_space<vmem>>, vector<1x256xf32>
    %add3A_45 = vector.broadcast %get3A_44 : vector<1x256xf32> to vector<2000x256xf32>
    %add3A_46 = arith.addf %mul3A_41, %add3A_45 : vector<2000x256xf32>
    %max3A = arith.constant 0.000000e+00 : f32
    %max3A_47 = vector.broadcast %max3A : f32 to vector<2000x256xf32>
    %max3A_48 = arith.maximumf %add3A_46, %max3A_47 : vector<2000x256xf32>
    %get3A_49 = arith.constant 0 : index
    %get3A_50 = arith.constant 0 : index
    %get3A_51 = vector.load %arg7[%get3A_49, %get3A_50] : memref<2000x256xf32, #tpu.memory_space<vmem>>, vector<2000x256xf32>
    %add3A_52 = arith.addf %max3A_48, %get3A_51 : vector<2000x256xf32>
    %swap3A = arith.constant 0 : index
    %swap3A_53 = arith.constant 0 : index
    %swap3A_54 = vector.load %arg9[%swap3A, %swap3A_53] : memref<2000x256xf32, #tpu.memory_space<vmem>>, vector<2000x256xf32>
    tpu.vector_store %arg9[%swap3A, %swap3A_53], %add3A_52 {strides = array<i32>} : memref<2000x256xf32, #tpu.memory_space<vmem>>, vector<2000x256xf32>,
    %get3A_55 = arith.constant 0 : index
    %get3A_56 = arith.constant 0 : index
    %get3A_57 = vector.load %arg2[%get3A_55, %get3A_56] : memref<2000x1xf32, #tpu.memory_space<vmem>>, vector<2000x1xf32>
    %get3A_58 = arith.constant 0 : index
    %get3A_59 = arith.constant 0 : index
    %get3A_60 = vector.load %arg8[%get3A_58, %get3A_59] : memref<256x256xf32, #tpu.memory_space<vmem>>, vector<256x256xf32>
    %dot_general3A = arith.constant dense<0.000000e+00> : vector<2000x256xf32>
    %dot_general3A_61 = tpu.matmul %add3A_52, %get3A_60, %dot_general3A {dimension_numbers = #tpu.dot_dimension_numbers<[1], [1], [0], [0], [0, 0, 1, 0], [], []>, transpose_lhs_hint = false} : vector<2000x256xf32>, vector<256x256xf32>, vector<2000x256xf32> -> vector<2000x256xf32>
    %mul3A_62 = vector.broadcast %get3A_57 : vector<2000x1xf32> to vector<2000x256xf32>
    %mul3A_63 = arith.mulf %mul3A_62, %dot_general3A_61 : vector<2000x256xf32>
    %slice3A = vector.extract_strided_slice %mul3A_63 {offsets = [0, 0], sizes = [2000, 128], strides = [1, 1]} : vector<2000x256xf32> to vector<2000x128xf32>
    %swap3A_64 = arith.constant 0 : index
    %swap3A_65 = arith.constant 0 : index
    %swap3A_66 = arith.constant 0 : index
    %swap3A_67 = vector.load %arg10[%swap3A_64, %swap3A_65, %swap3A_66] : memref<2x2000x128xf32, #tpu.memory_space<vmem>>, vector<1x2000x128xf32>
    %swap3A_68 = vector.shape_cast %swap3A_67 : vector<1x2000x128xf32> to vector<2000x128xf32>
    %swap3A_69 = vector.shape_cast %slice3A : vector<2000x128xf32> to vector<1x2000x128xf32>
    tpu.vector_store %arg10[%swap3A_64, %swap3A_65, %swap3A_66], %swap3A_69 {strides = array<i32>} : memref<2x2000x128xf32, #tpu.memory_space<vmem>>, vector<1x2000x128xf32>,
    %slice3A_70 = vector.extract_strided_slice %mul3A_63 {offsets = [0, 128], sizes = [2000, 128], strides = [1, 1]} : vector<2000x256xf32> to vector<2000x128xf32>
    %swap3A_71 = arith.constant 1 : index
    %swap3A_72 = arith.constant 0 : index
    %swap3A_73 = arith.constant 0 : index
    %swap3A_74 = vector.load %arg10[%swap3A_71, %swap3A_72, %swap3A_73] : memref<2x2000x128xf32, #tpu.memory_space<vmem>>, vector<1x2000x128xf32>
    %swap3A_75 = vector.shape_cast %swap3A_74 : vector<1x2000x128xf32> to vector<2000x128xf32>
    %swap3A_76 = vector.shape_cast %slice3A_70 : vector<2000x128xf32> to vector<1x2000x128xf32>
    tpu.vector_store %arg10[%swap3A_71, %swap3A_72, %swap3A_73], %swap3A_76 {strides = array<i32>} : memref<2x2000x128xf32, #tpu.memory_space<vmem>>, vector<1x2000x128xf32>,
    return
  }
  func.func @transform_0(%arg0: i32) -> (i32, i32, i32) {
    %c0_i32 = arith.constant 0 : i32
    %c0_i32_0 = arith.constant 0 : i32
    %c0_i32_1 = arith.constant 0 : i32
    return %c0_i32, %arg0, %c0_i32_0 : i32, i32, i32
  }
  func.func @transform_1(%arg0: i32) -> (i32, i32) {
    %c0_i32 = arith.constant 0 : i32
    %c0_i32_0 = arith.constant 0 : i32
    return %arg0, %c0_i32 : i32, i32
  }
  func.func @transform_2(%arg0: i32) -> (i32, i32) {
    %c0_i32 = arith.constant 0 : i32
    %c0_i32_0 = arith.constant 0 : i32
    %c0_i32_1 = arith.constant 0 : i32
    return %c0_i32, %c0_i32_0 : i32, i32
  }
  func.func @transform_3(%arg0: i32) -> (i32, i32) {
    %c0_i32 = arith.constant 0 : i32
    %c0_i32_0 = arith.constant 0 : i32
    %c0_i32_1 = arith.constant 0 : i32
    return %c0_i32, %c0_i32_0 : i32, i32
  }
  func.func @transform_4(%arg0: i32) -> (i32, i32) {
    %c0_i32 = arith.constant 0 : i32
    %c0_i32_0 = arith.constant 0 : i32
    %c0_i32_1 = arith.constant 0 : i32
    return %c0_i32, %c0_i32_0 : i32, i32
  }
  func.func @transform_5(%arg0: i32) -> (i32, i32) {
    %c0_i32 = arith.constant 0 : i32
    %c0_i32_0 = arith.constant 0 : i32
    %c0_i32_1 = arith.constant 0 : i32
    return %c0_i32, %c0_i32_0 : i32, i32
  }
  func.func @transform_6(%arg0: i32) -> (i32, i32) {
    %c0_i32 = arith.constant 0 : i32
    %c0_i32_0 = arith.constant 0 : i32
    return %arg0, %c0_i32 : i32, i32
  }
  func.func @transform_7(%arg0: i32) -> (i32, i32) {
    %c0_i32 = arith.constant 0 : i32
    %c0_i32_0 = arith.constant 0 : i32
    %c0_i32_1 = arith.constant 0 : i32
    return %c0_i32, %c0_i32_0 : i32, i32
  }
  func.func @transform_8(%arg0: i32) -> (i32, i32) {
    %c0_i32 = arith.constant 0 : i32
    %c0_i32_0 = arith.constant 0 : i32
    return %arg0, %c0_i32 : i32, i32
  }
  func.func @transform_9(%arg0: i32) -> (i32, i32, i32) {
    %c0_i32 = arith.constant 0 : i32
    %c0_i32_0 = arith.constant 0 : i32
    %c0_i32_1 = arith.constant 0 : i32
    return %c0_i32, %arg0, %c0_i32_0 : i32, i32, i32
  }
}

module attributes {stable_mosaic.version = 14 : i64} {
  func.func @body(%arg0: i32, %arg1: memref<2x2000x128xf32, #tpu.memory_space<vmem>>, %arg2: memref<2000x1xf32, #tpu.memory_space<vmem>>, %arg3: memref<1x256xf32, #tpu.memory_space<vmem>>, %arg4: memref<2x256xf32, #tpu.memory_space<vmem>>, %arg5: memref<1x256xf32, #tpu.memory_space<vmem>>, %arg6: memref<1x256xf32, #tpu.memory_space<vmem>>, %arg7: memref<2000x256xf32, #tpu.memory_space<vmem>>, %arg8: memref<256x256xf32, #tpu.memory_space<vmem>>, %arg9: memref<2000x256xf32, #tpu.memory_space<vmem>>) attributes {dimension_semantics = [#tpu.dimension_semantics<arbitrary>], iteration_bounds = array<i64: 5>, scalar_prefetch = 0 : i64, scratch_operands = 0 : i64, tpu.core_type = #tpu.core_type<tc>, window_params = [{transform_indices = @transform_0, window_bounds = array<i64: 2, 2000, 128>}, {transform_indices = @transform_1, window_bounds = array<i64: 2000, 1>}, {pipeline_mode = #tpu.pipeline_mode<synchronous>, transform_indices = @transform_2, window_bounds = array<i64: 1, 256>}, {pipeline_mode = #tpu.pipeline_mode<synchronous>, transform_indices = @transform_3, window_bounds = array<i64: 2, 256>}, {pipeline_mode = #tpu.pipeline_mode<synchronous>, transform_indices = @transform_4, window_bounds = array<i64: 1, 256>}, {pipeline_mode = #tpu.pipeline_mode<synchronous>, transform_indices = @transform_5, window_bounds = array<i64: 1, 256>}, {transform_indices = @transform_6, window_bounds = array<i64: 2000, 256>}, {pipeline_mode = #tpu.pipeline_mode<synchronous>, transform_indices = @transform_7, window_bounds = array<i64: 256, 256>}, {transform_indices = @transform_8, window_bounds = array<i64: 2000, 256>}]} {
    %get3A = arith.constant 0 : index
    %get3A_0 = arith.constant 0 : index
    %get3A_1 = arith.constant 0 : index
    %get3A_2 = vector.load %arg1[%get3A, %get3A_0, %get3A_1] : memref<2x2000x128xf32, #tpu.memory_space<vmem>>, vector<1x2000x128xf32>
    %get3A_3 = vector.shape_cast %get3A_2 : vector<1x2000x128xf32> to vector<2000x128xf32>
    %get3A_4 = arith.constant 1 : index
    %get3A_5 = arith.constant 0 : index
    %get3A_6 = arith.constant 0 : index
    %get3A_7 = vector.load %arg1[%get3A_4, %get3A_5, %get3A_6] : memref<2x2000x128xf32, #tpu.memory_space<vmem>>, vector<1x2000x128xf32>
    %get3A_8 = vector.shape_cast %get3A_7 : vector<1x2000x128xf32> to vector<2000x128xf32>
    %concatenate3A = tpu.concatenate %get3A_3, %get3A_8 in 1 : vector<2000x128xf32>, vector<2000x128xf32> -> vector<2000x256xf32>
    %get3A_9 = arith.constant 0 : index
    %get3A_10 = arith.constant 0 : index
    %get3A_11 = vector.load %arg2[%get3A_9, %get3A_10] : memref<2000x1xf32, #tpu.memory_space<vmem>>, vector<2000x1xf32>
    %mul3A = vector.broadcast %get3A_11 : vector<2000x1xf32> to vector<2000x256xf32>
    %mul3A_12 = arith.mulf %mul3A, %concatenate3A : vector<2000x256xf32>
    %get3A_13 = arith.constant 0 : index
    %get3A_14 = arith.constant 0 : index
    %get3A_15 = vector.load %arg3[%get3A_13, %get3A_14] : memref<1x256xf32, #tpu.memory_space<vmem>>, vector<1x256xf32>
    %add3A = vector.broadcast %get3A_15 : vector<1x256xf32> to vector<2000x256xf32>
    %add3A_16 = arith.addf %mul3A_12, %add3A : vector<2000x256xf32>
    %get3A_17 = arith.constant 0 : index
    %get3A_18 = arith.constant 0 : index
    %get3A_19 = vector.load %arg4[%get3A_17, %get3A_18] : memref<2x256xf32, #tpu.memory_space<vmem>>, vector<1x256xf32>
    %mul3A_20 = arith.constant 9.99999974E-5 : f32
    %mul3A_21 = vector.broadcast %mul3A_20 : f32 to vector<1x256xf32>
    %mul3A_22 = arith.mulf %get3A_19, %mul3A_21 : vector<1x256xf32>
    %get3A_23 = arith.constant 1 : index
    %get3A_24 = arith.constant 0 : index
    %get3A_25 = vector.load %arg4[%get3A_23, %get3A_24] : memref<2x256xf32, #tpu.memory_space<vmem>>, vector<1x256xf32>
    %mul3A_26 = arith.constant 9.99999974E-5 : f32
    %mul3A_27 = vector.broadcast %mul3A_26 : f32 to vector<1x256xf32>
    %mul3A_28 = arith.mulf %get3A_25, %mul3A_27 : vector<1x256xf32>
    %mul3A_29 = arith.mulf %mul3A_22, %mul3A_22 : vector<1x256xf32>
    %sub3A = arith.subf %mul3A_28, %mul3A_29 : vector<1x256xf32>
    %sub3A_30 = vector.broadcast %mul3A_22 : vector<1x256xf32> to vector<2000x256xf32>
    %sub3A_31 = arith.subf %add3A_16, %sub3A_30 : vector<2000x256xf32>
    %add3A_32 = arith.constant 9.99999974E-6 : f32
    %add3A_33 = vector.broadcast %add3A_32 : f32 to vector<1x256xf32>
    %add3A_34 = arith.addf %sub3A, %add3A_33 : vector<1x256xf32>
    %rsqrt3A = math.rsqrt %add3A_34 : vector<1x256xf32>
    %mul3A_35 = vector.broadcast %rsqrt3A : vector<1x256xf32> to vector<2000x256xf32>
    %mul3A_36 = arith.mulf %sub3A_31, %mul3A_35 : vector<2000x256xf32>
    %get3A_37 = arith.constant 0 : index
    %get3A_38 = arith.constant 0 : index
    %get3A_39 = vector.load %arg5[%get3A_37, %get3A_38] : memref<1x256xf32, #tpu.memory_space<vmem>>, vector<1x256xf32>
    %mul3A_40 = vector.broadcast %get3A_39 : vector<1x256xf32> to vector<2000x256xf32>
    %mul3A_41 = arith.mulf %mul3A_40, %mul3A_36 : vector<2000x256xf32>
    %get3A_42 = arith.constant 0 : index
    %get3A_43 = arith.constant 0 : index
    %get3A_44 = vector.load %arg6[%get3A_42, %get3A_43] : memref<1x256xf32, #tpu.memory_space<vmem>>, vector<1x256xf32>
    %add3A_45 = vector.broadcast %get3A_44 : vector<1x256xf32> to vector<2000x256xf32>
    %add3A_46 = arith.addf %mul3A_41, %add3A_45 : vector<2000x256xf32>
    %max3A = arith.constant 0.000000e+00 : f32
    %max3A_47 = vector.broadcast %max3A : f32 to vector<2000x256xf32>
    %max3A_48 = arith.maximumf %add3A_46, %max3A_47 : vector<2000x256xf32>
    %get3A_49 = arith.constant 0 : index
    %get3A_50 = arith.constant 0 : index
    %get3A_51 = vector.load %arg7[%get3A_49, %get3A_50] : memref<2000x256xf32, #tpu.memory_space<vmem>>, vector<2000x256xf32>
    %add3A_52 = arith.addf %max3A_48, %get3A_51 : vector<2000x256xf32>
    %swap3A = arith.constant 0 : index
    %swap3A_53 = arith.constant 0 : index
    %swap3A_54 = vector.load %arg9[%swap3A, %swap3A_53] : memref<2000x256xf32, #tpu.memory_space<vmem>>, vector<2000x256xf32>
    tpu.vector_store %arg9[%swap3A, %swap3A_53], %add3A_52 {strides = array<i32>} : memref<2000x256xf32, #tpu.memory_space<vmem>>, vector<2000x256xf32>,
    return
  }
  func.func @transform_0(%arg0: i32) -> (i32, i32, i32) {
    %c0_i32 = arith.constant 0 : i32
    %c0_i32_0 = arith.constant 0 : i32
    %c0_i32_1 = arith.constant 0 : i32
    return %c0_i32, %arg0, %c0_i32_0 : i32, i32, i32
  }
  func.func @transform_1(%arg0: i32) -> (i32, i32) {
    %c0_i32 = arith.constant 0 : i32
    %c0_i32_0 = arith.constant 0 : i32
    return %arg0, %c0_i32 : i32, i32
  }
  func.func @transform_2(%arg0: i32) -> (i32, i32) {
    %c0_i32 = arith.constant 0 : i32
    %c0_i32_0 = arith.constant 0 : i32
    %c0_i32_1 = arith.constant 0 : i32
    return %c0_i32, %c0_i32_0 : i32, i32
  }
  func.func @transform_3(%arg0: i32) -> (i32, i32) {
    %c0_i32 = arith.constant 0 : i32
    %c0_i32_0 = arith.constant 0 : i32
    %c0_i32_1 = arith.constant 0 : i32
    return %c0_i32, %c0_i32_0 : i32, i32
  }
  func.func @transform_4(%arg0: i32) -> (i32, i32) {
    %c0_i32 = arith.constant 0 : i32
    %c0_i32_0 = arith.constant 0 : i32
    %c0_i32_1 = arith.constant 0 : i32
    return %c0_i32, %c0_i32_0 : i32, i32
  }
  func.func @transform_5(%arg0: i32) -> (i32, i32) {
    %c0_i32 = arith.constant 0 : i32
    %c0_i32_0 = arith.constant 0 : i32
    %c0_i32_1 = arith.constant 0 : i32
    return %c0_i32, %c0_i32_0 : i32, i32
  }
  func.func @transform_6(%arg0: i32) -> (i32, i32) {
    %c0_i32 = arith.constant 0 : i32
    %c0_i32_0 = arith.constant 0 : i32
    return %arg0, %c0_i32 : i32, i32
  }
  func.func @transform_7(%arg0: i32) -> (i32, i32) {
    %c0_i32 = arith.constant 0 : i32
    %c0_i32_0 = arith.constant 0 : i32
    %c0_i32_1 = arith.constant 0 : i32
    return %c0_i32, %c0_i32_0 : i32, i32
  }
  func.func @transform_8(%arg0: i32) -> (i32, i32) {
    %c0_i32 = arith.constant 0 : i32
    %c0_i32_0 = arith.constant 0 : i32
    return %arg0, %c0_i32 : i32, i32
  }
}

module attributes {stable_mosaic.version = 14 : i64} {
  func.func @_epilogue_body(%arg0: memref<10000x256xf32, #tpu.memory_space<vmem>>, %arg1: memref<10000x1xi32, #tpu.memory_space<vmem>>, %arg2: memref<256x256xf32, #tpu.memory_space<vmem>>, %arg3: memref<1x256xf32, #tpu.memory_space<vmem>>, %arg4: memref<1x256xf32, #tpu.memory_space<vmem>>, %arg5: memref<1x1xf32, #tpu.memory_space<vmem>>, %arg6: memref<64x1xf32, #tpu.memory_space<vmem>>) attributes {dimension_semantics = [], scalar_prefetch = 0 : i64, scratch_operands = 0 : i64, tpu.core_type = #tpu.core_type<tc>} {
    %get3A = arith.constant 0 : index
    %get3A_0 = arith.constant 0 : index
    %get3A_1 = vector.load %arg1[%get3A, %get3A_0] : memref<10000x1xi32, #tpu.memory_space<vmem>>, vector<10000x1xi32>
    %iota3A = tpu.iota {dimensions = array<i32: 1>} : vector<1x64xi32>
    %eq3A = vector.broadcast %get3A_1 : vector<10000x1xi32> to vector<10000x64xi32>
    %eq3A_2 = vector.broadcast %iota3A : vector<1x64xi32> to vector<10000x64xi32>
    %eq3A_3 = arith.cmpi eq, %eq3A, %eq3A_2 : vector<10000x64xi32>
    %convert_element_type3A = arith.extui %eq3A_3 : vector<10000x64xi1> to vector<10000x64xi32>
    %convert_element_type3A_4 = arith.sitofp %convert_element_type3A : vector<10000x64xi32> to vector<10000x64xf32>
    %get3A_5 = arith.constant 0 : index
    %get3A_6 = arith.constant 0 : index
    %get3A_7 = vector.load %arg0[%get3A_5, %get3A_6] : memref<10000x256xf32, #tpu.memory_space<vmem>>, vector<10000x256xf32>
    %dot_general3A = arith.constant dense<0.000000e+00> : vector<64x256xf32>
    %dot_general3A_8 = tpu.matmul %convert_element_type3A_4, %get3A_7, %dot_general3A {dimension_numbers = #tpu.dot_dimension_numbers<[0], [0], [1], [1], [0, 1, 1, 1], [], []>, transpose_lhs_hint = false} : vector<10000x64xf32>, vector<10000x256xf32>, vector<64x256xf32> -> vector<64x256xf32>
    %broadcast_in_dim3A = arith.constant 1.000000e+00 : f32
    %broadcast_in_dim3A_9 = vector.broadcast %broadcast_in_dim3A : f32 to vector<10000x1xf32>
    %dot_general3A_10 = arith.constant dense<0.000000e+00> : vector<64x1xf32>
    %dot_general3A_11 = tpu.matmul %convert_element_type3A_4, %broadcast_in_dim3A_9, %dot_general3A_10 {dimension_numbers = #tpu.dot_dimension_numbers<[0], [0], [1], [1], [0, 1, 1, 1], [], []>, transpose_lhs_hint = false} : vector<10000x64xf32>, vector<10000x1xf32>, vector<64x1xf32> -> vector<64x1xf32>
    %max3A = arith.constant 1.000000e+00 : f32
    %max3A_12 = vector.broadcast %max3A : f32 to vector<64x1xf32>
    %max3A_13 = arith.maximumf %dot_general3A_11, %max3A_12 : vector<64x1xf32>
    %div3A = vector.broadcast %max3A_13 : vector<64x1xf32> to vector<64x256xf32>
    %div3A_14 = arith.divf %dot_general3A_8, %div3A : vector<64x256xf32>
    %get3A_15 = arith.constant 0 : index
    %get3A_16 = arith.constant 0 : index
    %get3A_17 = vector.load %arg2[%get3A_15, %get3A_16] : memref<256x256xf32, #tpu.memory_space<vmem>>, vector<256x256xf32>
    %dot_general3A_18 = arith.constant dense<0.000000e+00> : vector<64x256xf32>
    %dot_general3A_19 = tpu.matmul %div3A_14, %get3A_17, %dot_general3A_18 {dimension_numbers = #tpu.dot_dimension_numbers<[1], [1], [0], [0], [0, 0, 1, 0], [], []>, transpose_lhs_hint = false} : vector<64x256xf32>, vector<256x256xf32>, vector<64x256xf32> -> vector<64x256xf32>
    %get3A_20 = arith.constant 0 : index
    %get3A_21 = arith.constant 0 : index
    %get3A_22 = vector.load %arg3[%get3A_20, %get3A_21] : memref<1x256xf32, #tpu.memory_space<vmem>>, vector<1x256xf32>
    %add3A = vector.broadcast %get3A_22 : vector<1x256xf32> to vector<64x256xf32>
    %add3A_23 = arith.addf %dot_general3A_19, %add3A : vector<64x256xf32>
    %max3A_24 = arith.constant 0.000000e+00 : f32
    %max3A_25 = vector.broadcast %max3A_24 : f32 to vector<64x256xf32>
    %max3A_26 = arith.maximumf %add3A_23, %max3A_25 : vector<64x256xf32>
    %get3A_27 = arith.constant 0 : index
    %get3A_28 = arith.constant 0 : index
    %get3A_29 = vector.load %arg4[%get3A_27, %get3A_28] : memref<1x256xf32, #tpu.memory_space<vmem>>, vector<1x256xf32>
    %mul3A = vector.broadcast %get3A_29 : vector<1x256xf32> to vector<64x256xf32>
    %mul3A_30 = arith.mulf %max3A_26, %mul3A : vector<64x256xf32>
    %reduce_sum3A = arith.constant dense<0.000000e+00> : vector<64xf32>
    %reduce_sum3A_31 = vector.multi_reduction <add>, %mul3A_30, %reduce_sum3A [1] : vector<64x256xf32> to vector<64xf32>
    %broadcast_in_dim3A_32 = vector.shape_cast %reduce_sum3A_31 : vector<64xf32> to vector<64x1xf32>
    %get3A_33 = arith.constant 0 : index
    %get3A_34 = arith.constant 0 : index
    %get3A_35 = vector.load %arg5[%get3A_33, %get3A_34] : memref<1x1xf32, #tpu.memory_space<vmem>>, vector<1x1xf32>
    %get3A_36 = vector.extract %get3A_35[0, 0] : f32 from vector<1x1xf32>
    %add3A_37 = vector.broadcast %get3A_36 : f32 to vector<64x1xf32>
    %add3A_38 = arith.addf %broadcast_in_dim3A_32, %add3A_37 : vector<64x1xf32>
    %swap3A = arith.constant 0 : index
    %swap3A_39 = arith.constant 0 : index
    %swap3A_40 = vector.load %arg6[%swap3A, %swap3A_39] : memref<64x1xf32, #tpu.memory_space<vmem>>, vector<64x1xf32>
    tpu.vector_store %arg6[%swap3A, %swap3A_39], %add3A_38 {strides = array<i32>} : memref<64x1xf32, #tpu.memory_space<vmem>>, vector<64x1xf32>,
    return
  }
}

</mosaic_0001>

<sc_bundles>
// kernel: kernel.17.cloned.1.call-start
scs
__scs_entry_jumppad:
0x0: {  	(pc) =	sbr.rel $0x88, $3  }
0x1: {  	(tag) =	ssettag $0x0;
	lr =	simm.s32 $0x1  }
0x2: {  	[smem:$0x3F95] =	sst lr;
	_ =	strace $0xD0000000  }
0x3: {  	_ = 	snop  }
0x4: {  	_ = 	snop  }
0x5: {  	_ = 	snop  }
0x6: {  	_ = 	snop  }
0x7: {  	_ = 	snop  }
__scs_overlays_trampoline_lowered:
0x8: {  	[smem:$0x3FA4] =	sst s0  }
0x9: {  	[smem:$0x3FA5] =	sst s1  }
0xa: {  	[smem:$0x3FA6] =	sst s2  }
0xb: {  	[smem:$0x3FA7] =	sst s3  }
0xc: {  	[smem:$0x3FA8] =	sst s4  }
0xd: {  	[smem:$0x3FA9] =	sst s5  }
0xe: {  	[smem:$0x3FAA] =	sst s6  }
0xf: {  	[smem:$0x3FAB] =	sst s7  }
0x10: {  	[smem:$0x3FAC] =	sst s8  }
0x11: {  	[smem:$0x3FAD] =	sst s9;
	s0 =	simm.s32 @!p0 $0x0  }
0x12: {  	s1 =	sld [smem:$0x3F93];
	s0 =	simm.s32 @p0 $0x1  }
0x13: {  	[smem:$0x3FAE] =	sst s0;
	s0 =	simm.s32 @!p1 $0x0  }
0x14: {  	s2 =	sld [smem:$0x3F92];
	s0 =	simm.s32 @p1 $0x1  }
0x15: {  	[smem:$0x3FAF] =	sst s0;
	s0 =	simm.s32 @!p2 $0x0  }
0x16: {  	s3 =	sld [smem:$0x3FDB];
	s0 =	simm.s32 @p2 $0x1  }
0x17: {  	s4 =	simm.s32 $0x1BF5;
	[smem:$0x3FB1] =	sst s0  }
0x18: {  	s0 =	sld [smem:$0x3F94];
	_ =	swait.ge [sflag:s4], $0x0  }
0x19: {  	s7 =	sld [smem:$0x3F95]  }
0x1a: {  	s8 =	sadd.s32 $0xFFFFE003, lr  }
0x1b: {  	s9 =	sadd.s32 $0xFFFFFEF7, lr;
	s5 =	simm.s32 $0xFFFFFFFF;
	p2 =	slt.u32 s8, $0xFFFFF086  }
0x1c: {  	p1 =	slt.u32 s9, $0xF7A;
	s5 =	simm.s32 @!p2 $0x0  }
0x1d: {  	s5 =	simm.s32 @p1 $0x1;
	p0 =	seq.s32 s7, s2  }
0x1e: {  	s7 =	smul.u32 @!p0 $0xF7A, s2;
	p2 =	seq.s32 @!p0 s5, $0x0  }
0x1f: {  	s9 =	smul.u32 $0xF7A, s1;
	s8 =	simm.s32 @!p0 $0x1BF5;
	p2 =	por !p2, p0  }
0x20: {  	[sflag:s8] =	ssyncset.s32 @!p0 $0xFFFFF086;
	s6 =	sadd.s32 @!p0 s3, s7;
	s7 =	simm.s32 @!p0 $0x108  }
0x21: {  	s3 =	sadd.s32 s3, s9;
	s6 =	sadd.s32 @!p0 $0x88, s6;
	s7 =	simm.s32 @p2 $0x1082  }
0x22: {  	[simem:s7], [sflag:s8] =	dma.local @!p0 [hbm:s6], $0xF7A  }
0x23: {  	s9 =	sor.u32 $0xD0000000, s2;
	s6 =	simm.s32 $0x108;
	_ =	swait.ge @!p0 [sflag:s8], $0x0  }
0x24: {  	s3 =	sadd.s32 $0x88, s3;
	s6 =	simm.s32 @!p1 $0x1082;
	[sflag:s4] =	ssyncset.s32 $0xFFFFF086  }
0x25: {  	[simem:s6], [sflag:s4] =	dma.local [hbm:s3], $0xF7A  }
0x26: {  	[smem:$0x3F95] =	sst s1;
	(tag) =	ssettag s2;
	_ =	strace s9  }
0x27: {  	s1 =	sld [smem:$0x3FA5]  }
0x28: {  	s2 =	sld [smem:$0x3FA6]  }
0x29: {  	s4 =	sld [smem:$0x3FA8]  }
0x2a: {  	p0 =	seq.s32 s5, $0x0;
	s5 =	sld [smem:$0x3FA9]  }
0x2b: {  	s6 =	sld [smem:$0x3FAA]  }
0x2c: {  	s7 =	sld [smem:$0x3FAB]  }
0x2d: {  	s3 =	simm.s32 $0x108;
	s8 =	sld [smem:$0x3FAC]  }
0x2e: {  	s3 =	simm.s32 @!p0 $0x1082;
	s9 =	sld [smem:$0x3FAD]  }
0x2f: {  	lr =	sadd.s32 s0, s3;
	s0 =	sld [smem:$0x3FA4]  }
0x30: {  	s3 =	sld [smem:$0x3FA7]  }
0x31: {  	[smem:$0x3FB0] =	sst s10  }
0x32: {  	s10 =	sld [smem:$0x3FAE];
	_ =	sdelay $0x3  }
0x33: {  	p0 =	seq.s32 s10, $0x1;
	s10 =	sld [smem:$0x3FB0];
	_ =	sdelay $0x3  }
0x34: {  	[smem:$0x3FB0] =	sst s10  }
0x35: {  	s10 =	sld [smem:$0x3FAF];
	_ =	sdelay $0x3  }
0x36: {  	p1 =	seq.s32 s10, $0x1;
	s10 =	sld [smem:$0x3FB0];
	_ =	sdelay $0x3  }
0x37: {  	[smem:$0x3FB0] =	sst s10  }
0x38: {  	s10 =	sld [smem:$0x3FB1]  }
0x39: {  	_ = 	snop;
	(pc) =	sbr.ind lr, $3  }
0x3a: {  	_ = 	snop  }
0x3b: {  	_ = 	snop  }
0x3c: {  	p2 =	seq.s32 s10, $0x1;
	s10 =	sld [smem:$0x3FB0]  }
0x3d: {  	_ =	shalt  }
0x3e: {  	_ =	shalt  }
0x3f: {  	_ =	shalt  }
0x40: {  	_ =	shalt  }
0x41: {  	_ =	shalt  }
0x42: {  	_ =	shalt  }
0x43: {  	_ =	shalt  }
0x44: {  	_ =	shalt  }
0x45: {  	_ =	shalt  }
0x46: {  	_ =	shalt  }
0x47: {  	_ =	shalt  }
0x48: {  	_ =	shalt  }
0x49: {  	_ =	shalt  }
0x4a: {  	_ =	shalt  }
0x4b: {  	_ =	shalt  }
0x4c: {  	_ =	shalt  }
0x4d: {  	_ =	shalt  }
0x4e: {  	_ =	shalt  }
0x4f: {  	_ =	shalt  }
0x50: {  	_ =	shalt  }
0x51: {  	_ =	shalt  }
0x52: {  	_ =	shalt  }
0x53: {  	_ =	shalt  }
0x54: {  	_ =	shalt  }
0x55: {  	_ =	shalt  }
0x56: {  	_ =	shalt  }
0x57: {  	_ =	shalt  }
0x58: {  	_ =	shalt  }
0x59: {  	_ =	shalt  }
0x5a: {  	_ =	shalt  }
0x5b: {  	_ =	shalt  }
0x5c: {  	_ =	shalt  }
0x5d: {  	_ =	shalt  }
0x5e: {  	_ =	shalt  }
0x5f: {  	_ =	shalt  }
0x60: {  	_ =	shalt  }
0x61: {  	_ =	shalt  }
0x62: {  	_ =	shalt  }
0x63: {  	_ =	shalt  }
0x64: {  	_ =	shalt  }
0x65: {  	_ =	shalt  }
0x66: {  	_ =	shalt  }
0x67: {  	_ =	shalt  }
0x68: {  	_ =	shalt  }
0x69: {  	_ =	shalt  }
0x6a: {  	_ =	shalt  }
0x6b: {  	_ =	shalt  }
0x6c: {  	_ =	shalt  }
0x6d: {  	_ =	shalt  }
0x6e: {  	_ =	shalt  }
0x6f: {  	_ =	shalt  }
0x70: {  	_ =	shalt  }
0x71: {  	_ =	shalt  }
0x72: {  	_ =	shalt  }
0x73: {  	_ =	shalt  }
0x74: {  	_ =	shalt  }
0x75: {  	_ =	shalt  }
0x76: {  	_ =	shalt  }
0x77: {  	_ =	shalt  }
0x78: {  	_ =	shalt  }
0x79: {  	_ =	shalt  }
0x7a: {  	_ =	shalt  }
0x7b: {  	_ =	shalt  }
0x7c: {  	_ =	shalt  }
0x7d: {  	_ =	shalt  }
0x7e: {  	_ =	shalt  }
0x7f: {  	_ =	shalt  }
0x80: {  	_ =	shalt  }
0x81: {  	_ =	shalt  }
0x82: {  	_ =	shalt  }
0x83: {  	_ =	shalt  }
0x84: {  	_ =	shalt  }
0x85: {  	_ =	shalt  }
0x86: {  	_ =	shalt  }
0x87: {  	_ =	shalt  }
.Lfunc_end0:
.L_simem_size_0:
called_computation_lowered:
.L_overlay_start_0:
0x88: {  	s2 =	sld [smem:$0x3FD9]  }
0x89: {  	s3 =	sld [smem:$0x3FFE];
	_ =	sdelay $0x1  }
0x8a: {  	s1 =	srdreg.scid  }
0x8b: {  	s0 =	sand.u32 $0x1, s1  }
0x8c: {  	s16 =	sshll.u32 s0, $0xA;
	s2 =	sadd.s32 s3, s2  }
0x8d: {  	s2 =	sadd.s32 s2, s16  }
0x8e: {  	[smem:$0x3FBC] =	sst s2  }
0x8f: {  	_ = 	snop  }
0x90: {  	(tm) =	ssettm $0x1  }
0x91: {  	s17 =	sld [smem:$0x3FFB];
	_ =	sdelay $0x3  }
0x92: {  	_ =	strace s17  }
0x93: {  	s2 =	sld [smem:$0x3FFC];
	_ =	sdelay $0x3  }
0x94: {  	_ =	strace s2  }
0x95: {  	s2 =	sld [smem:$0x3FFD];
	_ =	sdelay $0x3  }
0x96: {  	_ =	strace s2  }
0x97: {  	_ =	strace $0x8FFFFFFF  }
0x98: {  	s18 =	sld [smem:$0x3FDB];
	_ =	sdelay $0x1  }
0x99: {  	s19 =	simm.s32 $_scs_section_size  }
0x9a: {  	s4 =	simm.s32 $_size__tile_overlayer_lowered;
	s5 =	simm.s32 $_tile_overlayer_lowered  }
0x9b: {  	s22 =	simm.s32 $0x1BFF;
	s21 =	sshll.u32 s5, $0x1;
	s2 =	sadd.s32 s19, s18  }
0x9c: {  	s6 =	simm.s32 $0x0;
	s20 =	sshll.u32 s4, $0x1;
	s4 =	sadd.s32 s21, s2  }
0x9d: {  	[timem:s6], [sflag:s22] =	dma.local [hbm:s4], s20  }
0x9e: {  	_ =	swait.ge [sflag:s22], s20  }
0x9f: {  	s3 =	ssub.s32 $0x0, s20;
	[sflag:s22] =	ssyncset.done $0x0  }
0xa0: {  	[sflag:s22] =	ssyncadd.s32 s3;
	_ =	sdelay $0x1  }
0xa1: {  	s23 =	simm.s32 $0x1B8B  }
0xa2: {  	_ =	swait.ge [sflag:s23], $0x1  }
0xa3: {  	[sflag:s23] =	ssyncset.done $0x0  }
0xa4: {  	s25 =	simm.s32 $0x1B8E;
	s24 =	sld [smem:$0x3FFE];
	[sflag:s23] =	ssyncadd.s32 $0xFFFFFFFF  }
0xa5: {  	s26 =	simm.s32 $execute0_lowered;
	[smem:$0x3FD2] =	sst s25  }
0xa6: {  	s4 =	sshll.u32 s26, $0x1;
	_ =	strace $0x80000046;
	[dreg:$0x1] =	wrdreg $0xFFFFFFFF  }
0xa7: {  	s28 =	simm.s32 $_size_execute0_lowered;
	s2 =	sadd.s32 s2, s4;
	[dreg:$0x0] =	wrdreg $0x0  }
0xa8: {  	s4 =	sshll.u32 s28, $0x1;
	[dreg:$0x2] =	wrdreg s2  }
0xa9: {  	[dreg:$0x3] =	wrdreg s4  }
0xaa: {  	[dreg:$0x4] =	wrdreg $0xC0  }
0xab: {  	_ =	task [dreg:s6], $0x5FFFF  }
0xac: {  	[dreg:$0x1] =	wrdreg $0xFFFFFFFF  }
0xad: {  	[dreg:$0x0] =	wrdreg $0x60  }
0xae: {  	[dreg:$0x2] =	wrdreg s24  }
0xaf: {  	[dreg:$0x3] =	wrdreg $0x54000  }
0xb0: {  	[dreg:$0x4] =	wrdreg $0x9  }
0xb1: {  	_ =	task.clear_ibuf [dreg:s6], $0x5FFFF;
	_ =	strace $0x90000046  }
0xb2: {  	s29 =	simm.s32 $0x9;
	_ =	strace $0x80000048  }
0xb3: {  	_ =	swait.ge [sflag:s29], $0x1  }
0xb4: {  	[sflag:s29] =	ssyncadd.s32 $0xFFFFFFFF  }
0xb5: {  	_ =	strace $0x90000048  }
0xb6: {  	_ =	sfence  }
0xb7: {  	s30 =	sld [smem:$0x0];
	_ =	sdelay $0x2  }
0xb8: {  	s31 =	sshll.u32 s1, $0xD;
	s1 =	sshrl.u32 s1, $0x2  }
0xb9: {  	s3 =	sand.u32 $0x4000, s31;
	s1 =	sadd.s32 s1, s30  }
0xba: {  	s0 =	sor.u32 s3, s0;
	s1 =	sshll.u32 s1, $0x11  }
0xbb: {  	s0 =	sor.u32 s1, s0  }
0xbc: {  	s0 =	sadd.s32 $0x8F2B, s0  }
0xbd: {  	[sflag:s0] =	ssyncadd.remote.s32 $0x1  }
0xbe: {  	_ =	sfence.sel $0xFFFF  }
0xbf: {  	[dreg:$0x0] =	wrdreg $0xFFFFFFFF;
	(pc) =	sbr.abs _section_cstart, $3  }
0xc0: {  	[dreg:$0x1] =	wrdreg $0xFFFFFFFF  }
0xc1: {  	_ =	task.clear_ibuf [dreg:s6], $0x2FFFF;
	_ =	strace $0x9FFFFFFF  }
0xc2: {  	(tm) =	ssettm $0x7FFFFFFF  }
0xc3: {  	_ =	shalt  }
tec
execute0_lowered:
.L_overlay_start_1:
0x0: {  	(tag) =	ssettag $0x1  }
0x1: {  	s7 =	rddreg [dreg:$0x0]  }
0x2: {  	s0 =	srdreg.scid;
	s2 =	rddreg [dreg:$0x1]  }
0x3: {  	s1 =	rddreg [dreg:$0x2];
	s5 =	sand.u32 $0x1, s0  }
0x4: {  	s0 =	stileid.u32;
	s4 =	smul.u32 $0x14000, s5  }
0x5: {  	s3 =	simm.s32 $0x0;
	s16 =	simm.s32 $0x7D;
	s6 =	smul.u32 $0x1400, s0  }
0x6: {  	s17 =	simm.s32 $0x0;
	[smem:$0x7FF] =	sst s3;
	s8 =	smul.u32 $0x13800, s0  }
0x7: {  	s12 =	sadd.s32 $0x30000, s7;
	s15 =	sadd.s32 $0x138000, s2;
	s11 =	smul.u32 $0x4E000, s0  }
0x8: {  	_ =	strace $0x80000047;
	s10 =	ssub.s32 $0x2, s5;
	s28 =	smul.u32 $0x138800, s5  }
0x9: {  	s29 =	sshll.u32 s0, $0x6;
	p0 =	sne.s32 s0, $0xF;
	s13 =	sshrl.u32 s10, $0x1  }
0xa: {  	s4 =	sadd.s32 s6, s4;
	s25 =	sshrl.u32 s8, $0x3;
	s13 =	ssub.s32 s10, s13  }
0xb: {  	s26 =	sshrl.u32 s11, $0x2;
	s8 =	sadd.s32 s8, s28;
	s11 =	sshrl.u32 s28, $0x3  }
0xc: {  	s4 =	sshrl.u32 s4, $0x3;
	s6 =	sadd.s32 s25, s7;
	s14 =	sadd.s32 s26, s2  }
0xd: {  	s30 =	sshrl.u32 s8, $0x3;
	s31 =	sadd.s32 s12, s11;
	s11 =	smax.u32 s13, $0x1  }
0xe: {  	s13 =	simm.s32 $0x1;
	s9 =	sadd.s32 s4, s7;
	s4 =	sadd.s32 $0x2F800, s7  }
0xf: {  	s5 =	sadd.s32 $0x8600, s6;
	s6 =	sor.u32 $0x1C01, s29;
	s7 =	sadd.s32 $0x2F600, s7  }
0x10: {  	s10 =	sadd.s32 $0x27000, s31;
	s8 =	sadd.s32 $0x3600, s9;
	s9 =	sadd.s32 s12, s30  }
0x11: {  	s12 =	sshrl.u32 s14, $0x3;
	s14 =	sshrl.u32 @!p0 s15, $0x3;
	s15 =	simm.s32 $0x1400  }
.LBB2_1:
0x12: {  	[spmem:s12], [sflag:s6] =	dma.local [hbm:s5], $0x2700  }
0x13: {  	_ =	swait.ge [sflag:s13], $0x2700  }
0x14: {  	[sflag:s13] =	ssyncset.done $0x0  }
0x15: {  	s18 =	simm.s32 @!p0 $0x1;
	[sflag:s13] =	ssyncadd.s32 $0xFFFFD900  }
0x16: {  	[spmem:s14], [sflag:s6] =	dma.local @!p0 [hbm:s7], $0x100  }
0x17: {  	_ =	swait.ge @!p0 [sflag:s18], $0x100  }
0x18: {  	[sflag:s18] =	ssyncset.done @!p0 $0x0  }
0x19: {  	[sflag:s18] =	ssyncadd.s32 @!p0 $0xFFFFFF00  }
0x1a: {  	[tilespmem:s3], [sflag:$0x1] =	stream.linear.gather [hbm4b:s8+s3], $0x1400, $0x38;
	[tilespmem:$0x18C80] =	vst v63  }
0x1b: {  	_ =	swait.ge [sflag:s13], $0x1400  }
0x1c: {  	[sflag:s13] =	ssyncset.done $0x0  }
0x1d: {  	[sflag:s13] =	ssyncadd.s32 $0xFFFFEC00  }
0x1e: {  	[tilespmem:s15], [sflag:$0x1] =	stream.linear.gather [hbm4b:s4+s3], $0x3E80, $0x38;
	[tilespmem:$0x18C80] =	vst v63  }
0x1f: {  	_ =	swait.ge [sflag:s13], $0x3E80  }
0x20: {  	[sflag:s13] =	ssyncset.done $0x0  }
0x21: {  	[sflag:s13] =	ssyncadd.s32 $0xFFFFC180  }
0x22: {  	s31 =	simm.s32 $0x0;
	[bflag:$0x0] =	sbarrier.arrive $0xFFFF  }
0x23: {  	[spmem:s2] =	stream.indirect.scatter.add.f32 [tilespmem:s15], [sflag:$0x1], $0x80, s31, s16, $0xb8;
	[tilespmem:$0x18C80] =	vst v63  }
0x24: {  	_ =	swait.ge [sflag:s13], $0x3E80  }
0x25: {  	s18 =	simm.s32 $0x200;
	[sflag:s13] =	ssyncset.done $0x0  }
.LBB2_2:
0x26: {  	s19 =	sshra.s32 s18, $0x2;
	[sflag:s13] =	ssyncadd.s32 $0xFFFFC180;
	p1 =	sne.s32 s18, $0x4E00  }
0x27: {  	[spmem:s2] =	stream.indirect.scatter.add.f32 [tilespmem:s15], [sflag:$0x1], $0x80, s19, s16, $0xb8;
	[tilespmem:$0x18C80] =	vst v63  }
.Ltmp0:
0x28: {  	_ = 	snop;
	(pc) =	sbr.rel @p1 .LBB2_2-.Ltmp0, $4  }
0x29: {  	_ = 	snop  }
0x2a: {  	s18 =	sadd.s32 $0x200, s18  }
0x2b: {  	_ =	swait.ge [sflag:s13], $0x3E80  }
0x2c: {  	[sflag:s13] =	ssyncset.done $0x0  }
0x2d: {  	[sflag:s13] =	ssyncadd.s32 $0xFFFFC180  }
0x2e: {  	[bflag:$0x0] =	sbarrier.arrive $0xFFFF  }
0x2f: {  	[hbm:s9], [sflag:s6] =	dma.local [spmem:s12], $0x2700  }
0x30: {  	s17 =	sadd.s32 $0x1, s17;
	_ =	swait.ge [sflag:s13], $0x2700  }
0x31: {  	p1 =	sne.s32 s17, s11;
	[sflag:s13] =	ssyncset.done $0x0  }
.Ltmp1:
0x32: {  	s18 =	simm.s32 @!p0 $0x1;
	[sflag:s13] =	ssyncadd.s32 $0xFFFFD900;
	(pc) =	sbr.rel @p1 .LBB2_1-.Ltmp1, $4  }
0x33: {  	[hbm:s10], [sflag:s6] =	dma.local @!p0 [spmem:s14], $0x100  }
0x34: {  	_ =	swait.ge @!p0 [sflag:s18], $0x100  }
0x35: {  	[sflag:s18] =	ssyncset.done @!p0 $0x0  }
0x36: {  	[sflag:s18] =	ssyncadd.s32 @!p0 $0xFFFFFF00  }
0x37: {  	_ =	sfence.sel $0x180000  }
0x38: {  	[bflag:$0x0] =	sbarrier.arrive $0xFFFF  }
0x39: {  	p0 =	sne.s32 s0, $0x0;
	_ =	strace $0x90000047  }
0x3a: {  	s0 =	sadd.s32 @!p0 $0x100000, s1;
	[bflag:$0x2] =	sbarrier.arrive $0xFFFF  }
0x3b: {  	[sflag:s0] =	ssyncadd.tile.s32 @!p0 $0x1;
	_ =	shalt  }
.Lfunc_end2:
_tile_overlayer_lowered:
.L_overlay_start_2:
0x3c: {  	(tag) =	ssettag $0x2  }
0x3d: {  	s0 =	rddreg [dreg:$0x0];
	s2 =	stileid.u32  }
0x3e: {  	s1 =	rddreg [dreg:$0x1];
	p0 =	sne.s32 s2, $0x0  }
0x3f: {  	s3 =	rddreg [dreg:$0x2];
	[bflag:$0x3] =	sbarrier.arrive $0xFFFF;
	s2 =	simm.s32 @!p0 $0x1C01  }
0x40: {  	[timem:s3], [sflag:s2] =	dma.local @!p0 [hbm:s0], s1  }
0x41: {  	s0 =	simm.s32 @!p0 $0x1  }
0x42: {  	_ =	swait.ge @!p0 [sflag:s0], s1  }
0x43: {  	s1 =	ssub.s32 @!p0 $0x0, s1;
	[sflag:s0] =	ssyncset.done @!p0 $0x0  }
0x44: {  	[sflag:s0] =	ssyncadd.s32 @!p0 s1  }
0x45: {  	[bflag:$0x3] =	sbarrier.arrive $0xFFFF  }
0x46: {  	_ =	shalt  }

// kernel: kernel.20.cloned.1.call-start
scs
__scs_entry_jumppad:
0x0: {  	(pc) =	sbr.rel $0x88, $3  }
0x1: {  	(tag) =	ssettag $0x0;
	lr =	simm.s32 $0x1  }
0x2: {  	[smem:$0x3F95] =	sst lr;
	_ =	strace $0xD0000000  }
0x3: {  	_ = 	snop  }
0x4: {  	_ = 	snop  }
0x5: {  	_ = 	snop  }
0x6: {  	_ = 	snop  }
0x7: {  	_ = 	snop  }
__scs_overlays_trampoline_lowered:
0x8: {  	[smem:$0x3FA4] =	sst s0  }
0x9: {  	[smem:$0x3FA5] =	sst s1  }
0xa: {  	[smem:$0x3FA6] =	sst s2  }
0xb: {  	[smem:$0x3FA7] =	sst s3  }
0xc: {  	[smem:$0x3FA8] =	sst s4  }
0xd: {  	[smem:$0x3FA9] =	sst s5  }
0xe: {  	[smem:$0x3FAA] =	sst s6  }
0xf: {  	[smem:$0x3FAB] =	sst s7  }
0x10: {  	[smem:$0x3FAC] =	sst s8  }
0x11: {  	[smem:$0x3FAD] =	sst s9;
	s0 =	simm.s32 @!p0 $0x0  }
0x12: {  	s1 =	sld [smem:$0x3F93];
	s0 =	simm.s32 @p0 $0x1  }
0x13: {  	[smem:$0x3FAE] =	sst s0;
	s0 =	simm.s32 @!p1 $0x0  }
0x14: {  	s2 =	sld [smem:$0x3F92];
	s0 =	simm.s32 @p1 $0x1  }
0x15: {  	[smem:$0x3FAF] =	sst s0;
	s0 =	simm.s32 @!p2 $0x0  }
0x16: {  	s3 =	sld [smem:$0x3FDB];
	s0 =	simm.s32 @p2 $0x1  }
0x17: {  	s4 =	simm.s32 $0x1BF5;
	[smem:$0x3FB1] =	sst s0  }
0x18: {  	s0 =	sld [smem:$0x3F94];
	_ =	swait.ge [sflag:s4], $0x0  }
0x19: {  	s7 =	sld [smem:$0x3F95]  }
0x1a: {  	s8 =	sadd.s32 $0xFFFFE003, lr  }
0x1b: {  	s9 =	sadd.s32 $0xFFFFFEF7, lr;
	s5 =	simm.s32 $0xFFFFFFFF;
	p2 =	slt.u32 s8, $0xFFFFF086  }
0x1c: {  	p1 =	slt.u32 s9, $0xF7A;
	s5 =	simm.s32 @!p2 $0x0  }
0x1d: {  	s5 =	simm.s32 @p1 $0x1;
	p0 =	seq.s32 s7, s2  }
0x1e: {  	s7 =	smul.u32 @!p0 $0xF7A, s2;
	p2 =	seq.s32 @!p0 s5, $0x0  }
0x1f: {  	s9 =	smul.u32 $0xF7A, s1;
	s8 =	simm.s32 @!p0 $0x1BF5;
	p2 =	por !p2, p0  }
0x20: {  	[sflag:s8] =	ssyncset.s32 @!p0 $0xFFFFF086;
	s6 =	sadd.s32 @!p0 s3, s7;
	s7 =	simm.s32 @!p0 $0x108  }
0x21: {  	s3 =	sadd.s32 s3, s9;
	s6 =	sadd.s32 @!p0 $0x88, s6;
	s7 =	simm.s32 @p2 $0x1082  }
0x22: {  	[simem:s7], [sflag:s8] =	dma.local @!p0 [hbm:s6], $0xF7A  }
0x23: {  	s9 =	sor.u32 $0xD0000000, s2;
	s6 =	simm.s32 $0x108;
	_ =	swait.ge @!p0 [sflag:s8], $0x0  }
0x24: {  	s3 =	sadd.s32 $0x88, s3;
	s6 =	simm.s32 @!p1 $0x1082;
	[sflag:s4] =	ssyncset.s32 $0xFFFFF086  }
0x25: {  	[simem:s6], [sflag:s4] =	dma.local [hbm:s3], $0xF7A  }
0x26: {  	[smem:$0x3F95] =	sst s1;
	(tag) =	ssettag s2;
	_ =	strace s9  }
0x27: {  	s1 =	sld [smem:$0x3FA5]  }
0x28: {  	s2 =	sld [smem:$0x3FA6]  }
0x29: {  	s4 =	sld [smem:$0x3FA8]  }
0x2a: {  	p0 =	seq.s32 s5, $0x0;
	s5 =	sld [smem:$0x3FA9]  }
0x2b: {  	s6 =	sld [smem:$0x3FAA]  }
0x2c: {  	s7 =	sld [smem:$0x3FAB]  }
0x2d: {  	s3 =	simm.s32 $0x108;
	s8 =	sld [smem:$0x3FAC]  }
0x2e: {  	s3 =	simm.s32 @!p0 $0x1082;
	s9 =	sld [smem:$0x3FAD]  }
0x2f: {  	lr =	sadd.s32 s0, s3;
	s0 =	sld [smem:$0x3FA4]  }
0x30: {  	s3 =	sld [smem:$0x3FA7]  }
0x31: {  	[smem:$0x3FB0] =	sst s10  }
0x32: {  	s10 =	sld [smem:$0x3FAE];
	_ =	sdelay $0x3  }
0x33: {  	p0 =	seq.s32 s10, $0x1;
	s10 =	sld [smem:$0x3FB0];
	_ =	sdelay $0x3  }
0x34: {  	[smem:$0x3FB0] =	sst s10  }
0x35: {  	s10 =	sld [smem:$0x3FAF];
	_ =	sdelay $0x3  }
0x36: {  	p1 =	seq.s32 s10, $0x1;
	s10 =	sld [smem:$0x3FB0];
	_ =	sdelay $0x3  }
0x37: {  	[smem:$0x3FB0] =	sst s10  }
0x38: {  	s10 =	sld [smem:$0x3FB1]  }
0x39: {  	_ = 	snop;
	(pc) =	sbr.ind lr, $3  }
0x3a: {  	_ = 	snop  }
0x3b: {  	_ = 	snop  }
0x3c: {  	p2 =	seq.s32 s10, $0x1;
	s10 =	sld [smem:$0x3FB0]  }
0x3d: {  	_ =	shalt  }
0x3e: {  	_ =	shalt  }
0x3f: {  	_ =	shalt  }
0x40: {  	_ =	shalt  }
0x41: {  	_ =	shalt  }
0x42: {  	_ =	shalt  }
0x43: {  	_ =	shalt  }
0x44: {  	_ =	shalt  }
0x45: {  	_ =	shalt  }
0x46: {  	_ =	shalt  }
0x47: {  	_ =	shalt  }
0x48: {  	_ =	shalt  }
0x49: {  	_ =	shalt  }
0x4a: {  	_ =	shalt  }
0x4b: {  	_ =	shalt  }
0x4c: {  	_ =	shalt  }
0x4d: {  	_ =	shalt  }
0x4e: {  	_ =	shalt  }
0x4f: {  	_ =	shalt  }
0x50: {  	_ =	shalt  }
0x51: {  	_ =	shalt  }
0x52: {  	_ =	shalt  }
0x53: {  	_ =	shalt  }
0x54: {  	_ =	shalt  }
0x55: {  	_ =	shalt  }
0x56: {  	_ =	shalt  }
0x57: {  	_ =	shalt  }
0x58: {  	_ =	shalt  }
0x59: {  	_ =	shalt  }
0x5a: {  	_ =	shalt  }
0x5b: {  	_ =	shalt  }
0x5c: {  	_ =	shalt  }
0x5d: {  	_ =	shalt  }
0x5e: {  	_ =	shalt  }
0x5f: {  	_ =	shalt  }
0x60: {  	_ =	shalt  }
0x61: {  	_ =	shalt  }
0x62: {  	_ =	shalt  }
0x63: {  	_ =	shalt  }
0x64: {  	_ =	shalt  }
0x65: {  	_ =	shalt  }
0x66: {  	_ =	shalt  }
0x67: {  	_ =	shalt  }
0x68: {  	_ =	shalt  }
0x69: {  	_ =	shalt  }
0x6a: {  	_ =	shalt  }
0x6b: {  	_ =	shalt  }
0x6c: {  	_ =	shalt  }
0x6d: {  	_ =	shalt  }
0x6e: {  	_ =	shalt  }
0x6f: {  	_ =	shalt  }
0x70: {  	_ =	shalt  }
0x71: {  	_ =	shalt  }
0x72: {  	_ =	shalt  }
0x73: {  	_ =	shalt  }
0x74: {  	_ =	shalt  }
0x75: {  	_ =	shalt  }
0x76: {  	_ =	shalt  }
0x77: {  	_ =	shalt  }
0x78: {  	_ =	shalt  }
0x79: {  	_ =	shalt  }
0x7a: {  	_ =	shalt  }
0x7b: {  	_ =	shalt  }
0x7c: {  	_ =	shalt  }
0x7d: {  	_ =	shalt  }
0x7e: {  	_ =	shalt  }
0x7f: {  	_ =	shalt  }
0x80: {  	_ =	shalt  }
0x81: {  	_ =	shalt  }
0x82: {  	_ =	shalt  }
0x83: {  	_ =	shalt  }
0x84: {  	_ =	shalt  }
0x85: {  	_ =	shalt  }
0x86: {  	_ =	shalt  }
0x87: {  	_ =	shalt  }
.Lfunc_end0:
.L_simem_size_0:
called_computation.1_lowered:
.L_overlay_start_0:
0x88: {  	s2 =	sld [smem:$0x3FD9]  }
0x89: {  	s3 =	sld [smem:$0x3FFE];
	_ =	sdelay $0x1  }
0x8a: {  	s1 =	srdreg.scid  }
0x8b: {  	s0 =	sand.u32 $0x1, s1  }
0x8c: {  	s16 =	sshll.u32 s0, $0xA;
	s2 =	sadd.s32 s3, s2  }
0x8d: {  	s2 =	sadd.s32 s2, s16  }
0x8e: {  	[smem:$0x3FBC] =	sst s2  }
0x8f: {  	_ = 	snop  }
0x90: {  	(tm) =	ssettm $0x1  }
0x91: {  	s17 =	sld [smem:$0x3FFB];
	_ =	sdelay $0x3  }
0x92: {  	_ =	strace s17  }
0x93: {  	s2 =	sld [smem:$0x3FFC];
	_ =	sdelay $0x3  }
0x94: {  	_ =	strace s2  }
0x95: {  	s2 =	sld [smem:$0x3FFD];
	_ =	sdelay $0x3  }
0x96: {  	_ =	strace s2  }
0x97: {  	_ =	strace $0x8FFFFFFF  }
0x98: {  	s18 =	sld [smem:$0x3FDB];
	_ =	sdelay $0x1  }
0x99: {  	s19 =	simm.s32 $_scs_section_size  }
0x9a: {  	s4 =	simm.s32 $_size__tile_overlayer_lowered;
	s5 =	simm.s32 $_tile_overlayer_lowered  }
0x9b: {  	s22 =	simm.s32 $0x1BFF;
	s21 =	sshll.u32 s5, $0x1;
	s2 =	sadd.s32 s19, s18  }
0x9c: {  	s6 =	simm.s32 $0x0;
	s20 =	sshll.u32 s4, $0x1;
	s4 =	sadd.s32 s21, s2  }
0x9d: {  	[timem:s6], [sflag:s22] =	dma.local [hbm:s4], s20  }
0x9e: {  	_ =	swait.ge [sflag:s22], s20  }
0x9f: {  	s3 =	ssub.s32 $0x0, s20;
	[sflag:s22] =	ssyncset.done $0x0  }
0xa0: {  	[sflag:s22] =	ssyncadd.s32 s3;
	_ =	sdelay $0x1  }
0xa1: {  	s23 =	simm.s32 $0x1B8B  }
0xa2: {  	_ =	swait.ge [sflag:s23], $0x1  }
0xa3: {  	[sflag:s23] =	ssyncset.done $0x0  }
0xa4: {  	s25 =	simm.s32 $0x1B8E;
	s24 =	sld [smem:$0x3FFE];
	[sflag:s23] =	ssyncadd.s32 $0xFFFFFFFF  }
0xa5: {  	s26 =	simm.s32 $execute0_lowered;
	[smem:$0x3FD2] =	sst s25  }
0xa6: {  	s4 =	sshll.u32 s26, $0x1;
	_ =	strace $0x80000049;
	[dreg:$0x1] =	wrdreg $0xFFFFFFFF  }
0xa7: {  	s28 =	simm.s32 $_size_execute0_lowered;
	s2 =	sadd.s32 s2, s4;
	[dreg:$0x0] =	wrdreg $0x0  }
0xa8: {  	s4 =	sshll.u32 s28, $0x1;
	[dreg:$0x2] =	wrdreg s2  }
0xa9: {  	[dreg:$0x3] =	wrdreg s4  }
0xaa: {  	[dreg:$0x4] =	wrdreg $0xC0  }
0xab: {  	_ =	task [dreg:s6], $0x5FFFF  }
0xac: {  	[dreg:$0x1] =	wrdreg $0xFFFFFFFF  }
0xad: {  	[dreg:$0x0] =	wrdreg $0x60  }
0xae: {  	[dreg:$0x2] =	wrdreg s24  }
0xaf: {  	[dreg:$0x3] =	wrdreg $0x90000  }
0xb0: {  	[dreg:$0x4] =	wrdreg $0x9  }
0xb1: {  	_ =	task.clear_ibuf [dreg:s6], $0x5FFFF;
	_ =	strace $0x90000049  }
0xb2: {  	s29 =	simm.s32 $0x9;
	_ =	strace $0x8000004B  }
0xb3: {  	_ =	swait.ge [sflag:s29], $0x1  }
0xb4: {  	[sflag:s29] =	ssyncadd.s32 $0xFFFFFFFF  }
0xb5: {  	_ =	strace $0x9000004B  }
0xb6: {  	_ =	sfence  }
0xb7: {  	s30 =	sld [smem:$0x0];
	_ =	sdelay $0x2  }
0xb8: {  	s31 =	sshll.u32 s1, $0xD;
	s1 =	sshrl.u32 s1, $0x2  }
0xb9: {  	s3 =	sand.u32 $0x4000, s31;
	s1 =	sadd.s32 s1, s30  }
0xba: {  	s0 =	sor.u32 s3, s0;
	s1 =	sshll.u32 s1, $0x11  }
0xbb: {  	s0 =	sor.u32 s1, s0  }
0xbc: {  	s0 =	sadd.s32 $0x8F2B, s0  }
0xbd: {  	[sflag:s0] =	ssyncadd.remote.s32 $0x1  }
0xbe: {  	_ =	sfence.sel $0xFFFF  }
0xbf: {  	[dreg:$0x0] =	wrdreg $0xFFFFFFFF;
	(pc) =	sbr.abs _section_cstart, $3  }
0xc0: {  	[dreg:$0x1] =	wrdreg $0xFFFFFFFF  }
0xc1: {  	_ =	task.clear_ibuf [dreg:s6], $0x2FFFF;
	_ =	strace $0x9FFFFFFF  }
0xc2: {  	(tm) =	ssettm $0x7FFFFFFF  }
0xc3: {  	_ =	shalt  }
tec
execute0_lowered:
.L_overlay_start_1:
0x0: {  	(tag) =	ssettag $0x1  }
0x1: {  	s1 =	srdreg.scid;
	s7 =	rddreg [dreg:$0x0]  }
0x2: {  	s0 =	stileid.u32;
	s2 =	rddreg [dreg:$0x1];
	s3 =	simm.s32 $0x0  }
0x3: {  	s17 =	simm.s32 $0x7D;
	s18 =	simm.s32 $0x5000;
	s4 =	smul.u32 $0x2800, s0  }
0x4: {  	s5 =	sand.u32 $0x1, s1;
	s1 =	rddreg [dreg:$0x2];
	s8 =	smul.u32 $0x13800, s0  }
0x5: {  	s19 =	simm.s32 $0x0;
	[smem:$0x7FF] =	sst s3;
	s12 =	smul.u32 $0x4E000, s0  }
0x6: {  	s14 =	sadd.s32 $0xDB400, s7;
	s29 =	sshll.u32 s0, $0x6;
	s16 =	sadd.s32 $0x138000, s2  }
0x7: {  	p0 =	sne.s32 s0, $0xF;
	s6 =	smul.u32 $0x28000, s5;
	_ =	strace $0x8000004A  }
0x8: {  	s11 =	ssub.s32 $0x2, s5;
	s30 =	smul.u32 $0x138800, s5;
	s26 =	sshrl.u32 s8, $0x3  }
0x9: {  	s13 =	sshrl.u32 s11, $0x1;
	s28 =	sshrl.u32 s12, $0x2;
	s6 =	sadd.s32 s4, s6  }
0xa: {  	s4 =	sshrl.u32 s4, $0x3;
	s13 =	ssub.s32 s11, s13;
	s15 =	sadd.s32 s28, s2  }
0xb: {  	s31 =	sadd.s32 s8, s30;
	s12 =	sshrl.u32 s30, $0x3;
	s6 =	sshrl.u32 s6, $0x3  }
0xc: {  	s10 =	sadd.s32 s4, s7;
	s4 =	sadd.s32 $0x2F800, s7;
	s11 =	sshrl.u32 s31, $0x3  }
0xd: {  	s12 =	sadd.s32 s14, s12;
	s9 =	sadd.s32 s6, s7;
	s6 =	sadd.s32 s26, s7  }
0xe: {  	s7 =	sadd.s32 $0x2F600, s7;
	s5 =	sadd.s32 $0x8600, s6;
	s6 =	sor.u32 $0x1C01, s29  }
0xf: {  	s8 =	sadd.s32 $0x83200, s9;
	s9 =	sadd.s32 $0x7E200, s10;
	s10 =	sadd.s32 s14, s11  }
0x10: {  	s11 =	sadd.s32 $0x27000, s12;
	s12 =	smax.u32 s13, $0x1;
	s13 =	sshrl.u32 s15, $0x3  }
0x11: {  	s14 =	simm.s32 $0x1;
	s15 =	sshrl.u32 @!p0 s16, $0x3;
	s16 =	simm.s32 $0x2800  }
.LBB2_1:
0x12: {  	[spmem:s13], [sflag:s6] =	dma.local [hbm:s5], $0x2700  }
0x13: {  	_ =	swait.ge [sflag:s14], $0x2700  }
0x14: {  	[sflag:s14] =	ssyncset.done $0x0  }
0x15: {  	s20 =	simm.s32 @!p0 $0x1;
	[sflag:s14] =	ssyncadd.s32 $0xFFFFD900  }
0x16: {  	[spmem:s15], [sflag:s6] =	dma.local @!p0 [hbm:s7], $0x100  }
0x17: {  	_ =	swait.ge @!p0 [sflag:s20], $0x100  }
0x18: {  	[sflag:s20] =	ssyncset.done @!p0 $0x0  }
0x19: {  	[sflag:s20] =	ssyncadd.s32 @!p0 $0xFFFFFF00  }
0x1a: {  	[tilespmem:s3], [sflag:$0x1] =	stream.linear.gather [hbm4b:s8+s3], $0x2800, $0x38;
	[tilespmem:$0x1C880] =	vst v63  }
0x1b: {  	_ =	swait.ge [sflag:s14], $0x2800  }
0x1c: {  	[sflag:s14] =	ssyncset.done $0x0  }
0x1d: {  	[sflag:s14] =	ssyncadd.s32 $0xFFFFD800  }
0x1e: {  	[tilespmem:s16], [sflag:$0x1] =	stream.linear.gather [hbm4b:s9+s3], $0x2800, $0x38;
	[tilespmem:$0x1C880] =	vst v63  }
0x1f: {  	_ =	swait.ge [sflag:s14], $0x2800  }
0x20: {  	[sflag:s14] =	ssyncset.done $0x0  }
0x21: {  	[sflag:s14] =	ssyncadd.s32 $0xFFFFD800  }
0x22: {  	s30 =	simm.s32 $0x0;
	[bflag:$0x0] =	sbarrier.arrive $0xFFFF  }
0x23: {  	[tilespmem:s18], [sflag:$0x1] =	stream.indirect.gather [hbm4b:s4+s17], $0x80, s30, s17, $0xb8;
	[tilespmem:$0x1C880] =	vst v63  }
0x24: {  	_ =	swait.ge [sflag:s14], $0x3E80  }
0x25: {  	[sflag:s14] =	ssyncset.done $0x0  }
0x26: {  	s31 =	simm.s32 $0x2800;
	[sflag:s14] =	ssyncadd.s32 $0xFFFFC180  }
0x27: {  	[spmem:s2] =	stream.indirect.scatter.add.f32 [tilespmem:s18], [sflag:$0x1], $0x80, s31, s17, $0xb8;
	[tilespmem:$0x1C880] =	vst v63  }
0x28: {  	_ =	swait.ge [sflag:s14], $0x3E80  }
0x29: {  	s21 =	simm.s32 $0x400;
	s20 =	simm.s32 $0x200;
	[sflag:s14] =	ssyncset.done $0x0  }
.LBB2_2:
0x2a: {  	s22 =	sshra.s32 s20, $0x2  }
0x2b: {  	[sflag:s14] =	ssyncadd.s32 $0xFFFFC180;
	s20 =	smov.u32 s21;
	s23 =	sadd.s32 $0x200, s21  }
0x2c: {  	[tilespmem:s18], [sflag:$0x1] =	stream.indirect.gather [hbm4b:s4+s17], $0x80, s22, s17, $0xb8;
	[tilespmem:$0x1C880] =	vst v63  }
0x2d: {  	p1 =	sne.s32 s21, $0x9E00;
	_ =	swait.ge [sflag:s14], $0x3E80  }
.Ltmp0:
0x2e: {  	[sflag:s14] =	ssyncset.done $0x0;
	(pc) =	sbr.rel @p1 .LBB2_2-.Ltmp0, $4  }
0x2f: {  	s21 =	sadd.s32 $0x2800, s22;
	[sflag:s14] =	ssyncadd.s32 $0xFFFFC180  }
0x30: {  	[spmem:s2] =	stream.indirect.scatter.add.f32 [tilespmem:s18], [sflag:$0x1], $0x80, s21, s17, $0xb8;
	[tilespmem:$0x1C880] =	vst v63  }
0x31: {  	_ =	swait.ge [sflag:s14], $0x3E80  }
0x32: {  	s21 =	smov.u32 s23;
	[sflag:s14] =	ssyncset.done $0x0  }
0x33: {  	s20 =	sshra.s32 s20, $0x2;
	[sflag:s14] =	ssyncadd.s32 $0xFFFFC180  }
0x34: {  	[tilespmem:s18], [sflag:$0x1] =	stream.indirect.gather [hbm4b:s4+s17], $0x80, s20, s17, $0xb8;
	[tilespmem:$0x1C880] =	vst v63  }
0x35: {  	_ =	swait.ge [sflag:s14], $0x3E80  }
0x36: {  	[sflag:s14] =	ssyncset.done $0x0  }
0x37: {  	s20 =	sadd.s32 $0x2800, s20;
	[sflag:s14] =	ssyncadd.s32 $0xFFFFC180  }
0x38: {  	[spmem:s2] =	stream.indirect.scatter.add.f32 [tilespmem:s18], [sflag:$0x1], $0x80, s20, s17, $0xb8;
	[tilespmem:$0x1C880] =	vst v63  }
0x39: {  	_ =	swait.ge [sflag:s14], $0x3E80  }
0x3a: {  	[sflag:s14] =	ssyncset.done $0x0  }
0x3b: {  	[sflag:s14] =	ssyncadd.s32 $0xFFFFC180  }
0x3c: {  	[bflag:$0x0] =	sbarrier.arrive $0xFFFF  }
0x3d: {  	[hbm:s10], [sflag:s6] =	dma.local [spmem:s13], $0x2700  }
0x3e: {  	s19 =	sadd.s32 $0x1, s19;
	_ =	swait.ge [sflag:s14], $0x2700  }
0x3f: {  	p1 =	sne.s32 s19, s12;
	[sflag:s14] =	ssyncset.done $0x0  }
.Ltmp1:
0x40: {  	s20 =	simm.s32 @!p0 $0x1;
	[sflag:s14] =	ssyncadd.s32 $0xFFFFD900;
	(pc) =	sbr.rel @p1 .LBB2_1-.Ltmp1, $4  }
0x41: {  	[hbm:s11], [sflag:s6] =	dma.local @!p0 [spmem:s15], $0x100  }
0x42: {  	_ =	swait.ge @!p0 [sflag:s20], $0x100  }
0x43: {  	[sflag:s20] =	ssyncset.done @!p0 $0x0  }
0x44: {  	[sflag:s20] =	ssyncadd.s32 @!p0 $0xFFFFFF00  }
0x45: {  	_ =	sfence.sel $0x180000  }
0x46: {  	[bflag:$0x0] =	sbarrier.arrive $0xFFFF  }
0x47: {  	p0 =	sne.s32 s0, $0x0;
	_ =	strace $0x9000004A  }
0x48: {  	s0 =	sadd.s32 @!p0 $0x100000, s1;
	[bflag:$0x2] =	sbarrier.arrive $0xFFFF  }
0x49: {  	[sflag:s0] =	ssyncadd.tile.s32 @!p0 $0x1;
	_ =	shalt  }
.Lfunc_end2:
_tile_overlayer_lowered:
.L_overlay_start_2:
0x4a: {  	(tag) =	ssettag $0x2  }
0x4b: {  	s0 =	rddreg [dreg:$0x0];
	s2 =	stileid.u32  }
0x4c: {  	s1 =	rddreg [dreg:$0x1];
	p0 =	sne.s32 s2, $0x0  }
0x4d: {  	s3 =	rddreg [dreg:$0x2];
	[bflag:$0x3] =	sbarrier.arrive $0xFFFF;
	s2 =	simm.s32 @!p0 $0x1C01  }
0x4e: {  	[timem:s3], [sflag:s2] =	dma.local @!p0 [hbm:s0], s1  }
0x4f: {  	s0 =	simm.s32 @!p0 $0x1  }
0x50: {  	_ =	swait.ge @!p0 [sflag:s0], s1  }
0x51: {  	s1 =	ssub.s32 @!p0 $0x0, s1;
	[sflag:s0] =	ssyncset.done @!p0 $0x0  }
0x52: {  	[sflag:s0] =	ssyncadd.s32 @!p0 s1  }
0x53: {  	[bflag:$0x3] =	sbarrier.arrive $0xFFFF  }
0x54: {  	_ =	shalt  }

// kernel: kernel.23.cloned.1.call-start
scs
__scs_entry_jumppad:
0x0: {  	(pc) =	sbr.rel $0x88, $3  }
0x1: {  	(tag) =	ssettag $0x0;
	lr =	simm.s32 $0x1  }
0x2: {  	[smem:$0x3F95] =	sst lr;
	_ =	strace $0xD0000000  }
0x3: {  	_ = 	snop  }
0x4: {  	_ = 	snop  }
0x5: {  	_ = 	snop  }
0x6: {  	_ = 	snop  }
0x7: {  	_ = 	snop  }
__scs_overlays_trampoline_lowered:
0x8: {  	[smem:$0x3FA4] =	sst s0  }
0x9: {  	[smem:$0x3FA5] =	sst s1  }
0xa: {  	[smem:$0x3FA6] =	sst s2  }
0xb: {  	[smem:$0x3FA7] =	sst s3  }
0xc: {  	[smem:$0x3FA8] =	sst s4  }
0xd: {  	[smem:$0x3FA9] =	sst s5  }
0xe: {  	[smem:$0x3FAA] =	sst s6  }
0xf: {  	[smem:$0x3FAB] =	sst s7  }
0x10: {  	[smem:$0x3FAC] =	sst s8  }
0x11: {  	[smem:$0x3FAD] =	sst s9;
	s0 =	simm.s32 @!p0 $0x0  }
0x12: {  	s1 =	sld [smem:$0x3F93];
	s0 =	simm.s32 @p0 $0x1  }
0x13: {  	[smem:$0x3FAE] =	sst s0;
	s0 =	simm.s32 @!p1 $0x0  }
0x14: {  	s2 =	sld [smem:$0x3F92];
	s0 =	simm.s32 @p1 $0x1  }
0x15: {  	[smem:$0x3FAF] =	sst s0;
	s0 =	simm.s32 @!p2 $0x0  }
0x16: {  	s3 =	sld [smem:$0x3FDB];
	s0 =	simm.s32 @p2 $0x1  }
0x17: {  	s4 =	simm.s32 $0x1BF5;
	[smem:$0x3FB1] =	sst s0  }
0x18: {  	s0 =	sld [smem:$0x3F94];
	_ =	swait.ge [sflag:s4], $0x0  }
0x19: {  	s7 =	sld [smem:$0x3F95]  }
0x1a: {  	s8 =	sadd.s32 $0xFFFFE003, lr  }
0x1b: {  	s9 =	sadd.s32 $0xFFFFFEF7, lr;
	s5 =	simm.s32 $0xFFFFFFFF;
	p2 =	slt.u32 s8, $0xFFFFF086  }
0x1c: {  	p1 =	slt.u32 s9, $0xF7A;
	s5 =	simm.s32 @!p2 $0x0  }
0x1d: {  	s5 =	simm.s32 @p1 $0x1;
	p0 =	seq.s32 s7, s2  }
0x1e: {  	s7 =	smul.u32 @!p0 $0xF7A, s2;
	p2 =	seq.s32 @!p0 s5, $0x0  }
0x1f: {  	s9 =	smul.u32 $0xF7A, s1;
	s8 =	simm.s32 @!p0 $0x1BF5;
	p2 =	por !p2, p0  }
0x20: {  	[sflag:s8] =	ssyncset.s32 @!p0 $0xFFFFF086;
	s6 =	sadd.s32 @!p0 s3, s7;
	s7 =	simm.s32 @!p0 $0x108  }
0x21: {  	s3 =	sadd.s32 s3, s9;
	s6 =	sadd.s32 @!p0 $0x88, s6;
	s7 =	simm.s32 @p2 $0x1082  }
0x22: {  	[simem:s7], [sflag:s8] =	dma.local @!p0 [hbm:s6], $0xF7A  }
0x23: {  	s9 =	sor.u32 $0xD0000000, s2;
	s6 =	simm.s32 $0x108;
	_ =	swait.ge @!p0 [sflag:s8], $0x0  }
0x24: {  	s3 =	sadd.s32 $0x88, s3;
	s6 =	simm.s32 @!p1 $0x1082;
	[sflag:s4] =	ssyncset.s32 $0xFFFFF086  }
0x25: {  	[simem:s6], [sflag:s4] =	dma.local [hbm:s3], $0xF7A  }
0x26: {  	[smem:$0x3F95] =	sst s1;
	(tag) =	ssettag s2;
	_ =	strace s9  }
0x27: {  	s1 =	sld [smem:$0x3FA5]  }
0x28: {  	s2 =	sld [smem:$0x3FA6]  }
0x29: {  	s4 =	sld [smem:$0x3FA8]  }
0x2a: {  	p0 =	seq.s32 s5, $0x0;
	s5 =	sld [smem:$0x3FA9]  }
0x2b: {  	s6 =	sld [smem:$0x3FAA]  }
0x2c: {  	s7 =	sld [smem:$0x3FAB]  }
0x2d: {  	s3 =	simm.s32 $0x108;
	s8 =	sld [smem:$0x3FAC]  }
0x2e: {  	s3 =	simm.s32 @!p0 $0x1082;
	s9 =	sld [smem:$0x3FAD]  }
0x2f: {  	lr =	sadd.s32 s0, s3;
	s0 =	sld [smem:$0x3FA4]  }
0x30: {  	s3 =	sld [smem:$0x3FA7]  }
0x31: {  	[smem:$0x3FB0] =	sst s10  }
0x32: {  	s10 =	sld [smem:$0x3FAE];
	_ =	sdelay $0x3  }
0x33: {  	p0 =	seq.s32 s10, $0x1;
	s10 =	sld [smem:$0x3FB0];
	_ =	sdelay $0x3  }
0x34: {  	[smem:$0x3FB0] =	sst s10  }
0x35: {  	s10 =	sld [smem:$0x3FAF];
	_ =	sdelay $0x3  }
0x36: {  	p1 =	seq.s32 s10, $0x1;
	s10 =	sld [smem:$0x3FB0];
	_ =	sdelay $0x3  }
0x37: {  	[smem:$0x3FB0] =	sst s10  }
0x38: {  	s10 =	sld [smem:$0x3FB1]  }
0x39: {  	_ = 	snop;
	(pc) =	sbr.ind lr, $3  }
0x3a: {  	_ = 	snop  }
0x3b: {  	_ = 	snop  }
0x3c: {  	p2 =	seq.s32 s10, $0x1;
	s10 =	sld [smem:$0x3FB0]  }
0x3d: {  	_ =	shalt  }
0x3e: {  	_ =	shalt  }
0x3f: {  	_ =	shalt  }
0x40: {  	_ =	shalt  }
0x41: {  	_ =	shalt  }
0x42: {  	_ =	shalt  }
0x43: {  	_ =	shalt  }
0x44: {  	_ =	shalt  }
0x45: {  	_ =	shalt  }
0x46: {  	_ =	shalt  }
0x47: {  	_ =	shalt  }
0x48: {  	_ =	shalt  }
0x49: {  	_ =	shalt  }
0x4a: {  	_ =	shalt  }
0x4b: {  	_ =	shalt  }
0x4c: {  	_ =	shalt  }
0x4d: {  	_ =	shalt  }
0x4e: {  	_ =	shalt  }
0x4f: {  	_ =	shalt  }
0x50: {  	_ =	shalt  }
0x51: {  	_ =	shalt  }
0x52: {  	_ =	shalt  }
0x53: {  	_ =	shalt  }
0x54: {  	_ =	shalt  }
0x55: {  	_ =	shalt  }
0x56: {  	_ =	shalt  }
0x57: {  	_ =	shalt  }
0x58: {  	_ =	shalt  }
0x59: {  	_ =	shalt  }
0x5a: {  	_ =	shalt  }
0x5b: {  	_ =	shalt  }
0x5c: {  	_ =	shalt  }
0x5d: {  	_ =	shalt  }
0x5e: {  	_ =	shalt  }
0x5f: {  	_ =	shalt  }
0x60: {  	_ =	shalt  }
0x61: {  	_ =	shalt  }
0x62: {  	_ =	shalt  }
0x63: {  	_ =	shalt  }
0x64: {  	_ =	shalt  }
0x65: {  	_ =	shalt  }
0x66: {  	_ =	shalt  }
0x67: {  	_ =	shalt  }
0x68: {  	_ =	shalt  }
0x69: {  	_ =	shalt  }
0x6a: {  	_ =	shalt  }
0x6b: {  	_ =	shalt  }
0x6c: {  	_ =	shalt  }
0x6d: {  	_ =	shalt  }
0x6e: {  	_ =	shalt  }
0x6f: {  	_ =	shalt  }
0x70: {  	_ =	shalt  }
0x71: {  	_ =	shalt  }
0x72: {  	_ =	shalt  }
0x73: {  	_ =	shalt  }
0x74: {  	_ =	shalt  }
0x75: {  	_ =	shalt  }
0x76: {  	_ =	shalt  }
0x77: {  	_ =	shalt  }
0x78: {  	_ =	shalt  }
0x79: {  	_ =	shalt  }
0x7a: {  	_ =	shalt  }
0x7b: {  	_ =	shalt  }
0x7c: {  	_ =	shalt  }
0x7d: {  	_ =	shalt  }
0x7e: {  	_ =	shalt  }
0x7f: {  	_ =	shalt  }
0x80: {  	_ =	shalt  }
0x81: {  	_ =	shalt  }
0x82: {  	_ =	shalt  }
0x83: {  	_ =	shalt  }
0x84: {  	_ =	shalt  }
0x85: {  	_ =	shalt  }
0x86: {  	_ =	shalt  }
0x87: {  	_ =	shalt  }
.Lfunc_end0:
.L_simem_size_0:
called_computation.2_lowered:
.L_overlay_start_0:
0x88: {  	s2 =	sld [smem:$0x3FD9]  }
0x89: {  	s3 =	sld [smem:$0x3FFE];
	_ =	sdelay $0x1  }
0x8a: {  	s1 =	srdreg.scid  }
0x8b: {  	s0 =	sand.u32 $0x1, s1  }
0x8c: {  	s16 =	sshll.u32 s0, $0xA;
	s2 =	sadd.s32 s3, s2  }
0x8d: {  	s2 =	sadd.s32 s2, s16  }
0x8e: {  	[smem:$0x3FBC] =	sst s2  }
0x8f: {  	_ = 	snop  }
0x90: {  	(tm) =	ssettm $0x1  }
0x91: {  	s17 =	sld [smem:$0x3FFB];
	_ =	sdelay $0x3  }
0x92: {  	_ =	strace s17  }
0x93: {  	s2 =	sld [smem:$0x3FFC];
	_ =	sdelay $0x3  }
0x94: {  	_ =	strace s2  }
0x95: {  	s2 =	sld [smem:$0x3FFD];
	_ =	sdelay $0x3  }
0x96: {  	_ =	strace s2  }
0x97: {  	_ =	strace $0x8FFFFFFF  }
0x98: {  	s18 =	sld [smem:$0x3FDB];
	_ =	sdelay $0x1  }
0x99: {  	s19 =	simm.s32 $_scs_section_size  }
0x9a: {  	s4 =	simm.s32 $_size__tile_overlayer_lowered;
	s5 =	simm.s32 $_tile_overlayer_lowered  }
0x9b: {  	s22 =	simm.s32 $0x1BFF;
	s21 =	sshll.u32 s5, $0x1;
	s2 =	sadd.s32 s19, s18  }
0x9c: {  	s6 =	simm.s32 $0x0;
	s20 =	sshll.u32 s4, $0x1;
	s4 =	sadd.s32 s21, s2  }
0x9d: {  	[timem:s6], [sflag:s22] =	dma.local [hbm:s4], s20  }
0x9e: {  	_ =	swait.ge [sflag:s22], s20  }
0x9f: {  	s3 =	ssub.s32 $0x0, s20;
	[sflag:s22] =	ssyncset.done $0x0  }
0xa0: {  	[sflag:s22] =	ssyncadd.s32 s3;
	_ =	sdelay $0x1  }
0xa1: {  	s23 =	simm.s32 $0x1B8B  }
0xa2: {  	_ =	swait.ge [sflag:s23], $0x1  }
0xa3: {  	[sflag:s23] =	ssyncset.done $0x0  }
0xa4: {  	s25 =	simm.s32 $0x1B8E;
	s24 =	sld [smem:$0x3FFE];
	[sflag:s23] =	ssyncadd.s32 $0xFFFFFFFF  }
0xa5: {  	s26 =	simm.s32 $execute0_lowered;
	[smem:$0x3FD2] =	sst s25  }
0xa6: {  	s4 =	sshll.u32 s26, $0x1;
	_ =	strace $0x8000004C;
	[dreg:$0x1] =	wrdreg $0xFFFFFFFF  }
0xa7: {  	s28 =	simm.s32 $_size_execute0_lowered;
	s2 =	sadd.s32 s2, s4;
	[dreg:$0x0] =	wrdreg $0x0  }
0xa8: {  	s4 =	sshll.u32 s28, $0x1;
	[dreg:$0x2] =	wrdreg s2  }
0xa9: {  	[dreg:$0x3] =	wrdreg s4  }
0xaa: {  	[dreg:$0x4] =	wrdreg $0xC0  }
0xab: {  	_ =	task [dreg:s6], $0x5FFFF  }
0xac: {  	[dreg:$0x1] =	wrdreg $0xFFFFFFFF  }
0xad: {  	[dreg:$0x0] =	wrdreg $0x60  }
0xae: {  	[dreg:$0x2] =	wrdreg s24  }
0xaf: {  	[dreg:$0x3] =	wrdreg $0x90000  }
0xb0: {  	[dreg:$0x4] =	wrdreg $0x9  }
0xb1: {  	_ =	task.clear_ibuf [dreg:s6], $0x5FFFF;
	_ =	strace $0x9000004C  }
0xb2: {  	s29 =	simm.s32 $0x9;
	_ =	strace $0x8000004E  }
0xb3: {  	_ =	swait.ge [sflag:s29], $0x1  }
0xb4: {  	[sflag:s29] =	ssyncadd.s32 $0xFFFFFFFF  }
0xb5: {  	_ =	strace $0x9000004E  }
0xb6: {  	_ =	sfence  }
0xb7: {  	s30 =	sld [smem:$0x0];
	_ =	sdelay $0x2  }
0xb8: {  	s31 =	sshll.u32 s1, $0xD;
	s1 =	sshrl.u32 s1, $0x2  }
0xb9: {  	s3 =	sand.u32 $0x4000, s31;
	s1 =	sadd.s32 s1, s30  }
0xba: {  	s0 =	sor.u32 s3, s0;
	s1 =	sshll.u32 s1, $0x11  }
0xbb: {  	s0 =	sor.u32 s1, s0  }
0xbc: {  	s0 =	sadd.s32 $0x8F2B, s0  }
0xbd: {  	[sflag:s0] =	ssyncadd.remote.s32 $0x1  }
0xbe: {  	_ =	sfence.sel $0xFFFF  }
0xbf: {  	[dreg:$0x0] =	wrdreg $0xFFFFFFFF;
	(pc) =	sbr.abs _section_cstart, $3  }
0xc0: {  	[dreg:$0x1] =	wrdreg $0xFFFFFFFF  }
0xc1: {  	_ =	task.clear_ibuf [dreg:s6], $0x2FFFF;
	_ =	strace $0x9FFFFFFF  }
0xc2: {  	(tm) =	ssettm $0x7FFFFFFF  }
0xc3: {  	_ =	shalt  }
tec
execute0_lowered:
.L_overlay_start_1:
0x0: {  	(tag) =	ssettag $0x1  }
0x1: {  	s1 =	srdreg.scid;
	s7 =	rddreg [dreg:$0x0]  }
0x2: {  	s0 =	stileid.u32;
	s2 =	rddreg [dreg:$0x1];
	s3 =	simm.s32 $0x0  }
0x3: {  	s17 =	simm.s32 $0x7D;
	s18 =	simm.s32 $0x5000;
	s4 =	smul.u32 $0x2800, s0  }
0x4: {  	s5 =	sand.u32 $0x1, s1;
	s1 =	rddreg [dreg:$0x2];
	s8 =	smul.u32 $0x13800, s0  }
0x5: {  	s19 =	simm.s32 $0x0;
	[smem:$0x7FF] =	sst s3;
	s12 =	smul.u32 $0x4E000, s0  }
0x6: {  	s14 =	sadd.s32 $0xDB400, s7;
	s29 =	sshll.u32 s0, $0x6;
	s16 =	sadd.s32 $0x138000, s2  }
0x7: {  	p0 =	sne.s32 s0, $0xF;
	s6 =	smul.u32 $0x28000, s5;
	_ =	strace $0x8000004D  }
0x8: {  	s11 =	ssub.s32 $0x2, s5;
	s30 =	smul.u32 $0x138800, s5;
	s26 =	sshrl.u32 s8, $0x3  }
0x9: {  	s13 =	sshrl.u32 s11, $0x1;
	s28 =	sshrl.u32 s12, $0x2;
	s6 =	sadd.s32 s4, s6  }
0xa: {  	s4 =	sshrl.u32 s4, $0x3;
	s13 =	ssub.s32 s11, s13;
	s15 =	sadd.s32 s28, s2  }
0xb: {  	s31 =	sadd.s32 s8, s30;
	s12 =	sshrl.u32 s30, $0x3;
	s6 =	sshrl.u32 s6, $0x3  }
0xc: {  	s10 =	sadd.s32 s4, s7;
	s4 =	sadd.s32 $0x2F800, s7;
	s11 =	sshrl.u32 s31, $0x3  }
0xd: {  	s12 =	sadd.s32 s14, s12;
	s9 =	sadd.s32 s6, s7;
	s6 =	sadd.s32 s26, s7  }
0xe: {  	s7 =	sadd.s32 $0x2F600, s7;
	s5 =	sadd.s32 $0x8600, s6;
	s6 =	sor.u32 $0x1C01, s29  }
0xf: {  	s8 =	sadd.s32 $0x83200, s9;
	s9 =	sadd.s32 $0x7E200, s10;
	s10 =	sadd.s32 s14, s11  }
0x10: {  	s11 =	sadd.s32 $0x27000, s12;
	s12 =	smax.u32 s13, $0x1;
	s13 =	sshrl.u32 s15, $0x3  }
0x11: {  	s14 =	simm.s32 $0x1;
	s15 =	sshrl.u32 @!p0 s16, $0x3;
	s16 =	simm.s32 $0x2800  }
.LBB2_1:
0x12: {  	[spmem:s13], [sflag:s6] =	dma.local [hbm:s5], $0x2700  }
0x13: {  	_ =	swait.ge [sflag:s14], $0x2700  }
0x14: {  	[sflag:s14] =	ssyncset.done $0x0  }
0x15: {  	s20 =	simm.s32 @!p0 $0x1;
	[sflag:s14] =	ssyncadd.s32 $0xFFFFD900  }
0x16: {  	[spmem:s15], [sflag:s6] =	dma.local @!p0 [hbm:s7], $0x100  }
0x17: {  	_ =	swait.ge @!p0 [sflag:s20], $0x100  }
0x18: {  	[sflag:s20] =	ssyncset.done @!p0 $0x0  }
0x19: {  	[sflag:s20] =	ssyncadd.s32 @!p0 $0xFFFFFF00  }
0x1a: {  	[tilespmem:s3], [sflag:$0x1] =	stream.linear.gather [hbm4b:s8+s3], $0x2800, $0x38;
	[tilespmem:$0x1C880] =	vst v63  }
0x1b: {  	_ =	swait.ge [sflag:s14], $0x2800  }
0x1c: {  	[sflag:s14] =	ssyncset.done $0x0  }
0x1d: {  	[sflag:s14] =	ssyncadd.s32 $0xFFFFD800  }
0x1e: {  	[tilespmem:s16], [sflag:$0x1] =	stream.linear.gather [hbm4b:s9+s3], $0x2800, $0x38;
	[tilespmem:$0x1C880] =	vst v63  }
0x1f: {  	_ =	swait.ge [sflag:s14], $0x2800  }
0x20: {  	[sflag:s14] =	ssyncset.done $0x0  }
0x21: {  	[sflag:s14] =	ssyncadd.s32 $0xFFFFD800  }
0x22: {  	s30 =	simm.s32 $0x0;
	[bflag:$0x0] =	sbarrier.arrive $0xFFFF  }
0x23: {  	[tilespmem:s18], [sflag:$0x1] =	stream.indirect.gather [hbm4b:s4+s17], $0x80, s30, s17, $0xb8;
	[tilespmem:$0x1C880] =	vst v63  }
0x24: {  	_ =	swait.ge [sflag:s14], $0x3E80  }
0x25: {  	[sflag:s14] =	ssyncset.done $0x0  }
0x26: {  	s31 =	simm.s32 $0x2800;
	[sflag:s14] =	ssyncadd.s32 $0xFFFFC180  }
0x27: {  	[spmem:s2] =	stream.indirect.scatter.add.f32 [tilespmem:s18], [sflag:$0x1], $0x80, s31, s17, $0xb8;
	[tilespmem:$0x1C880] =	vst v63  }
0x28: {  	_ =	swait.ge [sflag:s14], $0x3E80  }
0x29: {  	s21 =	simm.s32 $0x400;
	s20 =	simm.s32 $0x200;
	[sflag:s14] =	ssyncset.done $0x0  }
.LBB2_2:
0x2a: {  	s22 =	sshra.s32 s20, $0x2  }
0x2b: {  	[sflag:s14] =	ssyncadd.s32 $0xFFFFC180;
	s20 =	smov.u32 s21;
	s23 =	sadd.s32 $0x200, s21  }
0x2c: {  	[tilespmem:s18], [sflag:$0x1] =	stream.indirect.gather [hbm4b:s4+s17], $0x80, s22, s17, $0xb8;
	[tilespmem:$0x1C880] =	vst v63  }
0x2d: {  	p1 =	sne.s32 s21, $0x9E00;
	_ =	swait.ge [sflag:s14], $0x3E80  }
.Ltmp0:
0x2e: {  	[sflag:s14] =	ssyncset.done $0x0;
	(pc) =	sbr.rel @p1 .LBB2_2-.Ltmp0, $4  }
0x2f: {  	s21 =	sadd.s32 $0x2800, s22;
	[sflag:s14] =	ssyncadd.s32 $0xFFFFC180  }
0x30: {  	[spmem:s2] =	stream.indirect.scatter.add.f32 [tilespmem:s18], [sflag:$0x1], $0x80, s21, s17, $0xb8;
	[tilespmem:$0x1C880] =	vst v63  }
0x31: {  	_ =	swait.ge [sflag:s14], $0x3E80  }
0x32: {  	s21 =	smov.u32 s23;
	[sflag:s14] =	ssyncset.done $0x0  }
0x33: {  	s20 =	sshra.s32 s20, $0x2;
	[sflag:s14] =	ssyncadd.s32 $0xFFFFC180  }
0x34: {  	[tilespmem:s18], [sflag:$0x1] =	stream.indirect.gather [hbm4b:s4+s17], $0x80, s20, s17, $0xb8;
	[tilespmem:$0x1C880] =	vst v63  }
0x35: {  	_ =	swait.ge [sflag:s14], $0x3E80  }
0x36: {  	[sflag:s14] =	ssyncset.done $0x0  }
0x37: {  	s20 =	sadd.s32 $0x2800, s20;
	[sflag:s14] =	ssyncadd.s32 $0xFFFFC180  }
0x38: {  	[spmem:s2] =	stream.indirect.scatter.add.f32 [tilespmem:s18], [sflag:$0x1], $0x80, s20, s17, $0xb8;
	[tilespmem:$0x1C880] =	vst v63  }
0x39: {  	_ =	swait.ge [sflag:s14], $0x3E80  }
0x3a: {  	[sflag:s14] =	ssyncset.done $0x0  }
0x3b: {  	[sflag:s14] =	ssyncadd.s32 $0xFFFFC180  }
0x3c: {  	[bflag:$0x0] =	sbarrier.arrive $0xFFFF  }
0x3d: {  	[hbm:s10], [sflag:s6] =	dma.local [spmem:s13], $0x2700  }
0x3e: {  	s19 =	sadd.s32 $0x1, s19;
	_ =	swait.ge [sflag:s14], $0x2700  }
0x3f: {  	p1 =	sne.s32 s19, s12;
	[sflag:s14] =	ssyncset.done $0x0  }
.Ltmp1:
0x40: {  	s20 =	simm.s32 @!p0 $0x1;
	[sflag:s14] =	ssyncadd.s32 $0xFFFFD900;
	(pc) =	sbr.rel @p1 .LBB2_1-.Ltmp1, $4  }
0x41: {  	[hbm:s11], [sflag:s6] =	dma.local @!p0 [spmem:s15], $0x100  }
0x42: {  	_ =	swait.ge @!p0 [sflag:s20], $0x100  }
0x43: {  	[sflag:s20] =	ssyncset.done @!p0 $0x0  }
0x44: {  	[sflag:s20] =	ssyncadd.s32 @!p0 $0xFFFFFF00  }
0x45: {  	_ =	sfence.sel $0x180000  }
0x46: {  	[bflag:$0x0] =	sbarrier.arrive $0xFFFF  }
0x47: {  	p0 =	sne.s32 s0, $0x0;
	_ =	strace $0x9000004D  }
0x48: {  	s0 =	sadd.s32 @!p0 $0x100000, s1;
	[bflag:$0x2] =	sbarrier.arrive $0xFFFF  }
0x49: {  	[sflag:s0] =	ssyncadd.tile.s32 @!p0 $0x1;
	_ =	shalt  }
.Lfunc_end2:
_tile_overlayer_lowered:
.L_overlay_start_2:
0x4a: {  	(tag) =	ssettag $0x2  }
0x4b: {  	s0 =	rddreg [dreg:$0x0];
	s2 =	stileid.u32  }
0x4c: {  	s1 =	rddreg [dreg:$0x1];
	p0 =	sne.s32 s2, $0x0  }
0x4d: {  	s3 =	rddreg [dreg:$0x2];
	[bflag:$0x3] =	sbarrier.arrive $0xFFFF;
	s2 =	simm.s32 @!p0 $0x1C01  }
0x4e: {  	[timem:s3], [sflag:s2] =	dma.local @!p0 [hbm:s0], s1  }
0x4f: {  	s0 =	simm.s32 @!p0 $0x1  }
0x50: {  	_ =	swait.ge @!p0 [sflag:s0], s1  }
0x51: {  	s1 =	ssub.s32 @!p0 $0x0, s1;
	[sflag:s0] =	ssyncset.done @!p0 $0x0  }
0x52: {  	[sflag:s0] =	ssyncadd.s32 @!p0 s1  }
0x53: {  	[bflag:$0x3] =	sbarrier.arrive $0xFFFF  }
0x54: {  	_ =	shalt  }

// kernel: kernel.26.cloned.1.call-start
scs
__scs_entry_jumppad:
0x0: {  	(pc) =	sbr.rel $0x88, $3  }
0x1: {  	(tag) =	ssettag $0x0;
	lr =	simm.s32 $0x1  }
0x2: {  	[smem:$0x3F95] =	sst lr;
	_ =	strace $0xD0000000  }
0x3: {  	_ = 	snop  }
0x4: {  	_ = 	snop  }
0x5: {  	_ = 	snop  }
0x6: {  	_ = 	snop  }
0x7: {  	_ = 	snop  }
__scs_overlays_trampoline_lowered:
0x8: {  	[smem:$0x3FA4] =	sst s0  }
0x9: {  	[smem:$0x3FA5] =	sst s1  }
0xa: {  	[smem:$0x3FA6] =	sst s2  }
0xb: {  	[smem:$0x3FA7] =	sst s3  }
0xc: {  	[smem:$0x3FA8] =	sst s4  }
0xd: {  	[smem:$0x3FA9] =	sst s5  }
0xe: {  	[smem:$0x3FAA] =	sst s6  }
0xf: {  	[smem:$0x3FAB] =	sst s7  }
0x10: {  	[smem:$0x3FAC] =	sst s8  }
0x11: {  	[smem:$0x3FAD] =	sst s9;
	s0 =	simm.s32 @!p0 $0x0  }
0x12: {  	s1 =	sld [smem:$0x3F93];
	s0 =	simm.s32 @p0 $0x1  }
0x13: {  	[smem:$0x3FAE] =	sst s0;
	s0 =	simm.s32 @!p1 $0x0  }
0x14: {  	s2 =	sld [smem:$0x3F92];
	s0 =	simm.s32 @p1 $0x1  }
0x15: {  	[smem:$0x3FAF] =	sst s0;
	s0 =	simm.s32 @!p2 $0x0  }
0x16: {  	s3 =	sld [smem:$0x3FDB];
	s0 =	simm.s32 @p2 $0x1  }
0x17: {  	s4 =	simm.s32 $0x1BF5;
	[smem:$0x3FB1] =	sst s0  }
0x18: {  	s0 =	sld [smem:$0x3F94];
	_ =	swait.ge [sflag:s4], $0x0  }
0x19: {  	s7 =	sld [smem:$0x3F95]  }
0x1a: {  	s8 =	sadd.s32 $0xFFFFE003, lr  }
0x1b: {  	s9 =	sadd.s32 $0xFFFFFEF7, lr;
	s5 =	simm.s32 $0xFFFFFFFF;
	p2 =	slt.u32 s8, $0xFFFFF086  }
0x1c: {  	p1 =	slt.u32 s9, $0xF7A;
	s5 =	simm.s32 @!p2 $0x0  }
0x1d: {  	s5 =	simm.s32 @p1 $0x1;
	p0 =	seq.s32 s7, s2  }
0x1e: {  	s7 =	smul.u32 @!p0 $0xF7A, s2;
	p2 =	seq.s32 @!p0 s5, $0x0  }
0x1f: {  	s9 =	smul.u32 $0xF7A, s1;
	s8 =	simm.s32 @!p0 $0x1BF5;
	p2 =	por !p2, p0  }
0x20: {  	[sflag:s8] =	ssyncset.s32 @!p0 $0xFFFFF086;
	s6 =	sadd.s32 @!p0 s3, s7;
	s7 =	simm.s32 @!p0 $0x108  }
0x21: {  	s3 =	sadd.s32 s3, s9;
	s6 =	sadd.s32 @!p0 $0x88, s6;
	s7 =	simm.s32 @p2 $0x1082  }
0x22: {  	[simem:s7], [sflag:s8] =	dma.local @!p0 [hbm:s6], $0xF7A  }
0x23: {  	s9 =	sor.u32 $0xD0000000, s2;
	s6 =	simm.s32 $0x108;
	_ =	swait.ge @!p0 [sflag:s8], $0x0  }
0x24: {  	s3 =	sadd.s32 $0x88, s3;
	s6 =	simm.s32 @!p1 $0x1082;
	[sflag:s4] =	ssyncset.s32 $0xFFFFF086  }
0x25: {  	[simem:s6], [sflag:s4] =	dma.local [hbm:s3], $0xF7A  }
0x26: {  	[smem:$0x3F95] =	sst s1;
	(tag) =	ssettag s2;
	_ =	strace s9  }
0x27: {  	s1 =	sld [smem:$0x3FA5]  }
0x28: {  	s2 =	sld [smem:$0x3FA6]  }
0x29: {  	s4 =	sld [smem:$0x3FA8]  }
0x2a: {  	p0 =	seq.s32 s5, $0x0;
	s5 =	sld [smem:$0x3FA9]  }
0x2b: {  	s6 =	sld [smem:$0x3FAA]  }
0x2c: {  	s7 =	sld [smem:$0x3FAB]  }
0x2d: {  	s3 =	simm.s32 $0x108;
	s8 =	sld [smem:$0x3FAC]  }
0x2e: {  	s3 =	simm.s32 @!p0 $0x1082;
	s9 =	sld [smem:$0x3FAD]  }
0x2f: {  	lr =	sadd.s32 s0, s3;
	s0 =	sld [smem:$0x3FA4]  }
0x30: {  	s3 =	sld [smem:$0x3FA7]  }
0x31: {  	[smem:$0x3FB0] =	sst s10  }
0x32: {  	s10 =	sld [smem:$0x3FAE];
	_ =	sdelay $0x3  }
0x33: {  	p0 =	seq.s32 s10, $0x1;
	s10 =	sld [smem:$0x3FB0];
	_ =	sdelay $0x3  }
0x34: {  	[smem:$0x3FB0] =	sst s10  }
0x35: {  	s10 =	sld [smem:$0x3FAF];
	_ =	sdelay $0x3  }
0x36: {  	p1 =	seq.s32 s10, $0x1;
	s10 =	sld [smem:$0x3FB0];
	_ =	sdelay $0x3  }
0x37: {  	[smem:$0x3FB0] =	sst s10  }
0x38: {  	s10 =	sld [smem:$0x3FB1]  }
0x39: {  	_ = 	snop;
	(pc) =	sbr.ind lr, $3  }
0x3a: {  	_ = 	snop  }
0x3b: {  	_ = 	snop  }
0x3c: {  	p2 =	seq.s32 s10, $0x1;
	s10 =	sld [smem:$0x3FB0]  }
0x3d: {  	_ =	shalt  }
0x3e: {  	_ =	shalt  }
0x3f: {  	_ =	shalt  }
0x40: {  	_ =	shalt  }
0x41: {  	_ =	shalt  }
0x42: {  	_ =	shalt  }
0x43: {  	_ =	shalt  }
0x44: {  	_ =	shalt  }
0x45: {  	_ =	shalt  }
0x46: {  	_ =	shalt  }
0x47: {  	_ =	shalt  }
0x48: {  	_ =	shalt  }
0x49: {  	_ =	shalt  }
0x4a: {  	_ =	shalt  }
0x4b: {  	_ =	shalt  }
0x4c: {  	_ =	shalt  }
0x4d: {  	_ =	shalt  }
0x4e: {  	_ =	shalt  }
0x4f: {  	_ =	shalt  }
0x50: {  	_ =	shalt  }
0x51: {  	_ =	shalt  }
0x52: {  	_ =	shalt  }
0x53: {  	_ =	shalt  }
0x54: {  	_ =	shalt  }
0x55: {  	_ =	shalt  }
0x56: {  	_ =	shalt  }
0x57: {  	_ =	shalt  }
0x58: {  	_ =	shalt  }
0x59: {  	_ =	shalt  }
0x5a: {  	_ =	shalt  }
0x5b: {  	_ =	shalt  }
0x5c: {  	_ =	shalt  }
0x5d: {  	_ =	shalt  }
0x5e: {  	_ =	shalt  }
0x5f: {  	_ =	shalt  }
0x60: {  	_ =	shalt  }
0x61: {  	_ =	shalt  }
0x62: {  	_ =	shalt  }
0x63: {  	_ =	shalt  }
0x64: {  	_ =	shalt  }
0x65: {  	_ =	shalt  }
0x66: {  	_ =	shalt  }
0x67: {  	_ =	shalt  }
0x68: {  	_ =	shalt  }
0x69: {  	_ =	shalt  }
0x6a: {  	_ =	shalt  }
0x6b: {  	_ =	shalt  }
0x6c: {  	_ =	shalt  }
0x6d: {  	_ =	shalt  }
0x6e: {  	_ =	shalt  }
0x6f: {  	_ =	shalt  }
0x70: {  	_ =	shalt  }
0x71: {  	_ =	shalt  }
0x72: {  	_ =	shalt  }
0x73: {  	_ =	shalt  }
0x74: {  	_ =	shalt  }
0x75: {  	_ =	shalt  }
0x76: {  	_ =	shalt  }
0x77: {  	_ =	shalt  }
0x78: {  	_ =	shalt  }
0x79: {  	_ =	shalt  }
0x7a: {  	_ =	shalt  }
0x7b: {  	_ =	shalt  }
0x7c: {  	_ =	shalt  }
0x7d: {  	_ =	shalt  }
0x7e: {  	_ =	shalt  }
0x7f: {  	_ =	shalt  }
0x80: {  	_ =	shalt  }
0x81: {  	_ =	shalt  }
0x82: {  	_ =	shalt  }
0x83: {  	_ =	shalt  }
0x84: {  	_ =	shalt  }
0x85: {  	_ =	shalt  }
0x86: {  	_ =	shalt  }
0x87: {  	_ =	shalt  }
.Lfunc_end0:
.L_simem_size_0:
called_computation.3_lowered:
.L_overlay_start_0:
0x88: {  	s2 =	sld [smem:$0x3FD9]  }
0x89: {  	s3 =	sld [smem:$0x3FFE];
	_ =	sdelay $0x1  }
0x8a: {  	s1 =	srdreg.scid  }
0x8b: {  	s0 =	sand.u32 $0x1, s1  }
0x8c: {  	s16 =	sshll.u32 s0, $0xA;
	s2 =	sadd.s32 s3, s2  }
0x8d: {  	s2 =	sadd.s32 s2, s16  }
0x8e: {  	[smem:$0x3FBC] =	sst s2  }
0x8f: {  	_ = 	snop  }
0x90: {  	(tm) =	ssettm $0x1  }
0x91: {  	s17 =	sld [smem:$0x3FFB];
	_ =	sdelay $0x3  }
0x92: {  	_ =	strace s17  }
0x93: {  	s2 =	sld [smem:$0x3FFC];
	_ =	sdelay $0x3  }
0x94: {  	_ =	strace s2  }
0x95: {  	s2 =	sld [smem:$0x3FFD];
	_ =	sdelay $0x3  }
0x96: {  	_ =	strace s2  }
0x97: {  	_ =	strace $0x8FFFFFFF  }
0x98: {  	s18 =	sld [smem:$0x3FDB];
	_ =	sdelay $0x1  }
0x99: {  	s19 =	simm.s32 $_scs_section_size  }
0x9a: {  	s4 =	simm.s32 $_size__tile_overlayer_lowered;
	s5 =	simm.s32 $_tile_overlayer_lowered  }
0x9b: {  	s22 =	simm.s32 $0x1BFF;
	s21 =	sshll.u32 s5, $0x1;
	s2 =	sadd.s32 s19, s18  }
0x9c: {  	s6 =	simm.s32 $0x0;
	s20 =	sshll.u32 s4, $0x1;
	s4 =	sadd.s32 s21, s2  }
0x9d: {  	[timem:s6], [sflag:s22] =	dma.local [hbm:s4], s20  }
0x9e: {  	_ =	swait.ge [sflag:s22], s20  }
0x9f: {  	s3 =	ssub.s32 $0x0, s20;
	[sflag:s22] =	ssyncset.done $0x0  }
0xa0: {  	[sflag:s22] =	ssyncadd.s32 s3;
	_ =	sdelay $0x1  }
0xa1: {  	s23 =	simm.s32 $0x1B8B  }
0xa2: {  	_ =	swait.ge [sflag:s23], $0x1  }
0xa3: {  	[sflag:s23] =	ssyncset.done $0x0  }
0xa4: {  	s25 =	simm.s32 $0x1B8E;
	s24 =	sld [smem:$0x3FFE];
	[sflag:s23] =	ssyncadd.s32 $0xFFFFFFFF  }
0xa5: {  	s26 =	simm.s32 $execute0_lowered;
	[smem:$0x3FD2] =	sst s25  }
0xa6: {  	s4 =	sshll.u32 s26, $0x1;
	_ =	strace $0x8000004F;
	[dreg:$0x1] =	wrdreg $0xFFFFFFFF  }
0xa7: {  	s28 =	simm.s32 $_size_execute0_lowered;
	s2 =	sadd.s32 s2, s4;
	[dreg:$0x0] =	wrdreg $0x0  }
0xa8: {  	s4 =	sshll.u32 s28, $0x1;
	[dreg:$0x2] =	wrdreg s2  }
0xa9: {  	[dreg:$0x3] =	wrdreg s4  }
0xaa: {  	[dreg:$0x4] =	wrdreg $0xC0  }
0xab: {  	_ =	task [dreg:s6], $0x5FFFF  }
0xac: {  	[dreg:$0x1] =	wrdreg $0xFFFFFFFF  }
0xad: {  	[dreg:$0x0] =	wrdreg $0x60  }
0xae: {  	[dreg:$0x2] =	wrdreg s24  }
0xaf: {  	[dreg:$0x3] =	wrdreg $0x90000  }
0xb0: {  	[dreg:$0x4] =	wrdreg $0x9  }
0xb1: {  	_ =	task.clear_ibuf [dreg:s6], $0x5FFFF;
	_ =	strace $0x9000004F  }
0xb2: {  	s29 =	simm.s32 $0x9;
	_ =	strace $0x80000051  }
0xb3: {  	_ =	swait.ge [sflag:s29], $0x1  }
0xb4: {  	[sflag:s29] =	ssyncadd.s32 $0xFFFFFFFF  }
0xb5: {  	_ =	strace $0x90000051  }
0xb6: {  	_ =	sfence  }
0xb7: {  	s30 =	sld [smem:$0x0];
	_ =	sdelay $0x2  }
0xb8: {  	s31 =	sshll.u32 s1, $0xD;
	s1 =	sshrl.u32 s1, $0x2  }
0xb9: {  	s3 =	sand.u32 $0x4000, s31;
	s1 =	sadd.s32 s1, s30  }
0xba: {  	s0 =	sor.u32 s3, s0;
	s1 =	sshll.u32 s1, $0x11  }
0xbb: {  	s0 =	sor.u32 s1, s0  }
0xbc: {  	s0 =	sadd.s32 $0x8F2B, s0  }
0xbd: {  	[sflag:s0] =	ssyncadd.remote.s32 $0x1  }
0xbe: {  	_ =	sfence.sel $0xFFFF  }
0xbf: {  	[dreg:$0x0] =	wrdreg $0xFFFFFFFF;
	(pc) =	sbr.abs _section_cstart, $3  }
0xc0: {  	[dreg:$0x1] =	wrdreg $0xFFFFFFFF  }
0xc1: {  	_ =	task.clear_ibuf [dreg:s6], $0x2FFFF;
	_ =	strace $0x9FFFFFFF  }
0xc2: {  	(tm) =	ssettm $0x7FFFFFFF  }
0xc3: {  	_ =	shalt  }
tec
execute0_lowered:
.L_overlay_start_1:
0x0: {  	(tag) =	ssettag $0x1  }
0x1: {  	s1 =	srdreg.scid;
	s7 =	rddreg [dreg:$0x0]  }
0x2: {  	s0 =	stileid.u32;
	s2 =	rddreg [dreg:$0x1];
	s3 =	simm.s32 $0x0  }
0x3: {  	s17 =	simm.s32 $0x7D;
	s18 =	simm.s32 $0x5000;
	s4 =	smul.u32 $0x2800, s0  }
0x4: {  	s5 =	sand.u32 $0x1, s1;
	s1 =	rddreg [dreg:$0x2];
	s8 =	smul.u32 $0x13800, s0  }
0x5: {  	s19 =	simm.s32 $0x0;
	[smem:$0x7FF] =	sst s3;
	s12 =	smul.u32 $0x4E000, s0  }
0x6: {  	s14 =	sadd.s32 $0xDB400, s7;
	s29 =	sshll.u32 s0, $0x6;
	s16 =	sadd.s32 $0x138000, s2  }
0x7: {  	p0 =	sne.s32 s0, $0xF;
	s6 =	smul.u32 $0x28000, s5;
	_ =	strace $0x80000050  }
0x8: {  	s11 =	ssub.s32 $0x2, s5;
	s30 =	smul.u32 $0x138800, s5;
	s26 =	sshrl.u32 s8, $0x3  }
0x9: {  	s13 =	sshrl.u32 s11, $0x1;
	s28 =	sshrl.u32 s12, $0x2;
	s6 =	sadd.s32 s4, s6  }
0xa: {  	s4 =	sshrl.u32 s4, $0x3;
	s13 =	ssub.s32 s11, s13;
	s15 =	sadd.s32 s28, s2  }
0xb: {  	s31 =	sadd.s32 s8, s30;
	s12 =	sshrl.u32 s30, $0x3;
	s6 =	sshrl.u32 s6, $0x3  }
0xc: {  	s10 =	sadd.s32 s4, s7;
	s4 =	sadd.s32 $0x2F800, s7;
	s11 =	sshrl.u32 s31, $0x3  }
0xd: {  	s12 =	sadd.s32 s14, s12;
	s9 =	sadd.s32 s6, s7;
	s6 =	sadd.s32 s26, s7  }
0xe: {  	s7 =	sadd.s32 $0x2F600, s7;
	s5 =	sadd.s32 $0x8600, s6;
	s6 =	sor.u32 $0x1C01, s29  }
0xf: {  	s8 =	sadd.s32 $0x83200, s9;
	s9 =	sadd.s32 $0x7E200, s10;
	s10 =	sadd.s32 s14, s11  }
0x10: {  	s11 =	sadd.s32 $0x27000, s12;
	s12 =	smax.u32 s13, $0x1;
	s13 =	sshrl.u32 s15, $0x3  }
0x11: {  	s14 =	simm.s32 $0x1;
	s15 =	sshrl.u32 @!p0 s16, $0x3;
	s16 =	simm.s32 $0x2800  }
.LBB2_1:
0x12: {  	[spmem:s13], [sflag:s6] =	dma.local [hbm:s5], $0x2700  }
0x13: {  	_ =	swait.ge [sflag:s14], $0x2700  }
0x14: {  	[sflag:s14] =	ssyncset.done $0x0  }
0x15: {  	s20 =	simm.s32 @!p0 $0x1;
	[sflag:s14] =	ssyncadd.s32 $0xFFFFD900  }
0x16: {  	[spmem:s15], [sflag:s6] =	dma.local @!p0 [hbm:s7], $0x100  }
0x17: {  	_ =	swait.ge @!p0 [sflag:s20], $0x100  }
0x18: {  	[sflag:s20] =	ssyncset.done @!p0 $0x0  }
0x19: {  	[sflag:s20] =	ssyncadd.s32 @!p0 $0xFFFFFF00  }
0x1a: {  	[tilespmem:s3], [sflag:$0x1] =	stream.linear.gather [hbm4b:s8+s3], $0x2800, $0x38;
	[tilespmem:$0x1C880] =	vst v63  }
0x1b: {  	_ =	swait.ge [sflag:s14], $0x2800  }
0x1c: {  	[sflag:s14] =	ssyncset.done $0x0  }
0x1d: {  	[sflag:s14] =	ssyncadd.s32 $0xFFFFD800  }
0x1e: {  	[tilespmem:s16], [sflag:$0x1] =	stream.linear.gather [hbm4b:s9+s3], $0x2800, $0x38;
	[tilespmem:$0x1C880] =	vst v63  }
0x1f: {  	_ =	swait.ge [sflag:s14], $0x2800  }
0x20: {  	[sflag:s14] =	ssyncset.done $0x0  }
0x21: {  	[sflag:s14] =	ssyncadd.s32 $0xFFFFD800  }
0x22: {  	s30 =	simm.s32 $0x0;
	[bflag:$0x0] =	sbarrier.arrive $0xFFFF  }
0x23: {  	[tilespmem:s18], [sflag:$0x1] =	stream.indirect.gather [hbm4b:s4+s17], $0x80, s30, s17, $0xb8;
	[tilespmem:$0x1C880] =	vst v63  }
0x24: {  	_ =	swait.ge [sflag:s14], $0x3E80  }
0x25: {  	[sflag:s14] =	ssyncset.done $0x0  }
0x26: {  	s31 =	simm.s32 $0x2800;
	[sflag:s14] =	ssyncadd.s32 $0xFFFFC180  }
0x27: {  	[spmem:s2] =	stream.indirect.scatter.add.f32 [tilespmem:s18], [sflag:$0x1], $0x80, s31, s17, $0xb8;
	[tilespmem:$0x1C880] =	vst v63  }
0x28: {  	_ =	swait.ge [sflag:s14], $0x3E80  }
0x29: {  	s21 =	simm.s32 $0x400;
	s20 =	simm.s32 $0x200;
	[sflag:s14] =	ssyncset.done $0x0  }
.LBB2_2:
0x2a: {  	s22 =	sshra.s32 s20, $0x2  }
0x2b: {  	[sflag:s14] =	ssyncadd.s32 $0xFFFFC180;
	s20 =	smov.u32 s21;
	s23 =	sadd.s32 $0x200, s21  }
0x2c: {  	[tilespmem:s18], [sflag:$0x1] =	stream.indirect.gather [hbm4b:s4+s17], $0x80, s22, s17, $0xb8;
	[tilespmem:$0x1C880] =	vst v63  }
0x2d: {  	p1 =	sne.s32 s21, $0x9E00;
	_ =	swait.ge [sflag:s14], $0x3E80  }
.Ltmp0:
0x2e: {  	[sflag:s14] =	ssyncset.done $0x0;
	(pc) =	sbr.rel @p1 .LBB2_2-.Ltmp0, $4  }
0x2f: {  	s21 =	sadd.s32 $0x2800, s22;
	[sflag:s14] =	ssyncadd.s32 $0xFFFFC180  }
0x30: {  	[spmem:s2] =	stream.indirect.scatter.add.f32 [tilespmem:s18], [sflag:$0x1], $0x80, s21, s17, $0xb8;
	[tilespmem:$0x1C880] =	vst v63  }
0x31: {  	_ =	swait.ge [sflag:s14], $0x3E80  }
0x32: {  	s21 =	smov.u32 s23;
	[sflag:s14] =	ssyncset.done $0x0  }
0x33: {  	s20 =	sshra.s32 s20, $0x2;
	[sflag:s14] =	ssyncadd.s32 $0xFFFFC180  }
0x34: {  	[tilespmem:s18], [sflag:$0x1] =	stream.indirect.gather [hbm4b:s4+s17], $0x80, s20, s17, $0xb8;
	[tilespmem:$0x1C880] =	vst v63  }
0x35: {  	_ =	swait.ge [sflag:s14], $0x3E80  }
0x36: {  	[sflag:s14] =	ssyncset.done $0x0  }
0x37: {  	s20 =	sadd.s32 $0x2800, s20;
	[sflag:s14] =	ssyncadd.s32 $0xFFFFC180  }
0x38: {  	[spmem:s2] =	stream.indirect.scatter.add.f32 [tilespmem:s18], [sflag:$0x1], $0x80, s20, s17, $0xb8;
	[tilespmem:$0x1C880] =	vst v63  }
0x39: {  	_ =	swait.ge [sflag:s14], $0x3E80  }
0x3a: {  	[sflag:s14] =	ssyncset.done $0x0  }
0x3b: {  	[sflag:s14] =	ssyncadd.s32 $0xFFFFC180  }
0x3c: {  	[bflag:$0x0] =	sbarrier.arrive $0xFFFF  }
0x3d: {  	[hbm:s10], [sflag:s6] =	dma.local [spmem:s13], $0x2700  }
0x3e: {  	s19 =	sadd.s32 $0x1, s19;
	_ =	swait.ge [sflag:s14], $0x2700  }
0x3f: {  	p1 =	sne.s32 s19, s12;
	[sflag:s14] =	ssyncset.done $0x0  }
.Ltmp1:
0x40: {  	s20 =	simm.s32 @!p0 $0x1;
	[sflag:s14] =	ssyncadd.s32 $0xFFFFD900;
	(pc) =	sbr.rel @p1 .LBB2_1-.Ltmp1, $4  }
0x41: {  	[hbm:s11], [sflag:s6] =	dma.local @!p0 [spmem:s15], $0x100  }
0x42: {  	_ =	swait.ge @!p0 [sflag:s20], $0x100  }
0x43: {  	[sflag:s20] =	ssyncset.done @!p0 $0x0  }
0x44: {  	[sflag:s20] =	ssyncadd.s32 @!p0 $0xFFFFFF00  }
0x45: {  	_ =	sfence.sel $0x180000  }
0x46: {  	[bflag:$0x0] =	sbarrier.arrive $0xFFFF  }
0x47: {  	p0 =	sne.s32 s0, $0x0;
	_ =	strace $0x90000050  }
0x48: {  	s0 =	sadd.s32 @!p0 $0x100000, s1;
	[bflag:$0x2] =	sbarrier.arrive $0xFFFF  }
0x49: {  	[sflag:s0] =	ssyncadd.tile.s32 @!p0 $0x1;
	_ =	shalt  }
.Lfunc_end2:
_tile_overlayer_lowered:
.L_overlay_start_2:
0x4a: {  	(tag) =	ssettag $0x2  }
0x4b: {  	s0 =	rddreg [dreg:$0x0];
	s2 =	stileid.u32  }
0x4c: {  	s1 =	rddreg [dreg:$0x1];
	p0 =	sne.s32 s2, $0x0  }
0x4d: {  	s3 =	rddreg [dreg:$0x2];
	[bflag:$0x3] =	sbarrier.arrive $0xFFFF;
	s2 =	simm.s32 @!p0 $0x1C01  }
0x4e: {  	[timem:s3], [sflag:s2] =	dma.local @!p0 [hbm:s0], s1  }
0x4f: {  	s0 =	simm.s32 @!p0 $0x1  }
0x50: {  	_ =	swait.ge @!p0 [sflag:s0], s1  }
0x51: {  	s1 =	ssub.s32 @!p0 $0x0, s1;
	[sflag:s0] =	ssyncset.done @!p0 $0x0  }
0x52: {  	[sflag:s0] =	ssyncadd.s32 @!p0 s1  }
0x53: {  	[bflag:$0x3] =	sbarrier.arrive $0xFFFF  }
0x54: {  	_ =	shalt  }

// kernel: kernel.29.cloned.1.call-start
scs
__scs_entry_jumppad:
0x0: {  	(pc) =	sbr.rel $0x88, $3  }
0x1: {  	(tag) =	ssettag $0x0;
	lr =	simm.s32 $0x1  }
0x2: {  	[smem:$0x3F95] =	sst lr;
	_ =	strace $0xD0000000  }
0x3: {  	_ = 	snop  }
0x4: {  	_ = 	snop  }
0x5: {  	_ = 	snop  }
0x6: {  	_ = 	snop  }
0x7: {  	_ = 	snop  }
__scs_overlays_trampoline_lowered:
0x8: {  	[smem:$0x3FA4] =	sst s0  }
0x9: {  	[smem:$0x3FA5] =	sst s1  }
0xa: {  	[smem:$0x3FA6] =	sst s2  }
0xb: {  	[smem:$0x3FA7] =	sst s3  }
0xc: {  	[smem:$0x3FA8] =	sst s4  }
0xd: {  	[smem:$0x3FA9] =	sst s5  }
0xe: {  	[smem:$0x3FAA] =	sst s6  }
0xf: {  	[smem:$0x3FAB] =	sst s7  }
0x10: {  	[smem:$0x3FAC] =	sst s8  }
0x11: {  	[smem:$0x3FAD] =	sst s9;
	s0 =	simm.s32 @!p0 $0x0  }
0x12: {  	s1 =	sld [smem:$0x3F93];
	s0 =	simm.s32 @p0 $0x1  }
0x13: {  	[smem:$0x3FAE] =	sst s0;
	s0 =	simm.s32 @!p1 $0x0  }
0x14: {  	s2 =	sld [smem:$0x3F92];
	s0 =	simm.s32 @p1 $0x1  }
0x15: {  	[smem:$0x3FAF] =	sst s0;
	s0 =	simm.s32 @!p2 $0x0  }
0x16: {  	s3 =	sld [smem:$0x3FDB];
	s0 =	simm.s32 @p2 $0x1  }
0x17: {  	s4 =	simm.s32 $0x1BF5;
	[smem:$0x3FB1] =	sst s0  }
0x18: {  	s0 =	sld [smem:$0x3F94];
	_ =	swait.ge [sflag:s4], $0x0  }
0x19: {  	s7 =	sld [smem:$0x3F95]  }
0x1a: {  	s8 =	sadd.s32 $0xFFFFE003, lr  }
0x1b: {  	s9 =	sadd.s32 $0xFFFFFEF7, lr;
	s5 =	simm.s32 $0xFFFFFFFF;
	p2 =	slt.u32 s8, $0xFFFFF086  }
0x1c: {  	p1 =	slt.u32 s9, $0xF7A;
	s5 =	simm.s32 @!p2 $0x0  }
0x1d: {  	s5 =	simm.s32 @p1 $0x1;
	p0 =	seq.s32 s7, s2  }
0x1e: {  	s7 =	smul.u32 @!p0 $0xF7A, s2;
	p2 =	seq.s32 @!p0 s5, $0x0  }
0x1f: {  	s9 =	smul.u32 $0xF7A, s1;
	s8 =	simm.s32 @!p0 $0x1BF5;
	p2 =	por !p2, p0  }
0x20: {  	[sflag:s8] =	ssyncset.s32 @!p0 $0xFFFFF086;
	s6 =	sadd.s32 @!p0 s3, s7;
	s7 =	simm.s32 @!p0 $0x108  }
0x21: {  	s3 =	sadd.s32 s3, s9;
	s6 =	sadd.s32 @!p0 $0x88, s6;
	s7 =	simm.s32 @p2 $0x1082  }
0x22: {  	[simem:s7], [sflag:s8] =	dma.local @!p0 [hbm:s6], $0xF7A  }
0x23: {  	s9 =	sor.u32 $0xD0000000, s2;
	s6 =	simm.s32 $0x108;
	_ =	swait.ge @!p0 [sflag:s8], $0x0  }
0x24: {  	s3 =	sadd.s32 $0x88, s3;
	s6 =	simm.s32 @!p1 $0x1082;
	[sflag:s4] =	ssyncset.s32 $0xFFFFF086  }
0x25: {  	[simem:s6], [sflag:s4] =	dma.local [hbm:s3], $0xF7A  }
0x26: {  	[smem:$0x3F95] =	sst s1;
	(tag) =	ssettag s2;
	_ =	strace s9  }
0x27: {  	s1 =	sld [smem:$0x3FA5]  }
0x28: {  	s2 =	sld [smem:$0x3FA6]  }
0x29: {  	s4 =	sld [smem:$0x3FA8]  }
0x2a: {  	p0 =	seq.s32 s5, $0x0;
	s5 =	sld [smem:$0x3FA9]  }
0x2b: {  	s6 =	sld [smem:$0x3FAA]  }
0x2c: {  	s7 =	sld [smem:$0x3FAB]  }
0x2d: {  	s3 =	simm.s32 $0x108;
	s8 =	sld [smem:$0x3FAC]  }
0x2e: {  	s3 =	simm.s32 @!p0 $0x1082;
	s9 =	sld [smem:$0x3FAD]  }
0x2f: {  	lr =	sadd.s32 s0, s3;
	s0 =	sld [smem:$0x3FA4]  }
0x30: {  	s3 =	sld [smem:$0x3FA7]  }
0x31: {  	[smem:$0x3FB0] =	sst s10  }
0x32: {  	s10 =	sld [smem:$0x3FAE];
	_ =	sdelay $0x3  }
0x33: {  	p0 =	seq.s32 s10, $0x1;
	s10 =	sld [smem:$0x3FB0];
	_ =	sdelay $0x3  }
0x34: {  	[smem:$0x3FB0] =	sst s10  }
0x35: {  	s10 =	sld [smem:$0x3FAF];
	_ =	sdelay $0x3  }
0x36: {  	p1 =	seq.s32 s10, $0x1;
	s10 =	sld [smem:$0x3FB0];
	_ =	sdelay $0x3  }
0x37: {  	[smem:$0x3FB0] =	sst s10  }
0x38: {  	s10 =	sld [smem:$0x3FB1]  }
0x39: {  	_ = 	snop;
	(pc) =	sbr.ind lr, $3  }
0x3a: {  	_ = 	snop  }
0x3b: {  	_ = 	snop  }
0x3c: {  	p2 =	seq.s32 s10, $0x1;
	s10 =	sld [smem:$0x3FB0]  }
0x3d: {  	_ =	shalt  }
0x3e: {  	_ =	shalt  }
0x3f: {  	_ =	shalt  }
0x40: {  	_ =	shalt  }
0x41: {  	_ =	shalt  }
0x42: {  	_ =	shalt  }
0x43: {  	_ =	shalt  }
0x44: {  	_ =	shalt  }
0x45: {  	_ =	shalt  }
0x46: {  	_ =	shalt  }
0x47: {  	_ =	shalt  }
0x48: {  	_ =	shalt  }
0x49: {  	_ =	shalt  }
0x4a: {  	_ =	shalt  }
0x4b: {  	_ =	shalt  }
0x4c: {  	_ =	shalt  }
0x4d: {  	_ =	shalt  }
0x4e: {  	_ =	shalt  }
0x4f: {  	_ =	shalt  }
0x50: {  	_ =	shalt  }
0x51: {  	_ =	shalt  }
0x52: {  	_ =	shalt  }
0x53: {  	_ =	shalt  }
0x54: {  	_ =	shalt  }
0x55: {  	_ =	shalt  }
0x56: {  	_ =	shalt  }
0x57: {  	_ =	shalt  }
0x58: {  	_ =	shalt  }
0x59: {  	_ =	shalt  }
0x5a: {  	_ =	shalt  }
0x5b: {  	_ =	shalt  }
0x5c: {  	_ =	shalt  }
0x5d: {  	_ =	shalt  }
0x5e: {  	_ =	shalt  }
0x5f: {  	_ =	shalt  }
0x60: {  	_ =	shalt  }
0x61: {  	_ =	shalt  }
0x62: {  	_ =	shalt  }
0x63: {  	_ =	shalt  }
0x64: {  	_ =	shalt  }
0x65: {  	_ =	shalt  }
0x66: {  	_ =	shalt  }
0x67: {  	_ =	shalt  }
0x68: {  	_ =	shalt  }
0x69: {  	_ =	shalt  }
0x6a: {  	_ =	shalt  }
0x6b: {  	_ =	shalt  }
0x6c: {  	_ =	shalt  }
0x6d: {  	_ =	shalt  }
0x6e: {  	_ =	shalt  }
0x6f: {  	_ =	shalt  }
0x70: {  	_ =	shalt  }
0x71: {  	_ =	shalt  }
0x72: {  	_ =	shalt  }
0x73: {  	_ =	shalt  }
0x74: {  	_ =	shalt  }
0x75: {  	_ =	shalt  }
0x76: {  	_ =	shalt  }
0x77: {  	_ =	shalt  }
0x78: {  	_ =	shalt  }
0x79: {  	_ =	shalt  }
0x7a: {  	_ =	shalt  }
0x7b: {  	_ =	shalt  }
0x7c: {  	_ =	shalt  }
0x7d: {  	_ =	shalt  }
0x7e: {  	_ =	shalt  }
0x7f: {  	_ =	shalt  }
0x80: {  	_ =	shalt  }
0x81: {  	_ =	shalt  }
0x82: {  	_ =	shalt  }
0x83: {  	_ =	shalt  }
0x84: {  	_ =	shalt  }
0x85: {  	_ =	shalt  }
0x86: {  	_ =	shalt  }
0x87: {  	_ =	shalt  }
.Lfunc_end0:
.L_simem_size_0:
called_computation.4_lowered:
.L_overlay_start_0:
0x88: {  	s2 =	sld [smem:$0x3FD9]  }
0x89: {  	s3 =	sld [smem:$0x3FFE];
	_ =	sdelay $0x1  }
0x8a: {  	s1 =	srdreg.scid  }
0x8b: {  	s0 =	sand.u32 $0x1, s1  }
0x8c: {  	s16 =	sshll.u32 s0, $0xA;
	s2 =	sadd.s32 s3, s2  }
0x8d: {  	s2 =	sadd.s32 s2, s16  }
0x8e: {  	[smem:$0x3FBC] =	sst s2  }
0x8f: {  	_ = 	snop  }
0x90: {  	(tm) =	ssettm $0x1  }
0x91: {  	s17 =	sld [smem:$0x3FFB];
	_ =	sdelay $0x3  }
0x92: {  	_ =	strace s17  }
0x93: {  	s2 =	sld [smem:$0x3FFC];
	_ =	sdelay $0x3  }
0x94: {  	_ =	strace s2  }
0x95: {  	s2 =	sld [smem:$0x3FFD];
	_ =	sdelay $0x3  }
0x96: {  	_ =	strace s2  }
0x97: {  	_ =	strace $0x8FFFFFFF  }
0x98: {  	s18 =	sld [smem:$0x3FDB];
	_ =	sdelay $0x1  }
0x99: {  	s19 =	simm.s32 $_scs_section_size  }
0x9a: {  	s4 =	simm.s32 $_size__tile_overlayer_lowered;
	s5 =	simm.s32 $_tile_overlayer_lowered  }
0x9b: {  	s22 =	simm.s32 $0x1BFF;
	s21 =	sshll.u32 s5, $0x1;
	s2 =	sadd.s32 s19, s18  }
0x9c: {  	s6 =	simm.s32 $0x0;
	s20 =	sshll.u32 s4, $0x1;
	s4 =	sadd.s32 s21, s2  }
0x9d: {  	[timem:s6], [sflag:s22] =	dma.local [hbm:s4], s20  }
0x9e: {  	_ =	swait.ge [sflag:s22], s20  }
0x9f: {  	s3 =	ssub.s32 $0x0, s20;
	[sflag:s22] =	ssyncset.done $0x0  }
0xa0: {  	[sflag:s22] =	ssyncadd.s32 s3;
	_ =	sdelay $0x1  }
0xa1: {  	s23 =	simm.s32 $0x1B8B  }
0xa2: {  	_ =	swait.ge [sflag:s23], $0x1  }
0xa3: {  	[sflag:s23] =	ssyncset.done $0x0  }
0xa4: {  	s25 =	simm.s32 $0x1B8E;
	s24 =	sld [smem:$0x3FFE];
	[sflag:s23] =	ssyncadd.s32 $0xFFFFFFFF  }
0xa5: {  	s26 =	simm.s32 $execute0_lowered;
	[smem:$0x3FD2] =	sst s25  }
0xa6: {  	s4 =	sshll.u32 s26, $0x1;
	_ =	strace $0x80000052;
	[dreg:$0x1] =	wrdreg $0xFFFFFFFF  }
0xa7: {  	s28 =	simm.s32 $_size_execute0_lowered;
	s2 =	sadd.s32 s2, s4;
	[dreg:$0x0] =	wrdreg $0x0  }
0xa8: {  	s4 =	sshll.u32 s28, $0x1;
	[dreg:$0x2] =	wrdreg s2  }
0xa9: {  	[dreg:$0x3] =	wrdreg s4  }
0xaa: {  	[dreg:$0x4] =	wrdreg $0xC0  }
0xab: {  	_ =	task [dreg:s6], $0x5FFFF  }
0xac: {  	[dreg:$0x1] =	wrdreg $0xFFFFFFFF  }
0xad: {  	[dreg:$0x0] =	wrdreg $0x60  }
0xae: {  	[dreg:$0x2] =	wrdreg s24  }
0xaf: {  	[dreg:$0x3] =	wrdreg $0x90000  }
0xb0: {  	[dreg:$0x4] =	wrdreg $0x9  }
0xb1: {  	_ =	task.clear_ibuf [dreg:s6], $0x5FFFF;
	_ =	strace $0x90000052  }
0xb2: {  	s29 =	simm.s32 $0x9;
	_ =	strace $0x80000054  }
0xb3: {  	_ =	swait.ge [sflag:s29], $0x1  }
0xb4: {  	[sflag:s29] =	ssyncadd.s32 $0xFFFFFFFF  }
0xb5: {  	_ =	strace $0x90000054  }
0xb6: {  	_ =	sfence  }
0xb7: {  	s30 =	sld [smem:$0x0];
	_ =	sdelay $0x2  }
0xb8: {  	s31 =	sshll.u32 s1, $0xD;
	s1 =	sshrl.u32 s1, $0x2  }
0xb9: {  	s3 =	sand.u32 $0x4000, s31;
	s1 =	sadd.s32 s1, s30  }
0xba: {  	s0 =	sor.u32 s3, s0;
	s1 =	sshll.u32 s1, $0x11  }
0xbb: {  	s0 =	sor.u32 s1, s0  }
0xbc: {  	s0 =	sadd.s32 $0x8F2B, s0  }
0xbd: {  	[sflag:s0] =	ssyncadd.remote.s32 $0x1  }
0xbe: {  	_ =	sfence.sel $0xFFFF  }
0xbf: {  	[dreg:$0x0] =	wrdreg $0xFFFFFFFF;
	(pc) =	sbr.abs _section_cstart, $3  }
0xc0: {  	[dreg:$0x1] =	wrdreg $0xFFFFFFFF  }
0xc1: {  	_ =	task.clear_ibuf [dreg:s6], $0x2FFFF;
	_ =	strace $0x9FFFFFFF  }
0xc2: {  	(tm) =	ssettm $0x7FFFFFFF  }
0xc3: {  	_ =	shalt  }
tec
execute0_lowered:
.L_overlay_start_1:
0x0: {  	(tag) =	ssettag $0x1  }
0x1: {  	s1 =	srdreg.scid;
	s7 =	rddreg [dreg:$0x0]  }
0x2: {  	s0 =	stileid.u32;
	s2 =	rddreg [dreg:$0x1];
	s3 =	simm.s32 $0x0  }
0x3: {  	s17 =	simm.s32 $0x7D;
	s18 =	simm.s32 $0x5000;
	s4 =	smul.u32 $0x2800, s0  }
0x4: {  	s5 =	sand.u32 $0x1, s1;
	s1 =	rddreg [dreg:$0x2];
	s8 =	smul.u32 $0x13800, s0  }
0x5: {  	s19 =	simm.s32 $0x0;
	[smem:$0x7FF] =	sst s3;
	s12 =	smul.u32 $0x4E000, s0  }
0x6: {  	s14 =	sadd.s32 $0xDB400, s7;
	s29 =	sshll.u32 s0, $0x6;
	s16 =	sadd.s32 $0x138000, s2  }
0x7: {  	p0 =	sne.s32 s0, $0xF;
	s6 =	smul.u32 $0x28000, s5;
	_ =	strace $0x80000053  }
0x8: {  	s11 =	ssub.s32 $0x2, s5;
	s30 =	smul.u32 $0x138800, s5;
	s26 =	sshrl.u32 s8, $0x3  }
0x9: {  	s13 =	sshrl.u32 s11, $0x1;
	s28 =	sshrl.u32 s12, $0x2;
	s6 =	sadd.s32 s4, s6  }
0xa: {  	s4 =	sshrl.u32 s4, $0x3;
	s13 =	ssub.s32 s11, s13;
	s15 =	sadd.s32 s28, s2  }
0xb: {  	s31 =	sadd.s32 s8, s30;
	s12 =	sshrl.u32 s30, $0x3;
	s6 =	sshrl.u32 s6, $0x3  }
0xc: {  	s10 =	sadd.s32 s4, s7;
	s4 =	sadd.s32 $0x2F800, s7;
	s11 =	sshrl.u32 s31, $0x3  }
0xd: {  	s12 =	sadd.s32 s14, s12;
	s9 =	sadd.s32 s6, s7;
	s6 =	sadd.s32 s26, s7  }
0xe: {  	s7 =	sadd.s32 $0x2F600, s7;
	s5 =	sadd.s32 $0x8600, s6;
	s6 =	sor.u32 $0x1C01, s29  }
0xf: {  	s8 =	sadd.s32 $0x83200, s9;
	s9 =	sadd.s32 $0x7E200, s10;
	s10 =	sadd.s32 s14, s11  }
0x10: {  	s11 =	sadd.s32 $0x27000, s12;
	s12 =	smax.u32 s13, $0x1;
	s13 =	sshrl.u32 s15, $0x3  }
0x11: {  	s14 =	simm.s32 $0x1;
	s15 =	sshrl.u32 @!p0 s16, $0x3;
	s16 =	simm.s32 $0x2800  }
.LBB2_1:
0x12: {  	[spmem:s13], [sflag:s6] =	dma.local [hbm:s5], $0x2700  }
0x13: {  	_ =	swait.ge [sflag:s14], $0x2700  }
0x14: {  	[sflag:s14] =	ssyncset.done $0x0  }
0x15: {  	s20 =	simm.s32 @!p0 $0x1;
	[sflag:s14] =	ssyncadd.s32 $0xFFFFD900  }
0x16: {  	[spmem:s15], [sflag:s6] =	dma.local @!p0 [hbm:s7], $0x100  }
0x17: {  	_ =	swait.ge @!p0 [sflag:s20], $0x100  }
0x18: {  	[sflag:s20] =	ssyncset.done @!p0 $0x0  }
0x19: {  	[sflag:s20] =	ssyncadd.s32 @!p0 $0xFFFFFF00  }
0x1a: {  	[tilespmem:s3], [sflag:$0x1] =	stream.linear.gather [hbm4b:s8+s3], $0x2800, $0x38;
	[tilespmem:$0x1C880] =	vst v63  }
0x1b: {  	_ =	swait.ge [sflag:s14], $0x2800  }
0x1c: {  	[sflag:s14] =	ssyncset.done $0x0  }
0x1d: {  	[sflag:s14] =	ssyncadd.s32 $0xFFFFD800  }
0x1e: {  	[tilespmem:s16], [sflag:$0x1] =	stream.linear.gather [hbm4b:s9+s3], $0x2800, $0x38;
	[tilespmem:$0x1C880] =	vst v63  }
0x1f: {  	_ =	swait.ge [sflag:s14], $0x2800  }
0x20: {  	[sflag:s14] =	ssyncset.done $0x0  }
0x21: {  	[sflag:s14] =	ssyncadd.s32 $0xFFFFD800  }
0x22: {  	s30 =	simm.s32 $0x0;
	[bflag:$0x0] =	sbarrier.arrive $0xFFFF  }
0x23: {  	[tilespmem:s18], [sflag:$0x1] =	stream.indirect.gather [hbm4b:s4+s17], $0x80, s30, s17, $0xb8;
	[tilespmem:$0x1C880] =	vst v63  }
0x24: {  	_ =	swait.ge [sflag:s14], $0x3E80  }
0x25: {  	[sflag:s14] =	ssyncset.done $0x0  }
0x26: {  	s31 =	simm.s32 $0x2800;
	[sflag:s14] =	ssyncadd.s32 $0xFFFFC180  }
0x27: {  	[spmem:s2] =	stream.indirect.scatter.add.f32 [tilespmem:s18], [sflag:$0x1], $0x80, s31, s17, $0xb8;
	[tilespmem:$0x1C880] =	vst v63  }
0x28: {  	_ =	swait.ge [sflag:s14], $0x3E80  }
0x29: {  	s21 =	simm.s32 $0x400;
	s20 =	simm.s32 $0x200;
	[sflag:s14] =	ssyncset.done $0x0  }
.LBB2_2:
0x2a: {  	s22 =	sshra.s32 s20, $0x2  }
0x2b: {  	[sflag:s14] =	ssyncadd.s32 $0xFFFFC180;
	s20 =	smov.u32 s21;
	s23 =	sadd.s32 $0x200, s21  }
0x2c: {  	[tilespmem:s18], [sflag:$0x1] =	stream.indirect.gather [hbm4b:s4+s17], $0x80, s22, s17, $0xb8;
	[tilespmem:$0x1C880] =	vst v63  }
0x2d: {  	p1 =	sne.s32 s21, $0x9E00;
	_ =	swait.ge [sflag:s14], $0x3E80  }
.Ltmp0:
0x2e: {  	[sflag:s14] =	ssyncset.done $0x0;
	(pc) =	sbr.rel @p1 .LBB2_2-.Ltmp0, $4  }
0x2f: {  	s21 =	sadd.s32 $0x2800, s22;
	[sflag:s14] =	ssyncadd.s32 $0xFFFFC180  }
0x30: {  	[spmem:s2] =	stream.indirect.scatter.add.f32 [tilespmem:s18], [sflag:$0x1], $0x80, s21, s17, $0xb8;
	[tilespmem:$0x1C880] =	vst v63  }
0x31: {  	_ =	swait.ge [sflag:s14], $0x3E80  }
0x32: {  	s21 =	smov.u32 s23;
	[sflag:s14] =	ssyncset.done $0x0  }
0x33: {  	s20 =	sshra.s32 s20, $0x2;
	[sflag:s14] =	ssyncadd.s32 $0xFFFFC180  }
0x34: {  	[tilespmem:s18], [sflag:$0x1] =	stream.indirect.gather [hbm4b:s4+s17], $0x80, s20, s17, $0xb8;
	[tilespmem:$0x1C880] =	vst v63  }
0x35: {  	_ =	swait.ge [sflag:s14], $0x3E80  }
0x36: {  	[sflag:s14] =	ssyncset.done $0x0  }
0x37: {  	s20 =	sadd.s32 $0x2800, s20;
	[sflag:s14] =	ssyncadd.s32 $0xFFFFC180  }
0x38: {  	[spmem:s2] =	stream.indirect.scatter.add.f32 [tilespmem:s18], [sflag:$0x1], $0x80, s20, s17, $0xb8;
	[tilespmem:$0x1C880] =	vst v63  }
0x39: {  	_ =	swait.ge [sflag:s14], $0x3E80  }
0x3a: {  	[sflag:s14] =	ssyncset.done $0x0  }
0x3b: {  	[sflag:s14] =	ssyncadd.s32 $0xFFFFC180  }
0x3c: {  	[bflag:$0x0] =	sbarrier.arrive $0xFFFF  }
0x3d: {  	[hbm:s10], [sflag:s6] =	dma.local [spmem:s13], $0x2700  }
0x3e: {  	s19 =	sadd.s32 $0x1, s19;
	_ =	swait.ge [sflag:s14], $0x2700  }
0x3f: {  	p1 =	sne.s32 s19, s12;
	[sflag:s14] =	ssyncset.done $0x0  }
.Ltmp1:
0x40: {  	s20 =	simm.s32 @!p0 $0x1;
	[sflag:s14] =	ssyncadd.s32 $0xFFFFD900;
	(pc) =	sbr.rel @p1 .LBB2_1-.Ltmp1, $4  }
0x41: {  	[hbm:s11], [sflag:s6] =	dma.local @!p0 [spmem:s15], $0x100  }
0x42: {  	_ =	swait.ge @!p0 [sflag:s20], $0x100  }
0x43: {  	[sflag:s20] =	ssyncset.done @!p0 $0x0  }
0x44: {  	[sflag:s20] =	ssyncadd.s32 @!p0 $0xFFFFFF00  }
0x45: {  	_ =	sfence.sel $0x180000  }
0x46: {  	[bflag:$0x0] =	sbarrier.arrive $0xFFFF  }
0x47: {  	p0 =	sne.s32 s0, $0x0;
	_ =	strace $0x90000053  }
0x48: {  	s0 =	sadd.s32 @!p0 $0x100000, s1;
	[bflag:$0x2] =	sbarrier.arrive $0xFFFF  }
0x49: {  	[sflag:s0] =	ssyncadd.tile.s32 @!p0 $0x1;
	_ =	shalt  }
.Lfunc_end2:
_tile_overlayer_lowered:
.L_overlay_start_2:
0x4a: {  	(tag) =	ssettag $0x2  }
0x4b: {  	s0 =	rddreg [dreg:$0x0];
	s2 =	stileid.u32  }
0x4c: {  	s1 =	rddreg [dreg:$0x1];
	p0 =	sne.s32 s2, $0x0  }
0x4d: {  	s3 =	rddreg [dreg:$0x2];
	[bflag:$0x3] =	sbarrier.arrive $0xFFFF;
	s2 =	simm.s32 @!p0 $0x1C01  }
0x4e: {  	[timem:s3], [sflag:s2] =	dma.local @!p0 [hbm:s0], s1  }
0x4f: {  	s0 =	simm.s32 @!p0 $0x1  }
0x50: {  	_ =	swait.ge @!p0 [sflag:s0], s1  }
0x51: {  	s1 =	ssub.s32 @!p0 $0x0, s1;
	[sflag:s0] =	ssyncset.done @!p0 $0x0  }
0x52: {  	[sflag:s0] =	ssyncadd.s32 @!p0 s1  }
0x53: {  	[bflag:$0x3] =	sbarrier.arrive $0xFFFF  }
0x54: {  	_ =	shalt  }

</sc_bundles>
